<compile_context>
chip_gen: v7x
topology: tpu7x:2x2x1
jax: 0.10.2.dev20260603
libtpu: 0.0.44.dev20260713+nightly
codegen_flags: <defaults>
</compile_context>

<pallas_src>
import math
import functools
import jax
import jax.numpy as jnp
from jax import lax
from jax.experimental import pallas as pl
from jax.experimental.pallas import tpu as pltpu
from jax.experimental.pallas import tpu_sc as plsc

_EDGE_DIM = 128
_NUM_HEAD = 8
_OUT_FEAT = 16
_CLASS_NUM = 6
_PI = 3.1415926


def _table_mlp_kernel(tbl_ref, wain_ref, bain_ref, wa2_ref, ba2_ref,
                      wa1_ref, ba1_ref, out_ref):
    ae = tbl_ref[...]
    ae = jnp.maximum(
        jnp.dot(ae, wain_ref[...].T, preferred_element_type=jnp.float32)
        + bain_ref[...], 0.0)
    ae = jnp.maximum(
        jnp.dot(ae, wa2_ref[...].T, preferred_element_type=jnp.float32)
        + ba2_ref[...], 0.0)
    ae = jnp.maximum(
        jnp.dot(ae, wa1_ref[...].T, preferred_element_type=jnp.float32)
        + ba1_ref[...], 0.0)
    out_ref[...] = ae


def _proj_kernel(bond_ref, ba_ref, wk_ref, wq_ref, wv_ref, wdis_ref,
                 kvd_ref, q_ref, dd_ref):
    x = bond_ref[...]
    k = jnp.dot(x, wk_ref[...].T, preferred_element_type=jnp.float32)
    v = jnp.dot(x, wv_ref[...].T, preferred_element_type=jnp.float32)
    q_ref[...] = jnp.dot(x, wq_ref[...].T, preferred_element_type=jnp.float32)
    dd_ref[...] = ba_ref[...] * wdis_ref[...].reshape(1, _NUM_HEAD)
    kvd_ref[...] = jnp.concatenate([k, v], axis=-1)


def _sc_gather(table, idx, width, chunk, nbuf):
    n = idx.shape[0]
    info = plsc.get_sparse_core_info()
    nw = info.num_cores * info.num_subcores
    b_per_w = n // nw
    n_outer = b_per_w // (chunk * nbuf)

    @functools.partial(
        pl.kernel,
        mesh=plsc.VectorSubcoreMesh(core_axis_name="c", subcore_axis_name="s"),
        out_type=jax.ShapeDtypeStruct((n, width), jnp.float32),
        scratch_types=[
            pltpu.VMEM((chunk * nbuf,), jnp.int32),
            [pltpu.VMEM((chunk, width), jnp.float32)] * nbuf,
            [pltpu.SemaphoreType.DMA] * nbuf,
        ],
    )
    def k(table_hbm, idx_hbm, out_hbm, idx_v, bufs, sems):
        wid = lax.axis_index("s") * info.num_cores + lax.axis_index("c")
        base = wid * b_per_w

        @pl.loop(0, n_outer)
        def _(g):
            off = base + g * (chunk * nbuf)
            pltpu.sync_copy(idx_hbm.at[pl.ds(off, chunk * nbuf)], idx_v)
            cps = [
                pltpu.async_copy(
                    table_hbm.at[idx_v.at[pl.ds(b * chunk, chunk)]],
                    bufs[b], sems[b])
                for b in range(nbuf)
            ]
            for b in range(nbuf):
                cps[b].wait()
                pltpu.sync_copy(bufs[b],
                                out_hbm.at[pl.ds(off + b * chunk, chunk)])

    return k(table, idx)


def _trip1_kernel(pi_ref, pj_ref, pk_ref, kvdg_ref, qg_ref, ddg_ref,
                  tbl_ref, blk_ref, att_ref, vpre_ref):
    pji = pj_ref[...] - pi_ref[...]
    pki = pk_ref[...] - pi_ref[...]
    jx, jy, jz = pji[:, 0:1], pji[:, 1:2], pji[:, 2:3]
    kx, ky, kz = pki[:, 0:1], pki[:, 1:2], pki[:, 2:3]
    a = jx * kx + jy * ky + jz * kz
    cx = jy * kz - jz * ky
    cy = jz * kx - jx * kz
    cz = jx * ky - jy * kx
    b = jnp.sqrt(cx * cx + cy * cy + cz * cz)
    cls = jnp.zeros_like(a)
    for m in range(1, _CLASS_NUM):
        th = m * (_PI / _CLASS_NUM)
        cls = cls + jnp.where(b * math.cos(th) - a * math.sin(th) >= 0.0,
                              1.0, 0.0)
    onehot = jnp.where(
        cls.astype(jnp.int32)
        == jax.lax.broadcasted_iota(jnp.int32, (1, 8), 1), 1.0, 0.0)
    ae = jnp.dot(onehot, tbl_ref[...], preferred_element_type=jnp.float32)
    kvdg = kvdg_ref[...]
    kg = kvdg[:, :_EDGE_DIM]
    vg = kvdg[:, _EDGE_DIM:]
    dd = ddg_ref[...]
    fk = kg + ae
    fq = qg_ref[...] + ae
    feat = fk * fq
    att = jnp.dot(feat, blk_ref[...],
                  preferred_element_type=jnp.float32) * 0.25 + dd
    att_ref[...] = jnp.exp(att)
    vpre_ref[...] = vg + ae


def _trip2_kernel(att_ref, rec_ref, vpre_ref, blk_ref, out_ref):
    w = att_ref[...] / rec_ref[...]
    w128 = jnp.dot(w, blk_ref[...].T, preferred_element_type=jnp.float32)
    out_ref[...] = vpre_ref[...] * w128


def _ffn_kernel(he_ref, g_ref, b_ref, w1_ref, w2_ref, out_ref):
    he = he_ref[...]
    mu = jnp.mean(he, axis=-1, keepdims=True)
    var = jnp.mean((he - mu) ** 2, axis=-1, keepdims=True)
    h = (he - mu) / jnp.sqrt(var + 1e-5) * g_ref[...] + b_ref[...]
    h = jnp.maximum(
        jnp.dot(h, w1_ref[...].T, preferred_element_type=jnp.float32), 0.0)
    h = jnp.dot(h, w2_ref[...].T, preferred_element_type=jnp.float32)
    h = h + he
    mu = jnp.mean(h, axis=-1, keepdims=True)
    var = jnp.mean((h - mu) ** 2, axis=-1, keepdims=True)
    out_ref[...] = (h - mu) / jnp.sqrt(var + 1e-5)


def kernel(bond_embedding, node_coordinate, basic_attn, index_kj, index_ji,
           idx_i, idx_j, idx_k, angle_table, W_ain, b_ain, W_a1, b_a1,
           W_a2, b_a2, Wk, Wq, Wv, W_dis, W_ff1, W_ff2, g_ln, b_ln):
    E, D = bond_embedding.shape
    T = index_kj.shape[0]
    H = _NUM_HEAD
    KVDW = 2 * D

    tbl8 = jnp.zeros((8, D), jnp.float32).at[:_CLASS_NUM].set(angle_table)
    table_mlp = pl.pallas_call(
        _table_mlp_kernel,
        out_shape=jax.ShapeDtypeStruct((8, D), jnp.float32),
    )(tbl8, W_ain, b_ain.reshape(1, D), W_a2, b_a2.reshape(1, D),
      W_a1, b_a1.reshape(1, D))

    RB = 1600
    ge = E // RB
    KVD, Q, dval = pl.pallas_call(
        _proj_kernel,
        grid=(ge,),
        in_specs=[
            pl.BlockSpec((RB, D), lambda i: (i, 0)),
            pl.BlockSpec((RB, 1), lambda i: (i, 0)),
            pl.BlockSpec((D, D), lambda i: (0, 0)),
            pl.BlockSpec((D, D), lambda i: (0, 0)),
            pl.BlockSpec((D, D), lambda i: (0, 0)),
            pl.BlockSpec((H, 1), lambda i: (0, 0)),
        ],
        out_specs=[
            pl.BlockSpec((RB, KVDW), lambda i: (i, 0)),
            pl.BlockSpec((RB, D), lambda i: (i, 0)),
            pl.BlockSpec((RB, H), lambda i: (i, 0)),
        ],
        out_shape=[
            jax.ShapeDtypeStruct((E, KVDW), jnp.float32),
            jax.ShapeDtypeStruct((E, D), jnp.float32),
            jax.ShapeDtypeStruct((E, H), jnp.float32),
        ],
    )(bond_embedding, basic_attn, Wk, Wq, Wv, W_dis)

    kvd_g = _sc_gather(KVD, index_kj, KVDW, 80, 5)
    q_g = _sc_gather(Q, index_ji, D, 80, 5)
    ddg = dval[index_kj]

    coords8 = jnp.zeros((node_coordinate.shape[0], 8), jnp.float32)
    coords8 = coords8.at[:, :3].set(node_coordinate)
    pos_i = coords8[idx_i]
    pos_j = coords8[idx_j]
    pos_k = coords8[idx_k]

    blkdiag = jnp.where(
        (jax.lax.broadcasted_iota(jnp.int32, (D, H), 0) // _OUT_FEAT)
        == jax.lax.broadcasted_iota(jnp.int32, (D, H), 1),
        1.0, 0.0).astype(jnp.float32)

    SB = 1600
    gt = T // SB
    att_decay, v_pre = pl.pallas_call(
        _trip1_kernel,
        grid=(gt,),
        in_specs=[
            pl.BlockSpec((SB, 8), lambda i: (i, 0)),
            pl.BlockSpec((SB, 8), lambda i: (i, 0)),
            pl.BlockSpec((SB, 8), lambda i: (i, 0)),
            pl.BlockSpec((SB, KVDW), lambda i: (i, 0)),
            pl.BlockSpec((SB, D), lambda i: (i, 0)),
            pl.BlockSpec((SB, H), lambda i: (i, 0)),
            pl.BlockSpec((8, D), lambda i: (0, 0)),
            pl.BlockSpec((D, H), lambda i: (0, 0)),
        ],
        out_specs=[
            pl.BlockSpec((SB, H), lambda i: (i, 0)),
            pl.BlockSpec((SB, D), lambda i: (i, 0)),
        ],
        out_shape=[
            jax.ShapeDtypeStruct((T, H), jnp.float32),
            jax.ShapeDtypeStruct((T, D), jnp.float32),
        ],
    )(pos_i, pos_j, pos_k, kvd_g, q_g, ddg, table_mlp, blkdiag)

    att_all = jnp.zeros((E, H), jnp.float32).at[index_ji].add(att_decay)
    att_all_g = att_all[index_ji]

    v_att = pl.pallas_call(
        _trip2_kernel,
        grid=(gt,),
        in_specs=[
            pl.BlockSpec((SB, H), lambda i: (i, 0)),
            pl.BlockSpec((SB, H), lambda i: (i, 0)),
            pl.BlockSpec((SB, D), lambda i: (i, 0)),
            pl.BlockSpec((D, H), lambda i: (0, 0)),
        ],
        out_specs=pl.BlockSpec((SB, D), lambda i: (i, 0)),
        out_shape=jax.ShapeDtypeStruct((T, D), jnp.float32),
    )(att_decay, att_all_g, v_pre, blkdiag)

    he = bond_embedding.at[index_ji].add(v_att)

    out = pl.pallas_call(
        _ffn_kernel,
        grid=(ge,),
        in_specs=[
            pl.BlockSpec((RB, D), lambda i: (i, 0)),
            pl.BlockSpec((1, D), lambda i: (0, 0)),
            pl.BlockSpec((1, D), lambda i: (0, 0)),
            pl.BlockSpec((2 * D, D), lambda i: (0, 0)),
            pl.BlockSpec((D, 2 * D), lambda i: (0, 0)),
        ],
        out_specs=pl.BlockSpec((RB, D), lambda i: (i, 0)),
        out_shape=jax.ShapeDtypeStruct((E, D), jnp.float32),
    )(he, g_ln.reshape(1, D), b_ln.reshape(1, D), W_ff1, W_ff2)
    return out

# --- scband reference (transcript-rebuilt; emitter-appended) ---
"""Pipeline reference for scband-bond2-bond-layer-41532333752516 (READ-ONLY COPY).

The authoritative reference and input builder live on the scoring server;
editing this copy changes nothing except your own understanding.
"""

import jax, jax.numpy as jnp
import numpy as np

N_NODES = 10000
N_EDGES = 160000
N_TRI = 320000
EDGE_DIM = 128
NUM_HEAD = 8
OUT_FEAT = EDGE_DIM // NUM_HEAD
CLASS_NUM = 6
D_FF = 2 * EDGE_DIM


def _layernorm(x, g, b, eps=1e-5):
    mu = jnp.mean(x, axis=-1, keepdims=True)
    var = jnp.mean((x - mu) ** 2, axis=-1, keepdims=True)
    return (x - mu) / jnp.sqrt(var + eps) * g + b


def setup_inputs(seed: int = 0) -> dict:
    key = jax.random.key(seed)
    def nk(i):
        return jax.random.fold_in(key, i)
    s = 0.05
    inp = {}
    inp['bond_embedding'] = jax.random.normal(nk(0), (N_EDGES, EDGE_DIM), jnp.float32)
    inp['node_coordinate'] = jax.random.normal(nk(1), (N_NODES, 3), jnp.float32)
    inp['basic_attn'] = jax.random.uniform(nk(2), (N_EDGES, 1), jnp.float32)
    inp['index_kj'] = jax.random.randint(nk(3), (N_TRI,), 0, N_EDGES)
    inp['index_ji'] = jax.random.randint(nk(4), (N_TRI,), 0, N_EDGES)
    inp['idx_i'] = jax.random.randint(nk(5), (N_TRI,), 0, N_NODES)
    inp['idx_j'] = jax.random.randint(nk(6), (N_TRI,), 0, N_NODES)
    inp['idx_k'] = jax.random.randint(nk(7), (N_TRI,), 0, N_NODES)
    inp['angle_table'] = jax.random.normal(nk(8), (CLASS_NUM, EDGE_DIM), jnp.float32) * s
    inp['W_ain'] = jax.random.normal(nk(9), (EDGE_DIM, EDGE_DIM), jnp.float32) * s
    inp['b_ain'] = jnp.zeros((EDGE_DIM,), jnp.float32)
    inp['W_a1'] = jax.random.normal(nk(10), (EDGE_DIM, EDGE_DIM), jnp.float32) * s
    inp['b_a1'] = jnp.zeros((EDGE_DIM,), jnp.float32)
    inp['W_a2'] = jax.random.normal(nk(11), (EDGE_DIM, EDGE_DIM), jnp.float32) * s
    inp['b_a2'] = jnp.zeros((EDGE_DIM,), jnp.float32)
    inp['Wk'] = jax.random.normal(nk(12), (EDGE_DIM, EDGE_DIM), jnp.float32) * s
    inp['Wq'] = jax.random.normal(nk(13), (EDGE_DIM, EDGE_DIM), jnp.float32) * s
    inp['Wv'] = jax.random.normal(nk(14), (EDGE_DIM, EDGE_DIM), jnp.float32) * s
    inp['W_dis'] = jax.random.normal(nk(15), (NUM_HEAD, 1), jnp.float32) * s
    inp['W_ff1'] = jax.random.normal(nk(16), (D_FF, EDGE_DIM), jnp.float32) * s
    inp['W_ff2'] = jax.random.normal(nk(17), (EDGE_DIM, D_FF), jnp.float32) * s
    inp['g_ln'] = jnp.ones((EDGE_DIM,), jnp.float32)
    inp['b_ln'] = jnp.zeros((EDGE_DIM,), jnp.float32)
    return inp


def reference(bond_embedding, node_coordinate, basic_attn, index_kj, index_ji,
              idx_i, idx_j, idx_k, angle_table, W_ain, b_ain, W_a1, b_a1,
              W_a2, b_a2, Wk, Wq, Wv, W_dis, W_ff1, W_ff2, g_ln, b_ln):
    # angle computation from 3D coordinates of triplets (k, j, i)
    pos_i = node_coordinate[idx_i]
    pos_ji = node_coordinate[idx_j] - pos_i
    pos_ki = node_coordinate[idx_k] - pos_i
    a = jnp.sum(pos_ji * pos_ki, axis=-1)
    b = jnp.linalg.norm(jnp.cross(pos_ji, pos_ki), axis=-1)
    angle = jnp.arctan2(b, a)
    # Angle2embedding: bucketize angle and embed
    cls = (angle / (3.1415926 / CLASS_NUM)).astype(jnp.int32)
    ae = jnp.take(angle_table, cls, axis=0)
    ae = jax.nn.relu(ae @ W_ain.T + b_ain)
    # angle1(angle2(x)) -- both DenseLayer with ReLU
    ae = jax.nn.relu(ae @ W_a2.T + b_a2)
    ae = jax.nn.relu(ae @ W_a1.T + b_a1)
    ae = ae.reshape(-1, NUM_HEAD, OUT_FEAT)
    # distance decay
    dd = basic_attn[index_kj][:, None, :]            # [T, 1, 1]
    dd = dd @ W_dis.T                                 # [T, 1, H]
    dd = jnp.transpose(dd, (0, 2, 1))                 # [T, H, 1]
    # multi-head K/Q/V gathered onto triplets
    feat_kj = (bond_embedding @ Wk.T).reshape(-1, NUM_HEAD, OUT_FEAT)[index_kj]
    feat_ji = (bond_embedding @ Wq.T).reshape(-1, NUM_HEAD, OUT_FEAT)[index_ji]
    feat_kj_v = (bond_embedding @ Wv.T).reshape(-1, NUM_HEAD, OUT_FEAT)[index_kj] + ae
    feat = (feat_kj + ae) * (feat_ji + ae)
    att = jnp.sum(feat, axis=-1, keepdims=True)
    att = att / jnp.sqrt(jnp.asarray(OUT_FEAT, jnp.float32))
    att_decay = jnp.exp(att + dd)
    # segment softmax normalization via scatter-add over dst bonds
    att_all = jnp.zeros((bond_embedding.shape[0], NUM_HEAD, 1), jnp.float32).at[index_ji].add(att_decay)
    att_decay = att_decay / att_all[index_ji]
    v_att = (feat_kj_v * att_decay).reshape(-1, EDGE_DIM)
    v_clone = bond_embedding.at[index_ji].add(v_att) - bond_embedding
    he = v_clone + bond_embedding  # beta=False branch
    # PoswiseFeedForwardNet
    residual = he
    h = _layernorm(he, g_ln, b_ln)
    h = jax.nn.relu(h @ W_ff1.T) @ W_ff2.T
    out = _layernorm(h + residual, jnp.ones((EDGE_DIM,), jnp.float32), jnp.zeros((EDGE_DIM,), jnp.float32))
    return out


if False:  # reference __main__ guard neutralized (emitter)
    o = reference(**setup_inputs())
    print(o.shape, o.dtype)

if __name__ == "__main__":
    import jax
    _d = setup_inputs()
    print(jax.jit(kernel)(*tuple(_d.values())))

</pallas_src>

<mosaic_0001>
#map = affine_map<(d0, d1) -> (0, 0)>
#map1 = affine_map<(d0, d1) -> (0)>
module attributes {stable_mosaic.version = 14 : i64} {
  func.func @k(%arg0: i32, %arg1: i32, %arg2: memref<160000x256xf32, #tpu.memory_space<hbm>>, %arg3: memref<320000xi32, #tpu.memory_space<hbm>>, %arg4: memref<320000x256xf32, #tpu.memory_space<hbm>>, %arg5: memref<400xi32, #tpu.memory_space<vmem>>, %arg6: memref<80x256xf32, #tpu.memory_space<vmem>>, %arg7: memref<80x256xf32, #tpu.memory_space<vmem>>, %arg8: memref<80x256xf32, #tpu.memory_space<vmem>>, %arg9: memref<80x256xf32, #tpu.memory_space<vmem>>, %arg10: memref<80x256xf32, #tpu.memory_space<vmem>>, %arg11: memref<!tpu.dma_semaphore, #tpu.memory_space<semaphore_mem>>, %arg12: memref<!tpu.dma_semaphore, #tpu.memory_space<semaphore_mem>>, %arg13: memref<!tpu.dma_semaphore, #tpu.memory_space<semaphore_mem>>, %arg14: memref<!tpu.dma_semaphore, #tpu.memory_space<semaphore_mem>>, %arg15: memref<!tpu.dma_semaphore, #tpu.memory_space<semaphore_mem>>) attributes {dimension_semantics = [#tpu.dimension_semantics<core_parallel>, #tpu.dimension_semantics<subcore_parallel>], iteration_bounds = array<i64: 2, 16>, scalar_prefetch = 0 : i64, scratch_operands = 11 : i64, tpu.core_type = #tpu.core_type<sc_vector_subcore>, window_params = [{transform_indices = #map}, {transform_indices = #map1}, {transform_indices = #map}]} {
    %mul3A = arith.constant 2 : i32
    %mul3A_0 = arith.muli %arg1, %mul3A : i32
    %add3A = arith.addi %mul3A_0, %arg0 : i32
    %mul3A_1 = arith.constant 10000 : i32
    %mul3A_2 = arith.muli %add3A, %mul3A_1 : i32
    %scan3A = arith.constant 0 : i32
    %scan3A_3 = arith.constant 25 : i32
    %scan3A_4 = arith.addi %scan3A, %scan3A_3 : i32
    %scan3A_5 = arith.constant 1 : i32
    scf.for %scan3A_7 = %scan3A to %scan3A_4 step %scan3A_5  : i32 {
      %mul3A_8 = arith.constant 1 : i32
      %mul3A_9 = arith.muli %scan3A_7, %mul3A_8 : i32
      %add3A_10 = arith.constant 0 : i32
      %add3A_11 = arith.addi %add3A_10, %mul3A_9 : i32
      %mul3A_12 = arith.constant 400 : i32
      %mul3A_13 = arith.muli %add3A_11, %mul3A_12 : i32
      %add3A_14 = arith.addi %mul3A_2, %mul3A_13 : i32
      "tpu.region"() ({
        %run_scoped3A = tpu.sem_alloc : memref<!tpu.dma_semaphore, #tpu.memory_space<semaphore_mem>>
        %dma_start3A_73 = tpu.memref_slice %arg3[%add3A_14] : memref<320000xi32, #tpu.memory_space<hbm>> -> memref<400xi32, #tpu.memory_space<hbm>>
        %dma_start3A_74 = tpu.memref_slice %arg3[%add3A_14] : memref<320000xi32, #tpu.memory_space<hbm>> -> memref<400xi32, #tpu.memory_space<hbm>>
        tpu.enqueue_dma source(%dma_start3A_74 : memref<400xi32, #tpu.memory_space<hbm>>) target(%arg5 : memref<400xi32, #tpu.memory_space<vmem>>) target_semaphore(%run_scoped3A : memref<!tpu.dma_semaphore, #tpu.memory_space<semaphore_mem>>)
        %dma_wait3A_75 = tpu.memref_slice %arg3[%add3A_14] : memref<320000xi32, #tpu.memory_space<hbm>> -> memref<400xi32, #tpu.memory_space<hbm>>
        %dma_wait3A_76 = tpu.memref_slice %arg3[%add3A_14] : memref<320000xi32, #tpu.memory_space<hbm>> -> memref<400xi32, #tpu.memory_space<hbm>>
        tpu.wait_dma2 semaphore(%run_scoped3A : memref<!tpu.dma_semaphore, #tpu.memory_space<semaphore_mem>>) src(%dma_wait3A_76 : memref<400xi32, #tpu.memory_space<hbm>>) dst(%arg5 : memref<400xi32, #tpu.memory_space<vmem>>)
        tpu.yield
      }) : () -> ()
      %dma_start3A = arith.constant 0 : i32
      %dma_start3A_15 = tpu.memref_slice %arg5[%dma_start3A] : memref<400xi32, #tpu.memory_space<vmem>> -> memref<80xi32, #tpu.memory_space<vmem>>
      %dma_start3A_16 = arith.constant 0 : i32
      %dma_start3A_17 = arith.constant 0 : i32
      %dma_start3A_18 = tpu.memref_slice %arg2[%dma_start3A_16, %dma_start3A_17] : memref<160000x256xf32, #tpu.memory_space<hbm>> -> memref<160000x256xf32, #tpu.memory_space<hbm>>
      tpu.enqueue_indirect_dma source(%dma_start3A_18 : memref<160000x256xf32, #tpu.memory_space<hbm>>) target(%arg6 : memref<80x256xf32, #tpu.memory_space<vmem>>) offsets(%dma_start3A_15 : memref<80xi32, #tpu.memory_space<vmem>>) semaphore(%arg11 : memref<!tpu.dma_semaphore, #tpu.memory_space<semaphore_mem>>)
      %dma_start3A_19 = arith.constant 80 : i32
      %dma_start3A_20 = tpu.memref_slice %arg5[%dma_start3A_19] : memref<400xi32, #tpu.memory_space<vmem>> -> memref<80xi32, #tpu.memory_space<vmem>>
      %dma_start3A_21 = arith.constant 0 : i32
      %dma_start3A_22 = arith.constant 0 : i32
      %dma_start3A_23 = tpu.memref_slice %arg2[%dma_start3A_21, %dma_start3A_22] : memref<160000x256xf32, #tpu.memory_space<hbm>> -> memref<160000x256xf32, #tpu.memory_space<hbm>>
      tpu.enqueue_indirect_dma source(%dma_start3A_23 : memref<160000x256xf32, #tpu.memory_space<hbm>>) target(%arg7 : memref<80x256xf32, #tpu.memory_space<vmem>>) offsets(%dma_start3A_20 : memref<80xi32, #tpu.memory_space<vmem>>) semaphore(%arg12 : memref<!tpu.dma_semaphore, #tpu.memory_space<semaphore_mem>>)
      %dma_start3A_24 = arith.constant 160 : i32
      %dma_start3A_25 = tpu.memref_slice %arg5[%dma_start3A_24] : memref<400xi32, #tpu.memory_space<vmem>> -> memref<80xi32, #tpu.memory_space<vmem>>
      %dma_start3A_26 = arith.constant 0 : i32
      %dma_start3A_27 = arith.constant 0 : i32
      %dma_start3A_28 = tpu.memref_slice %arg2[%dma_start3A_26, %dma_start3A_27] : memref<160000x256xf32, #tpu.memory_space<hbm>> -> memref<160000x256xf32, #tpu.memory_space<hbm>>
      tpu.enqueue_indirect_dma source(%dma_start3A_28 : memref<160000x256xf32, #tpu.memory_space<hbm>>) target(%arg8 : memref<80x256xf32, #tpu.memory_space<vmem>>) offsets(%dma_start3A_25 : memref<80xi32, #tpu.memory_space<vmem>>) semaphore(%arg13 : memref<!tpu.dma_semaphore, #tpu.memory_space<semaphore_mem>>)
      %dma_start3A_29 = arith.constant 240 : i32
      %dma_start3A_30 = tpu.memref_slice %arg5[%dma_start3A_29] : memref<400xi32, #tpu.memory_space<vmem>> -> memref<80xi32, #tpu.memory_space<vmem>>
      %dma_start3A_31 = arith.constant 0 : i32
      %dma_start3A_32 = arith.constant 0 : i32
      %dma_start3A_33 = tpu.memref_slice %arg2[%dma_start3A_31, %dma_start3A_32] : memref<160000x256xf32, #tpu.memory_space<hbm>> -> memref<160000x256xf32, #tpu.memory_space<hbm>>
      tpu.enqueue_indirect_dma source(%dma_start3A_33 : memref<160000x256xf32, #tpu.memory_space<hbm>>) target(%arg9 : memref<80x256xf32, #tpu.memory_space<vmem>>) offsets(%dma_start3A_30 : memref<80xi32, #tpu.memory_space<vmem>>) semaphore(%arg14 : memref<!tpu.dma_semaphore, #tpu.memory_space<semaphore_mem>>)
      %dma_start3A_34 = arith.constant 320 : i32
      %dma_start3A_35 = tpu.memref_slice %arg5[%dma_start3A_34] : memref<400xi32, #tpu.memory_space<vmem>> -> memref<80xi32, #tpu.memory_space<vmem>>
      %dma_start3A_36 = arith.constant 0 : i32
      %dma_start3A_37 = arith.constant 0 : i32
      %dma_start3A_38 = tpu.memref_slice %arg2[%dma_start3A_36, %dma_start3A_37] : memref<160000x256xf32, #tpu.memory_space<hbm>> -> memref<160000x256xf32, #tpu.memory_space<hbm>>
      tpu.enqueue_indirect_dma source(%dma_start3A_38 : memref<160000x256xf32, #tpu.memory_space<hbm>>) target(%arg10 : memref<80x256xf32, #tpu.memory_space<vmem>>) offsets(%dma_start3A_35 : memref<80xi32, #tpu.memory_space<vmem>>) semaphore(%arg15 : memref<!tpu.dma_semaphore, #tpu.memory_space<semaphore_mem>>)
      %dma_wait3A = arith.constant 0 : i32
      %dma_wait3A_39 = tpu.memref_slice %arg5[%dma_wait3A] : memref<400xi32, #tpu.memory_space<vmem>> -> memref<80xi32, #tpu.memory_space<vmem>>
      %dma_wait3A_40 = arith.constant 0 : i32
      %dma_wait3A_41 = arith.constant 0 : i32
      %dma_wait3A_42 = tpu.memref_slice %arg2[%dma_wait3A_40, %dma_wait3A_41] : memref<160000x256xf32, #tpu.memory_space<hbm>> -> memref<160000x256xf32, #tpu.memory_space<hbm>>
      tpu.wait_indirect_dma semaphore(%arg11 : memref<!tpu.dma_semaphore, #tpu.memory_space<semaphore_mem>>) src(%dma_wait3A_42 : memref<160000x256xf32, #tpu.memory_space<hbm>>) dst(%arg6 : memref<80x256xf32, #tpu.memory_space<vmem>>)
      %add3A_43 = arith.constant 0 : i32
      %add3A_44 = arith.addi %add3A_14, %add3A_43 : i32
      "tpu.region"() ({
        %run_scoped3A = tpu.sem_alloc : memref<!tpu.dma_semaphore, #tpu.memory_space<semaphore_mem>>
        %dma_start3A_73 = arith.constant 0 : i32
        %dma_start3A_74 = tpu.memref_slice %arg4[%add3A_44, %dma_start3A_73] : memref<320000x256xf32, #tpu.memory_space<hbm>> -> memref<80x256xf32, #tpu.memory_space<hbm>>
        %dma_start3A_75 = arith.constant 0 : i32
        %dma_start3A_76 = tpu.memref_slice %arg4[%add3A_44, %dma_start3A_75] : memref<320000x256xf32, #tpu.memory_space<hbm>> -> memref<80x256xf32, #tpu.memory_space<hbm>>
        tpu.enqueue_dma source(%arg6 : memref<80x256xf32, #tpu.memory_space<vmem>>) target(%dma_start3A_76 : memref<80x256xf32, #tpu.memory_space<hbm>>) target_semaphore(%run_scoped3A : memref<!tpu.dma_semaphore, #tpu.memory_space<semaphore_mem>>)
        %dma_wait3A_77 = arith.constant 0 : i32
        %dma_wait3A_78 = tpu.memref_slice %arg4[%add3A_44, %dma_wait3A_77] : memref<320000x256xf32, #tpu.memory_space<hbm>> -> memref<80x256xf32, #tpu.memory_space<hbm>>
        %dma_wait3A_79 = arith.constant 0 : i32
        %dma_wait3A_80 = tpu.memref_slice %arg4[%add3A_44, %dma_wait3A_79] : memref<320000x256xf32, #tpu.memory_space<hbm>> -> memref<80x256xf32, #tpu.memory_space<hbm>>
        tpu.wait_dma2 semaphore(%run_scoped3A : memref<!tpu.dma_semaphore, #tpu.memory_space<semaphore_mem>>) src(%arg6 : memref<80x256xf32, #tpu.memory_space<vmem>>) dst(%dma_wait3A_80 : memref<80x256xf32, #tpu.memory_space<hbm>>)
        tpu.yield
      }) : () -> ()
      %dma_wait3A_45 = arith.constant 80 : i32
      %dma_wait3A_46 = tpu.memref_slice %arg5[%dma_wait3A_45] : memref<400xi32, #tpu.memory_space<vmem>> -> memref<80xi32, #tpu.memory_space<vmem>>
      %dma_wait3A_47 = arith.constant 0 : i32
      %dma_wait3A_48 = arith.constant 0 : i32
      %dma_wait3A_49 = tpu.memref_slice %arg2[%dma_wait3A_47, %dma_wait3A_48] : memref<160000x256xf32, #tpu.memory_space<hbm>> -> memref<160000x256xf32, #tpu.memory_space<hbm>>
      tpu.wait_indirect_dma semaphore(%arg12 : memref<!tpu.dma_semaphore, #tpu.memory_space<semaphore_mem>>) src(%dma_wait3A_49 : memref<160000x256xf32, #tpu.memory_space<hbm>>) dst(%arg7 : memref<80x256xf32, #tpu.memory_space<vmem>>)
      %add3A_50 = arith.constant 80 : i32
      %add3A_51 = arith.addi %add3A_14, %add3A_50 : i32
      "tpu.region"() ({
        %run_scoped3A = tpu.sem_alloc : memref<!tpu.dma_semaphore, #tpu.memory_space<semaphore_mem>>
        %dma_start3A_73 = arith.constant 0 : i32
        %dma_start3A_74 = tpu.memref_slice %arg4[%add3A_51, %dma_start3A_73] : memref<320000x256xf32, #tpu.memory_space<hbm>> -> memref<80x256xf32, #tpu.memory_space<hbm>>
        %dma_start3A_75 = arith.constant 0 : i32
        %dma_start3A_76 = tpu.memref_slice %arg4[%add3A_51, %dma_start3A_75] : memref<320000x256xf32, #tpu.memory_space<hbm>> -> memref<80x256xf32, #tpu.memory_space<hbm>>
        tpu.enqueue_dma source(%arg7 : memref<80x256xf32, #tpu.memory_space<vmem>>) target(%dma_start3A_76 : memref<80x256xf32, #tpu.memory_space<hbm>>) target_semaphore(%run_scoped3A : memref<!tpu.dma_semaphore, #tpu.memory_space<semaphore_mem>>)
        %dma_wait3A_77 = arith.constant 0 : i32
        %dma_wait3A_78 = tpu.memref_slice %arg4[%add3A_51, %dma_wait3A_77] : memref<320000x256xf32, #tpu.memory_space<hbm>> -> memref<80x256xf32, #tpu.memory_space<hbm>>
        %dma_wait3A_79 = arith.constant 0 : i32
        %dma_wait3A_80 = tpu.memref_slice %arg4[%add3A_51, %dma_wait3A_79] : memref<320000x256xf32, #tpu.memory_space<hbm>> -> memref<80x256xf32, #tpu.memory_space<hbm>>
        tpu.wait_dma2 semaphore(%run_scoped3A : memref<!tpu.dma_semaphore, #tpu.memory_space<semaphore_mem>>) src(%arg7 : memref<80x256xf32, #tpu.memory_space<vmem>>) dst(%dma_wait3A_80 : memref<80x256xf32, #tpu.memory_space<hbm>>)
        tpu.yield
      }) : () -> ()
      %dma_wait3A_52 = arith.constant 160 : i32
      %dma_wait3A_53 = tpu.memref_slice %arg5[%dma_wait3A_52] : memref<400xi32, #tpu.memory_space<vmem>> -> memref<80xi32, #tpu.memory_space<vmem>>
      %dma_wait3A_54 = arith.constant 0 : i32
      %dma_wait3A_55 = arith.constant 0 : i32
      %dma_wait3A_56 = tpu.memref_slice %arg2[%dma_wait3A_54, %dma_wait3A_55] : memref<160000x256xf32, #tpu.memory_space<hbm>> -> memref<160000x256xf32, #tpu.memory_space<hbm>>
      tpu.wait_indirect_dma semaphore(%arg13 : memref<!tpu.dma_semaphore, #tpu.memory_space<semaphore_mem>>) src(%dma_wait3A_56 : memref<160000x256xf32, #tpu.memory_space<hbm>>) dst(%arg8 : memref<80x256xf32, #tpu.memory_space<vmem>>)
      %add3A_57 = arith.constant 160 : i32
      %add3A_58 = arith.addi %add3A_14, %add3A_57 : i32
      "tpu.region"() ({
        %run_scoped3A = tpu.sem_alloc : memref<!tpu.dma_semaphore, #tpu.memory_space<semaphore_mem>>
        %dma_start3A_73 = arith.constant 0 : i32
        %dma_start3A_74 = tpu.memref_slice %arg4[%add3A_58, %dma_start3A_73] : memref<320000x256xf32, #tpu.memory_space<hbm>> -> memref<80x256xf32, #tpu.memory_space<hbm>>
        %dma_start3A_75 = arith.constant 0 : i32
        %dma_start3A_76 = tpu.memref_slice %arg4[%add3A_58, %dma_start3A_75] : memref<320000x256xf32, #tpu.memory_space<hbm>> -> memref<80x256xf32, #tpu.memory_space<hbm>>
        tpu.enqueue_dma source(%arg8 : memref<80x256xf32, #tpu.memory_space<vmem>>) target(%dma_start3A_76 : memref<80x256xf32, #tpu.memory_space<hbm>>) target_semaphore(%run_scoped3A : memref<!tpu.dma_semaphore, #tpu.memory_space<semaphore_mem>>)
        %dma_wait3A_77 = arith.constant 0 : i32
        %dma_wait3A_78 = tpu.memref_slice %arg4[%add3A_58, %dma_wait3A_77] : memref<320000x256xf32, #tpu.memory_space<hbm>> -> memref<80x256xf32, #tpu.memory_space<hbm>>
        %dma_wait3A_79 = arith.constant 0 : i32
        %dma_wait3A_80 = tpu.memref_slice %arg4[%add3A_58, %dma_wait3A_79] : memref<320000x256xf32, #tpu.memory_space<hbm>> -> memref<80x256xf32, #tpu.memory_space<hbm>>
        tpu.wait_dma2 semaphore(%run_scoped3A : memref<!tpu.dma_semaphore, #tpu.memory_space<semaphore_mem>>) src(%arg8 : memref<80x256xf32, #tpu.memory_space<vmem>>) dst(%dma_wait3A_80 : memref<80x256xf32, #tpu.memory_space<hbm>>)
        tpu.yield
      }) : () -> ()
      %dma_wait3A_59 = arith.constant 240 : i32
      %dma_wait3A_60 = tpu.memref_slice %arg5[%dma_wait3A_59] : memref<400xi32, #tpu.memory_space<vmem>> -> memref<80xi32, #tpu.memory_space<vmem>>
      %dma_wait3A_61 = arith.constant 0 : i32
      %dma_wait3A_62 = arith.constant 0 : i32
      %dma_wait3A_63 = tpu.memref_slice %arg2[%dma_wait3A_61, %dma_wait3A_62] : memref<160000x256xf32, #tpu.memory_space<hbm>> -> memref<160000x256xf32, #tpu.memory_space<hbm>>
      tpu.wait_indirect_dma semaphore(%arg14 : memref<!tpu.dma_semaphore, #tpu.memory_space<semaphore_mem>>) src(%dma_wait3A_63 : memref<160000x256xf32, #tpu.memory_space<hbm>>) dst(%arg9 : memref<80x256xf32, #tpu.memory_space<vmem>>)
      %add3A_64 = arith.constant 240 : i32
      %add3A_65 = arith.addi %add3A_14, %add3A_64 : i32
      "tpu.region"() ({
        %run_scoped3A = tpu.sem_alloc : memref<!tpu.dma_semaphore, #tpu.memory_space<semaphore_mem>>
        %dma_start3A_73 = arith.constant 0 : i32
        %dma_start3A_74 = tpu.memref_slice %arg4[%add3A_65, %dma_start3A_73] : memref<320000x256xf32, #tpu.memory_space<hbm>> -> memref<80x256xf32, #tpu.memory_space<hbm>>
        %dma_start3A_75 = arith.constant 0 : i32
        %dma_start3A_76 = tpu.memref_slice %arg4[%add3A_65, %dma_start3A_75] : memref<320000x256xf32, #tpu.memory_space<hbm>> -> memref<80x256xf32, #tpu.memory_space<hbm>>
        tpu.enqueue_dma source(%arg9 : memref<80x256xf32, #tpu.memory_space<vmem>>) target(%dma_start3A_76 : memref<80x256xf32, #tpu.memory_space<hbm>>) target_semaphore(%run_scoped3A : memref<!tpu.dma_semaphore, #tpu.memory_space<semaphore_mem>>)
        %dma_wait3A_77 = arith.constant 0 : i32
        %dma_wait3A_78 = tpu.memref_slice %arg4[%add3A_65, %dma_wait3A_77] : memref<320000x256xf32, #tpu.memory_space<hbm>> -> memref<80x256xf32, #tpu.memory_space<hbm>>
        %dma_wait3A_79 = arith.constant 0 : i32
        %dma_wait3A_80 = tpu.memref_slice %arg4[%add3A_65, %dma_wait3A_79] : memref<320000x256xf32, #tpu.memory_space<hbm>> -> memref<80x256xf32, #tpu.memory_space<hbm>>
        tpu.wait_dma2 semaphore(%run_scoped3A : memref<!tpu.dma_semaphore, #tpu.memory_space<semaphore_mem>>) src(%arg9 : memref<80x256xf32, #tpu.memory_space<vmem>>) dst(%dma_wait3A_80 : memref<80x256xf32, #tpu.memory_space<hbm>>)
        tpu.yield
      }) : () -> ()
      %dma_wait3A_66 = arith.constant 320 : i32
      %dma_wait3A_67 = tpu.memref_slice %arg5[%dma_wait3A_66] : memref<400xi32, #tpu.memory_space<vmem>> -> memref<80xi32, #tpu.memory_space<vmem>>
      %dma_wait3A_68 = arith.constant 0 : i32
      %dma_wait3A_69 = arith.constant 0 : i32
      %dma_wait3A_70 = tpu.memref_slice %arg2[%dma_wait3A_68, %dma_wait3A_69] : memref<160000x256xf32, #tpu.memory_space<hbm>> -> memref<160000x256xf32, #tpu.memory_space<hbm>>
      tpu.wait_indirect_dma semaphore(%arg15 : memref<!tpu.dma_semaphore, #tpu.memory_space<semaphore_mem>>) src(%dma_wait3A_70 : memref<160000x256xf32, #tpu.memory_space<hbm>>) dst(%arg10 : memref<80x256xf32, #tpu.memory_space<vmem>>)
      %add3A_71 = arith.constant 320 : i32
      %add3A_72 = arith.addi %add3A_14, %add3A_71 : i32
      "tpu.region"() ({
        %run_scoped3A = tpu.sem_alloc : memref<!tpu.dma_semaphore, #tpu.memory_space<semaphore_mem>>
        %dma_start3A_73 = arith.constant 0 : i32
        %dma_start3A_74 = tpu.memref_slice %arg4[%add3A_72, %dma_start3A_73] : memref<320000x256xf32, #tpu.memory_space<hbm>> -> memref<80x256xf32, #tpu.memory_space<hbm>>
        %dma_start3A_75 = arith.constant 0 : i32
        %dma_start3A_76 = tpu.memref_slice %arg4[%add3A_72, %dma_start3A_75] : memref<320000x256xf32, #tpu.memory_space<hbm>> -> memref<80x256xf32, #tpu.memory_space<hbm>>
        tpu.enqueue_dma source(%arg10 : memref<80x256xf32, #tpu.memory_space<vmem>>) target(%dma_start3A_76 : memref<80x256xf32, #tpu.memory_space<hbm>>) target_semaphore(%run_scoped3A : memref<!tpu.dma_semaphore, #tpu.memory_space<semaphore_mem>>)
        %dma_wait3A_77 = arith.constant 0 : i32
        %dma_wait3A_78 = tpu.memref_slice %arg4[%add3A_72, %dma_wait3A_77] : memref<320000x256xf32, #tpu.memory_space<hbm>> -> memref<80x256xf32, #tpu.memory_space<hbm>>
        %dma_wait3A_79 = arith.constant 0 : i32
        %dma_wait3A_80 = tpu.memref_slice %arg4[%add3A_72, %dma_wait3A_79] : memref<320000x256xf32, #tpu.memory_space<hbm>> -> memref<80x256xf32, #tpu.memory_space<hbm>>
        tpu.wait_dma2 semaphore(%run_scoped3A : memref<!tpu.dma_semaphore, #tpu.memory_space<semaphore_mem>>) src(%arg10 : memref<80x256xf32, #tpu.memory_space<vmem>>) dst(%dma_wait3A_80 : memref<80x256xf32, #tpu.memory_space<hbm>>)
        tpu.yield
      }) : () -> ()
    }
    %scan3A_6 = arith.constant 25 : i32
    return
  }
}

#map = affine_map<(d0, d1) -> (0, 0)>
#map1 = affine_map<(d0, d1) -> (0)>
module attributes {stable_mosaic.version = 14 : i64} {
  func.func @k(%arg0: i32, %arg1: i32, %arg2: memref<160000x128xf32, #tpu.memory_space<hbm>>, %arg3: memref<320000xi32, #tpu.memory_space<hbm>>, %arg4: memref<320000x128xf32, #tpu.memory_space<hbm>>, %arg5: memref<400xi32, #tpu.memory_space<vmem>>, %arg6: memref<80x128xf32, #tpu.memory_space<vmem>>, %arg7: memref<80x128xf32, #tpu.memory_space<vmem>>, %arg8: memref<80x128xf32, #tpu.memory_space<vmem>>, %arg9: memref<80x128xf32, #tpu.memory_space<vmem>>, %arg10: memref<80x128xf32, #tpu.memory_space<vmem>>, %arg11: memref<!tpu.dma_semaphore, #tpu.memory_space<semaphore_mem>>, %arg12: memref<!tpu.dma_semaphore, #tpu.memory_space<semaphore_mem>>, %arg13: memref<!tpu.dma_semaphore, #tpu.memory_space<semaphore_mem>>, %arg14: memref<!tpu.dma_semaphore, #tpu.memory_space<semaphore_mem>>, %arg15: memref<!tpu.dma_semaphore, #tpu.memory_space<semaphore_mem>>) attributes {dimension_semantics = [#tpu.dimension_semantics<core_parallel>, #tpu.dimension_semantics<subcore_parallel>], iteration_bounds = array<i64: 2, 16>, scalar_prefetch = 0 : i64, scratch_operands = 11 : i64, tpu.core_type = #tpu.core_type<sc_vector_subcore>, window_params = [{transform_indices = #map}, {transform_indices = #map1}, {transform_indices = #map}]} {
    %mul3A = arith.constant 2 : i32
    %mul3A_0 = arith.muli %arg1, %mul3A : i32
    %add3A = arith.addi %mul3A_0, %arg0 : i32
    %mul3A_1 = arith.constant 10000 : i32
    %mul3A_2 = arith.muli %add3A, %mul3A_1 : i32
    %scan3A = arith.constant 0 : i32
    %scan3A_3 = arith.constant 25 : i32
    %scan3A_4 = arith.addi %scan3A, %scan3A_3 : i32
    %scan3A_5 = arith.constant 1 : i32
    scf.for %scan3A_7 = %scan3A to %scan3A_4 step %scan3A_5  : i32 {
      %mul3A_8 = arith.constant 1 : i32
      %mul3A_9 = arith.muli %scan3A_7, %mul3A_8 : i32
      %add3A_10 = arith.constant 0 : i32
      %add3A_11 = arith.addi %add3A_10, %mul3A_9 : i32
      %mul3A_12 = arith.constant 400 : i32
      %mul3A_13 = arith.muli %add3A_11, %mul3A_12 : i32
      %add3A_14 = arith.addi %mul3A_2, %mul3A_13 : i32
      "tpu.region"() ({
        %run_scoped3A = tpu.sem_alloc : memref<!tpu.dma_semaphore, #tpu.memory_space<semaphore_mem>>
        %dma_start3A_73 = tpu.memref_slice %arg3[%add3A_14] : memref<320000xi32, #tpu.memory_space<hbm>> -> memref<400xi32, #tpu.memory_space<hbm>>
        %dma_start3A_74 = tpu.memref_slice %arg3[%add3A_14] : memref<320000xi32, #tpu.memory_space<hbm>> -> memref<400xi32, #tpu.memory_space<hbm>>
        tpu.enqueue_dma source(%dma_start3A_74 : memref<400xi32, #tpu.memory_space<hbm>>) target(%arg5 : memref<400xi32, #tpu.memory_space<vmem>>) target_semaphore(%run_scoped3A : memref<!tpu.dma_semaphore, #tpu.memory_space<semaphore_mem>>)
        %dma_wait3A_75 = tpu.memref_slice %arg3[%add3A_14] : memref<320000xi32, #tpu.memory_space<hbm>> -> memref<400xi32, #tpu.memory_space<hbm>>
        %dma_wait3A_76 = tpu.memref_slice %arg3[%add3A_14] : memref<320000xi32, #tpu.memory_space<hbm>> -> memref<400xi32, #tpu.memory_space<hbm>>
        tpu.wait_dma2 semaphore(%run_scoped3A : memref<!tpu.dma_semaphore, #tpu.memory_space<semaphore_mem>>) src(%dma_wait3A_76 : memref<400xi32, #tpu.memory_space<hbm>>) dst(%arg5 : memref<400xi32, #tpu.memory_space<vmem>>)
        tpu.yield
      }) : () -> ()
      %dma_start3A = arith.constant 0 : i32
      %dma_start3A_15 = tpu.memref_slice %arg5[%dma_start3A] : memref<400xi32, #tpu.memory_space<vmem>> -> memref<80xi32, #tpu.memory_space<vmem>>
      %dma_start3A_16 = arith.constant 0 : i32
      %dma_start3A_17 = arith.constant 0 : i32
      %dma_start3A_18 = tpu.memref_slice %arg2[%dma_start3A_16, %dma_start3A_17] : memref<160000x128xf32, #tpu.memory_space<hbm>> -> memref<160000x128xf32, #tpu.memory_space<hbm>>
      tpu.enqueue_indirect_dma source(%dma_start3A_18 : memref<160000x128xf32, #tpu.memory_space<hbm>>) target(%arg6 : memref<80x128xf32, #tpu.memory_space<vmem>>) offsets(%dma_start3A_15 : memref<80xi32, #tpu.memory_space<vmem>>) semaphore(%arg11 : memref<!tpu.dma_semaphore, #tpu.memory_space<semaphore_mem>>)
      %dma_start3A_19 = arith.constant 80 : i32
      %dma_start3A_20 = tpu.memref_slice %arg5[%dma_start3A_19] : memref<400xi32, #tpu.memory_space<vmem>> -> memref<80xi32, #tpu.memory_space<vmem>>
      %dma_start3A_21 = arith.constant 0 : i32
      %dma_start3A_22 = arith.constant 0 : i32
      %dma_start3A_23 = tpu.memref_slice %arg2[%dma_start3A_21, %dma_start3A_22] : memref<160000x128xf32, #tpu.memory_space<hbm>> -> memref<160000x128xf32, #tpu.memory_space<hbm>>
      tpu.enqueue_indirect_dma source(%dma_start3A_23 : memref<160000x128xf32, #tpu.memory_space<hbm>>) target(%arg7 : memref<80x128xf32, #tpu.memory_space<vmem>>) offsets(%dma_start3A_20 : memref<80xi32, #tpu.memory_space<vmem>>) semaphore(%arg12 : memref<!tpu.dma_semaphore, #tpu.memory_space<semaphore_mem>>)
      %dma_start3A_24 = arith.constant 160 : i32
      %dma_start3A_25 = tpu.memref_slice %arg5[%dma_start3A_24] : memref<400xi32, #tpu.memory_space<vmem>> -> memref<80xi32, #tpu.memory_space<vmem>>
      %dma_start3A_26 = arith.constant 0 : i32
      %dma_start3A_27 = arith.constant 0 : i32
      %dma_start3A_28 = tpu.memref_slice %arg2[%dma_start3A_26, %dma_start3A_27] : memref<160000x128xf32, #tpu.memory_space<hbm>> -> memref<160000x128xf32, #tpu.memory_space<hbm>>
      tpu.enqueue_indirect_dma source(%dma_start3A_28 : memref<160000x128xf32, #tpu.memory_space<hbm>>) target(%arg8 : memref<80x128xf32, #tpu.memory_space<vmem>>) offsets(%dma_start3A_25 : memref<80xi32, #tpu.memory_space<vmem>>) semaphore(%arg13 : memref<!tpu.dma_semaphore, #tpu.memory_space<semaphore_mem>>)
      %dma_start3A_29 = arith.constant 240 : i32
      %dma_start3A_30 = tpu.memref_slice %arg5[%dma_start3A_29] : memref<400xi32, #tpu.memory_space<vmem>> -> memref<80xi32, #tpu.memory_space<vmem>>
      %dma_start3A_31 = arith.constant 0 : i32
      %dma_start3A_32 = arith.constant 0 : i32
      %dma_start3A_33 = tpu.memref_slice %arg2[%dma_start3A_31, %dma_start3A_32] : memref<160000x128xf32, #tpu.memory_space<hbm>> -> memref<160000x128xf32, #tpu.memory_space<hbm>>
      tpu.enqueue_indirect_dma source(%dma_start3A_33 : memref<160000x128xf32, #tpu.memory_space<hbm>>) target(%arg9 : memref<80x128xf32, #tpu.memory_space<vmem>>) offsets(%dma_start3A_30 : memref<80xi32, #tpu.memory_space<vmem>>) semaphore(%arg14 : memref<!tpu.dma_semaphore, #tpu.memory_space<semaphore_mem>>)
      %dma_start3A_34 = arith.constant 320 : i32
      %dma_start3A_35 = tpu.memref_slice %arg5[%dma_start3A_34] : memref<400xi32, #tpu.memory_space<vmem>> -> memref<80xi32, #tpu.memory_space<vmem>>
      %dma_start3A_36 = arith.constant 0 : i32
      %dma_start3A_37 = arith.constant 0 : i32
      %dma_start3A_38 = tpu.memref_slice %arg2[%dma_start3A_36, %dma_start3A_37] : memref<160000x128xf32, #tpu.memory_space<hbm>> -> memref<160000x128xf32, #tpu.memory_space<hbm>>
      tpu.enqueue_indirect_dma source(%dma_start3A_38 : memref<160000x128xf32, #tpu.memory_space<hbm>>) target(%arg10 : memref<80x128xf32, #tpu.memory_space<vmem>>) offsets(%dma_start3A_35 : memref<80xi32, #tpu.memory_space<vmem>>) semaphore(%arg15 : memref<!tpu.dma_semaphore, #tpu.memory_space<semaphore_mem>>)
      %dma_wait3A = arith.constant 0 : i32
      %dma_wait3A_39 = tpu.memref_slice %arg5[%dma_wait3A] : memref<400xi32, #tpu.memory_space<vmem>> -> memref<80xi32, #tpu.memory_space<vmem>>
      %dma_wait3A_40 = arith.constant 0 : i32
      %dma_wait3A_41 = arith.constant 0 : i32
      %dma_wait3A_42 = tpu.memref_slice %arg2[%dma_wait3A_40, %dma_wait3A_41] : memref<160000x128xf32, #tpu.memory_space<hbm>> -> memref<160000x128xf32, #tpu.memory_space<hbm>>
      tpu.wait_indirect_dma semaphore(%arg11 : memref<!tpu.dma_semaphore, #tpu.memory_space<semaphore_mem>>) src(%dma_wait3A_42 : memref<160000x128xf32, #tpu.memory_space<hbm>>) dst(%arg6 : memref<80x128xf32, #tpu.memory_space<vmem>>)
      %add3A_43 = arith.constant 0 : i32
      %add3A_44 = arith.addi %add3A_14, %add3A_43 : i32
      "tpu.region"() ({
        %run_scoped3A = tpu.sem_alloc : memref<!tpu.dma_semaphore, #tpu.memory_space<semaphore_mem>>
        %dma_start3A_73 = arith.constant 0 : i32
        %dma_start3A_74 = tpu.memref_slice %arg4[%add3A_44, %dma_start3A_73] : memref<320000x128xf32, #tpu.memory_space<hbm>> -> memref<80x128xf32, #tpu.memory_space<hbm>>
        %dma_start3A_75 = arith.constant 0 : i32
        %dma_start3A_76 = tpu.memref_slice %arg4[%add3A_44, %dma_start3A_75] : memref<320000x128xf32, #tpu.memory_space<hbm>> -> memref<80x128xf32, #tpu.memory_space<hbm>>
        tpu.enqueue_dma source(%arg6 : memref<80x128xf32, #tpu.memory_space<vmem>>) target(%dma_start3A_76 : memref<80x128xf32, #tpu.memory_space<hbm>>) target_semaphore(%run_scoped3A : memref<!tpu.dma_semaphore, #tpu.memory_space<semaphore_mem>>)
        %dma_wait3A_77 = arith.constant 0 : i32
        %dma_wait3A_78 = tpu.memref_slice %arg4[%add3A_44, %dma_wait3A_77] : memref<320000x128xf32, #tpu.memory_space<hbm>> -> memref<80x128xf32, #tpu.memory_space<hbm>>
        %dma_wait3A_79 = arith.constant 0 : i32
        %dma_wait3A_80 = tpu.memref_slice %arg4[%add3A_44, %dma_wait3A_79] : memref<320000x128xf32, #tpu.memory_space<hbm>> -> memref<80x128xf32, #tpu.memory_space<hbm>>
        tpu.wait_dma2 semaphore(%run_scoped3A : memref<!tpu.dma_semaphore, #tpu.memory_space<semaphore_mem>>) src(%arg6 : memref<80x128xf32, #tpu.memory_space<vmem>>) dst(%dma_wait3A_80 : memref<80x128xf32, #tpu.memory_space<hbm>>)
        tpu.yield
      }) : () -> ()
      %dma_wait3A_45 = arith.constant 80 : i32
      %dma_wait3A_46 = tpu.memref_slice %arg5[%dma_wait3A_45] : memref<400xi32, #tpu.memory_space<vmem>> -> memref<80xi32, #tpu.memory_space<vmem>>
      %dma_wait3A_47 = arith.constant 0 : i32
      %dma_wait3A_48 = arith.constant 0 : i32
      %dma_wait3A_49 = tpu.memref_slice %arg2[%dma_wait3A_47, %dma_wait3A_48] : memref<160000x128xf32, #tpu.memory_space<hbm>> -> memref<160000x128xf32, #tpu.memory_space<hbm>>
      tpu.wait_indirect_dma semaphore(%arg12 : memref<!tpu.dma_semaphore, #tpu.memory_space<semaphore_mem>>) src(%dma_wait3A_49 : memref<160000x128xf32, #tpu.memory_space<hbm>>) dst(%arg7 : memref<80x128xf32, #tpu.memory_space<vmem>>)
      %add3A_50 = arith.constant 80 : i32
      %add3A_51 = arith.addi %add3A_14, %add3A_50 : i32
      "tpu.region"() ({
        %run_scoped3A = tpu.sem_alloc : memref<!tpu.dma_semaphore, #tpu.memory_space<semaphore_mem>>
        %dma_start3A_73 = arith.constant 0 : i32
        %dma_start3A_74 = tpu.memref_slice %arg4[%add3A_51, %dma_start3A_73] : memref<320000x128xf32, #tpu.memory_space<hbm>> -> memref<80x128xf32, #tpu.memory_space<hbm>>
        %dma_start3A_75 = arith.constant 0 : i32
        %dma_start3A_76 = tpu.memref_slice %arg4[%add3A_51, %dma_start3A_75] : memref<320000x128xf32, #tpu.memory_space<hbm>> -> memref<80x128xf32, #tpu.memory_space<hbm>>
        tpu.enqueue_dma source(%arg7 : memref<80x128xf32, #tpu.memory_space<vmem>>) target(%dma_start3A_76 : memref<80x128xf32, #tpu.memory_space<hbm>>) target_semaphore(%run_scoped3A : memref<!tpu.dma_semaphore, #tpu.memory_space<semaphore_mem>>)
        %dma_wait3A_77 = arith.constant 0 : i32
        %dma_wait3A_78 = tpu.memref_slice %arg4[%add3A_51, %dma_wait3A_77] : memref<320000x128xf32, #tpu.memory_space<hbm>> -> memref<80x128xf32, #tpu.memory_space<hbm>>
        %dma_wait3A_79 = arith.constant 0 : i32
        %dma_wait3A_80 = tpu.memref_slice %arg4[%add3A_51, %dma_wait3A_79] : memref<320000x128xf32, #tpu.memory_space<hbm>> -> memref<80x128xf32, #tpu.memory_space<hbm>>
        tpu.wait_dma2 semaphore(%run_scoped3A : memref<!tpu.dma_semaphore, #tpu.memory_space<semaphore_mem>>) src(%arg7 : memref<80x128xf32, #tpu.memory_space<vmem>>) dst(%dma_wait3A_80 : memref<80x128xf32, #tpu.memory_space<hbm>>)
        tpu.yield
      }) : () -> ()
      %dma_wait3A_52 = arith.constant 160 : i32
      %dma_wait3A_53 = tpu.memref_slice %arg5[%dma_wait3A_52] : memref<400xi32, #tpu.memory_space<vmem>> -> memref<80xi32, #tpu.memory_space<vmem>>
      %dma_wait3A_54 = arith.constant 0 : i32
      %dma_wait3A_55 = arith.constant 0 : i32
      %dma_wait3A_56 = tpu.memref_slice %arg2[%dma_wait3A_54, %dma_wait3A_55] : memref<160000x128xf32, #tpu.memory_space<hbm>> -> memref<160000x128xf32, #tpu.memory_space<hbm>>
      tpu.wait_indirect_dma semaphore(%arg13 : memref<!tpu.dma_semaphore, #tpu.memory_space<semaphore_mem>>) src(%dma_wait3A_56 : memref<160000x128xf32, #tpu.memory_space<hbm>>) dst(%arg8 : memref<80x128xf32, #tpu.memory_space<vmem>>)
      %add3A_57 = arith.constant 160 : i32
      %add3A_58 = arith.addi %add3A_14, %add3A_57 : i32
      "tpu.region"() ({
        %run_scoped3A = tpu.sem_alloc : memref<!tpu.dma_semaphore, #tpu.memory_space<semaphore_mem>>
        %dma_start3A_73 = arith.constant 0 : i32
        %dma_start3A_74 = tpu.memref_slice %arg4[%add3A_58, %dma_start3A_73] : memref<320000x128xf32, #tpu.memory_space<hbm>> -> memref<80x128xf32, #tpu.memory_space<hbm>>
        %dma_start3A_75 = arith.constant 0 : i32
        %dma_start3A_76 = tpu.memref_slice %arg4[%add3A_58, %dma_start3A_75] : memref<320000x128xf32, #tpu.memory_space<hbm>> -> memref<80x128xf32, #tpu.memory_space<hbm>>
        tpu.enqueue_dma source(%arg8 : memref<80x128xf32, #tpu.memory_space<vmem>>) target(%dma_start3A_76 : memref<80x128xf32, #tpu.memory_space<hbm>>) target_semaphore(%run_scoped3A : memref<!tpu.dma_semaphore, #tpu.memory_space<semaphore_mem>>)
        %dma_wait3A_77 = arith.constant 0 : i32
        %dma_wait3A_78 = tpu.memref_slice %arg4[%add3A_58, %dma_wait3A_77] : memref<320000x128xf32, #tpu.memory_space<hbm>> -> memref<80x128xf32, #tpu.memory_space<hbm>>
        %dma_wait3A_79 = arith.constant 0 : i32
        %dma_wait3A_80 = tpu.memref_slice %arg4[%add3A_58, %dma_wait3A_79] : memref<320000x128xf32, #tpu.memory_space<hbm>> -> memref<80x128xf32, #tpu.memory_space<hbm>>
        tpu.wait_dma2 semaphore(%run_scoped3A : memref<!tpu.dma_semaphore, #tpu.memory_space<semaphore_mem>>) src(%arg8 : memref<80x128xf32, #tpu.memory_space<vmem>>) dst(%dma_wait3A_80 : memref<80x128xf32, #tpu.memory_space<hbm>>)
        tpu.yield
      }) : () -> ()
      %dma_wait3A_59 = arith.constant 240 : i32
      %dma_wait3A_60 = tpu.memref_slice %arg5[%dma_wait3A_59] : memref<400xi32, #tpu.memory_space<vmem>> -> memref<80xi32, #tpu.memory_space<vmem>>
      %dma_wait3A_61 = arith.constant 0 : i32
      %dma_wait3A_62 = arith.constant 0 : i32
      %dma_wait3A_63 = tpu.memref_slice %arg2[%dma_wait3A_61, %dma_wait3A_62] : memref<160000x128xf32, #tpu.memory_space<hbm>> -> memref<160000x128xf32, #tpu.memory_space<hbm>>
      tpu.wait_indirect_dma semaphore(%arg14 : memref<!tpu.dma_semaphore, #tpu.memory_space<semaphore_mem>>) src(%dma_wait3A_63 : memref<160000x128xf32, #tpu.memory_space<hbm>>) dst(%arg9 : memref<80x128xf32, #tpu.memory_space<vmem>>)
      %add3A_64 = arith.constant 240 : i32
      %add3A_65 = arith.addi %add3A_14, %add3A_64 : i32
      "tpu.region"() ({
        %run_scoped3A = tpu.sem_alloc : memref<!tpu.dma_semaphore, #tpu.memory_space<semaphore_mem>>
        %dma_start3A_73 = arith.constant 0 : i32
        %dma_start3A_74 = tpu.memref_slice %arg4[%add3A_65, %dma_start3A_73] : memref<320000x128xf32, #tpu.memory_space<hbm>> -> memref<80x128xf32, #tpu.memory_space<hbm>>
        %dma_start3A_75 = arith.constant 0 : i32
        %dma_start3A_76 = tpu.memref_slice %arg4[%add3A_65, %dma_start3A_75] : memref<320000x128xf32, #tpu.memory_space<hbm>> -> memref<80x128xf32, #tpu.memory_space<hbm>>
        tpu.enqueue_dma source(%arg9 : memref<80x128xf32, #tpu.memory_space<vmem>>) target(%dma_start3A_76 : memref<80x128xf32, #tpu.memory_space<hbm>>) target_semaphore(%run_scoped3A : memref<!tpu.dma_semaphore, #tpu.memory_space<semaphore_mem>>)
        %dma_wait3A_77 = arith.constant 0 : i32
        %dma_wait3A_78 = tpu.memref_slice %arg4[%add3A_65, %dma_wait3A_77] : memref<320000x128xf32, #tpu.memory_space<hbm>> -> memref<80x128xf32, #tpu.memory_space<hbm>>
        %dma_wait3A_79 = arith.constant 0 : i32
        %dma_wait3A_80 = tpu.memref_slice %arg4[%add3A_65, %dma_wait3A_79] : memref<320000x128xf32, #tpu.memory_space<hbm>> -> memref<80x128xf32, #tpu.memory_space<hbm>>
        tpu.wait_dma2 semaphore(%run_scoped3A : memref<!tpu.dma_semaphore, #tpu.memory_space<semaphore_mem>>) src(%arg9 : memref<80x128xf32, #tpu.memory_space<vmem>>) dst(%dma_wait3A_80 : memref<80x128xf32, #tpu.memory_space<hbm>>)
        tpu.yield
      }) : () -> ()
      %dma_wait3A_66 = arith.constant 320 : i32
      %dma_wait3A_67 = tpu.memref_slice %arg5[%dma_wait3A_66] : memref<400xi32, #tpu.memory_space<vmem>> -> memref<80xi32, #tpu.memory_space<vmem>>
      %dma_wait3A_68 = arith.constant 0 : i32
      %dma_wait3A_69 = arith.constant 0 : i32
      %dma_wait3A_70 = tpu.memref_slice %arg2[%dma_wait3A_68, %dma_wait3A_69] : memref<160000x128xf32, #tpu.memory_space<hbm>> -> memref<160000x128xf32, #tpu.memory_space<hbm>>
      tpu.wait_indirect_dma semaphore(%arg15 : memref<!tpu.dma_semaphore, #tpu.memory_space<semaphore_mem>>) src(%dma_wait3A_70 : memref<160000x128xf32, #tpu.memory_space<hbm>>) dst(%arg10 : memref<80x128xf32, #tpu.memory_space<vmem>>)
      %add3A_71 = arith.constant 320 : i32
      %add3A_72 = arith.addi %add3A_14, %add3A_71 : i32
      "tpu.region"() ({
        %run_scoped3A = tpu.sem_alloc : memref<!tpu.dma_semaphore, #tpu.memory_space<semaphore_mem>>
        %dma_start3A_73 = arith.constant 0 : i32
        %dma_start3A_74 = tpu.memref_slice %arg4[%add3A_72, %dma_start3A_73] : memref<320000x128xf32, #tpu.memory_space<hbm>> -> memref<80x128xf32, #tpu.memory_space<hbm>>
        %dma_start3A_75 = arith.constant 0 : i32
        %dma_start3A_76 = tpu.memref_slice %arg4[%add3A_72, %dma_start3A_75] : memref<320000x128xf32, #tpu.memory_space<hbm>> -> memref<80x128xf32, #tpu.memory_space<hbm>>
        tpu.enqueue_dma source(%arg10 : memref<80x128xf32, #tpu.memory_space<vmem>>) target(%dma_start3A_76 : memref<80x128xf32, #tpu.memory_space<hbm>>) target_semaphore(%run_scoped3A : memref<!tpu.dma_semaphore, #tpu.memory_space<semaphore_mem>>)
        %dma_wait3A_77 = arith.constant 0 : i32
        %dma_wait3A_78 = tpu.memref_slice %arg4[%add3A_72, %dma_wait3A_77] : memref<320000x128xf32, #tpu.memory_space<hbm>> -> memref<80x128xf32, #tpu.memory_space<hbm>>
        %dma_wait3A_79 = arith.constant 0 : i32
        %dma_wait3A_80 = tpu.memref_slice %arg4[%add3A_72, %dma_wait3A_79] : memref<320000x128xf32, #tpu.memory_space<hbm>> -> memref<80x128xf32, #tpu.memory_space<hbm>>
        tpu.wait_dma2 semaphore(%run_scoped3A : memref<!tpu.dma_semaphore, #tpu.memory_space<semaphore_mem>>) src(%arg10 : memref<80x128xf32, #tpu.memory_space<vmem>>) dst(%dma_wait3A_80 : memref<80x128xf32, #tpu.memory_space<hbm>>)
        tpu.yield
      }) : () -> ()
    }
    %scan3A_6 = arith.constant 25 : i32
    return
  }
}

module attributes {stable_mosaic.version = 14 : i64} {
  func.func @_proj_kernel(%arg0: i32, %arg1: memref<1600x128xf32, #tpu.memory_space<vmem>>, %arg2: memref<1600x1xf32, #tpu.memory_space<vmem>>, %arg3: memref<128x128xf32, #tpu.memory_space<vmem>>, %arg4: memref<128x128xf32, #tpu.memory_space<vmem>>, %arg5: memref<128x128xf32, #tpu.memory_space<vmem>>, %arg6: memref<8x1xf32, #tpu.memory_space<vmem>>, %arg7: memref<1600x256xf32, #tpu.memory_space<vmem>>, %arg8: memref<1600x128xf32, #tpu.memory_space<vmem>>, %arg9: memref<1600x8xf32, #tpu.memory_space<vmem>>) attributes {dimension_semantics = [#tpu.dimension_semantics<arbitrary>], iteration_bounds = array<i64: 100>, scalar_prefetch = 0 : i64, scratch_operands = 0 : i64, tpu.core_type = #tpu.core_type<tc>, window_params = [{transform_indices = @transform_0, window_bounds = array<i64: 1600, 128>}, {transform_indices = @transform_1, window_bounds = array<i64: 1600, 1>}, {pipeline_mode = #tpu.pipeline_mode<synchronous>, transform_indices = @transform_2, window_bounds = array<i64: 128, 128>}, {pipeline_mode = #tpu.pipeline_mode<synchronous>, transform_indices = @transform_3, window_bounds = array<i64: 128, 128>}, {pipeline_mode = #tpu.pipeline_mode<synchronous>, transform_indices = @transform_4, window_bounds = array<i64: 128, 128>}, {pipeline_mode = #tpu.pipeline_mode<synchronous>, transform_indices = @transform_5, window_bounds = array<i64: 8, 1>}, {transform_indices = @transform_6, window_bounds = array<i64: 1600, 256>}, {transform_indices = @transform_7, window_bounds = array<i64: 1600, 128>}, {transform_indices = @transform_8, window_bounds = array<i64: 1600, 8>}]} {
    %get3A = arith.constant 0 : index
    %get3A_0 = arith.constant 0 : index
    %get3A_1 = vector.load %arg1[%get3A, %get3A_0] : memref<1600x128xf32, #tpu.memory_space<vmem>>, vector<1600x128xf32>
    %get3A_2 = arith.constant 0 : index
    %get3A_3 = arith.constant 0 : index
    %get3A_4 = vector.load %arg3[%get3A_2, %get3A_3] : memref<128x128xf32, #tpu.memory_space<vmem>>, vector<128x128xf32>
    %transpose3A = tpu.transpose %get3A_4, [1, 0] : vector<128x128xf32> -> vector<128x128xf32>
    %dot_general3A = arith.constant dense<0.000000e+00> : vector<1600x128xf32>
    %dot_general3A_5 = tpu.matmul %get3A_1, %transpose3A, %dot_general3A {dimension_numbers = #tpu.dot_dimension_numbers<[1], [0], [0], [1], [0, 0, 1, 1], [], []>, transpose_lhs_hint = false} : vector<1600x128xf32>, vector<128x128xf32>, vector<1600x128xf32> -> vector<1600x128xf32>
    %get3A_6 = arith.constant 0 : index
    %get3A_7 = arith.constant 0 : index
    %get3A_8 = vector.load %arg5[%get3A_6, %get3A_7] : memref<128x128xf32, #tpu.memory_space<vmem>>, vector<128x128xf32>
    %transpose3A_9 = tpu.transpose %get3A_8, [1, 0] : vector<128x128xf32> -> vector<128x128xf32>
    %dot_general3A_10 = arith.constant dense<0.000000e+00> : vector<1600x128xf32>
    %dot_general3A_11 = tpu.matmul %get3A_1, %transpose3A_9, %dot_general3A_10 {dimension_numbers = #tpu.dot_dimension_numbers<[1], [0], [0], [1], [0, 0, 1, 1], [], []>, transpose_lhs_hint = false} : vector<1600x128xf32>, vector<128x128xf32>, vector<1600x128xf32> -> vector<1600x128xf32>
    %get3A_12 = arith.constant 0 : index
    %get3A_13 = arith.constant 0 : index
    %get3A_14 = vector.load %arg4[%get3A_12, %get3A_13] : memref<128x128xf32, #tpu.memory_space<vmem>>, vector<128x128xf32>
    %transpose3A_15 = tpu.transpose %get3A_14, [1, 0] : vector<128x128xf32> -> vector<128x128xf32>
    %dot_general3A_16 = arith.constant dense<0.000000e+00> : vector<1600x128xf32>
    %dot_general3A_17 = tpu.matmul %get3A_1, %transpose3A_15, %dot_general3A_16 {dimension_numbers = #tpu.dot_dimension_numbers<[1], [0], [0], [1], [0, 0, 1, 1], [], []>, transpose_lhs_hint = false} : vector<1600x128xf32>, vector<128x128xf32>, vector<1600x128xf32> -> vector<1600x128xf32>
    %swap3A = arith.constant 0 : index
    %swap3A_18 = arith.constant 0 : index
    %swap3A_19 = vector.load %arg8[%swap3A, %swap3A_18] : memref<1600x128xf32, #tpu.memory_space<vmem>>, vector<1600x128xf32>
    tpu.vector_store %arg8[%swap3A, %swap3A_18], %dot_general3A_17 {strides = array<i32>} : memref<1600x128xf32, #tpu.memory_space<vmem>>, vector<1600x128xf32>,
    %get3A_20 = arith.constant 0 : index
    %get3A_21 = arith.constant 0 : index
    %get3A_22 = vector.load %arg2[%get3A_20, %get3A_21] : memref<1600x1xf32, #tpu.memory_space<vmem>>, vector<1600x1xf32>
    %get3A_23 = arith.constant 0 : index
    %get3A_24 = arith.constant 0 : index
    %get3A_25 = vector.load %arg6[%get3A_23, %get3A_24] : memref<8x1xf32, #tpu.memory_space<vmem>>, vector<8x1xf32>
    %reshape3A = vector.shape_cast %get3A_25 : vector<8x1xf32> to vector<1x8xf32>
    %mul3A = vector.broadcast %get3A_22 : vector<1600x1xf32> to vector<1600x8xf32>
    %mul3A_26 = vector.broadcast %reshape3A : vector<1x8xf32> to vector<1600x8xf32>
    %mul3A_27 = arith.mulf %mul3A, %mul3A_26 : vector<1600x8xf32>
    %swap3A_28 = arith.constant 0 : index
    %swap3A_29 = arith.constant 0 : index
    %swap3A_30 = vector.load %arg9[%swap3A_28, %swap3A_29] : memref<1600x8xf32, #tpu.memory_space<vmem>>, vector<1600x8xf32>
    tpu.vector_store %arg9[%swap3A_28, %swap3A_29], %mul3A_27 {strides = array<i32>} : memref<1600x8xf32, #tpu.memory_space<vmem>>, vector<1600x8xf32>,
    %concatenate3A = tpu.concatenate %dot_general3A_5, %dot_general3A_11 in 1 : vector<1600x128xf32>, vector<1600x128xf32> -> vector<1600x256xf32>
    %swap3A_31 = arith.constant 0 : index
    %swap3A_32 = arith.constant 0 : index
    %swap3A_33 = vector.load %arg7[%swap3A_31, %swap3A_32] : memref<1600x256xf32, #tpu.memory_space<vmem>>, vector<1600x256xf32>
    tpu.vector_store %arg7[%swap3A_31, %swap3A_32], %concatenate3A {strides = array<i32>} : memref<1600x256xf32, #tpu.memory_space<vmem>>, vector<1600x256xf32>,
    return
  }
  func.func @transform_0(%arg0: i32) -> (i32, i32) {
    %c0_i32 = arith.constant 0 : i32
    %c0_i32_0 = arith.constant 0 : i32
    return %arg0, %c0_i32 : i32, i32
  }
  func.func @transform_1(%arg0: i32) -> (i32, i32) {
    %c0_i32 = arith.constant 0 : i32
    %c0_i32_0 = arith.constant 0 : i32
    return %arg0, %c0_i32 : i32, i32
  }
  func.func @transform_2(%arg0: i32) -> (i32, i32) {
    %c0_i32 = arith.constant 0 : i32
    %c0_i32_0 = arith.constant 0 : i32
    %c0_i32_1 = arith.constant 0 : i32
    return %c0_i32, %c0_i32_0 : i32, i32
  }
  func.func @transform_3(%arg0: i32) -> (i32, i32) {
    %c0_i32 = arith.constant 0 : i32
    %c0_i32_0 = arith.constant 0 : i32
    %c0_i32_1 = arith.constant 0 : i32
    return %c0_i32, %c0_i32_0 : i32, i32
  }
  func.func @transform_4(%arg0: i32) -> (i32, i32) {
    %c0_i32 = arith.constant 0 : i32
    %c0_i32_0 = arith.constant 0 : i32
    %c0_i32_1 = arith.constant 0 : i32
    return %c0_i32, %c0_i32_0 : i32, i32
  }
  func.func @transform_5(%arg0: i32) -> (i32, i32) {
    %c0_i32 = arith.constant 0 : i32
    %c0_i32_0 = arith.constant 0 : i32
    %c0_i32_1 = arith.constant 0 : i32
    return %c0_i32, %c0_i32_0 : i32, i32
  }
  func.func @transform_6(%arg0: i32) -> (i32, i32) {
    %c0_i32 = arith.constant 0 : i32
    %c0_i32_0 = arith.constant 0 : i32
    return %arg0, %c0_i32 : i32, i32
  }
  func.func @transform_7(%arg0: i32) -> (i32, i32) {
    %c0_i32 = arith.constant 0 : i32
    %c0_i32_0 = arith.constant 0 : i32
    return %arg0, %c0_i32 : i32, i32
  }
  func.func @transform_8(%arg0: i32) -> (i32, i32) {
    %c0_i32 = arith.constant 0 : i32
    %c0_i32_0 = arith.constant 0 : i32
    return %arg0, %c0_i32 : i32, i32
  }
}

module attributes {stable_mosaic.version = 14 : i64} {
  func.func @_table_mlp_kernel(%arg0: memref<8x128xf32, #tpu.memory_space<vmem>>, %arg1: memref<128x128xf32, #tpu.memory_space<vmem>>, %arg2: memref<1x128xf32, #tpu.memory_space<vmem>>, %arg3: memref<128x128xf32, #tpu.memory_space<vmem>>, %arg4: memref<1x128xf32, #tpu.memory_space<vmem>>, %arg5: memref<128x128xf32, #tpu.memory_space<vmem>>, %arg6: memref<1x128xf32, #tpu.memory_space<vmem>>, %arg7: memref<8x128xf32, #tpu.memory_space<vmem>>) attributes {dimension_semantics = [], scalar_prefetch = 0 : i64, scratch_operands = 0 : i64, tpu.core_type = #tpu.core_type<tc>} {
    %get3A = arith.constant 0 : index
    %get3A_0 = arith.constant 0 : index
    %get3A_1 = vector.load %arg0[%get3A, %get3A_0] : memref<8x128xf32, #tpu.memory_space<vmem>>, vector<8x128xf32>
    %get3A_2 = arith.constant 0 : index
    %get3A_3 = arith.constant 0 : index
    %get3A_4 = vector.load %arg1[%get3A_2, %get3A_3] : memref<128x128xf32, #tpu.memory_space<vmem>>, vector<128x128xf32>
    %transpose3A = tpu.transpose %get3A_4, [1, 0] : vector<128x128xf32> -> vector<128x128xf32>
    %dot_general3A = arith.constant dense<0.000000e+00> : vector<8x128xf32>
    %dot_general3A_5 = tpu.matmul %get3A_1, %transpose3A, %dot_general3A {dimension_numbers = #tpu.dot_dimension_numbers<[1], [0], [0], [1], [0, 0, 1, 1], [], []>, transpose_lhs_hint = false} : vector<8x128xf32>, vector<128x128xf32>, vector<8x128xf32> -> vector<8x128xf32>
    %get3A_6 = arith.constant 0 : index
    %get3A_7 = arith.constant 0 : index
    %get3A_8 = vector.load %arg2[%get3A_6, %get3A_7] : memref<1x128xf32, #tpu.memory_space<vmem>>, vector<1x128xf32>
    %add3A = vector.broadcast %get3A_8 : vector<1x128xf32> to vector<8x128xf32>
    %add3A_9 = arith.addf %dot_general3A_5, %add3A : vector<8x128xf32>
    %max3A = arith.constant 0.000000e+00 : f32
    %max3A_10 = vector.broadcast %max3A : f32 to vector<8x128xf32>
    %max3A_11 = arith.maximumf %add3A_9, %max3A_10 : vector<8x128xf32>
    %get3A_12 = arith.constant 0 : index
    %get3A_13 = arith.constant 0 : index
    %get3A_14 = vector.load %arg3[%get3A_12, %get3A_13] : memref<128x128xf32, #tpu.memory_space<vmem>>, vector<128x128xf32>
    %transpose3A_15 = tpu.transpose %get3A_14, [1, 0] : vector<128x128xf32> -> vector<128x128xf32>
    %dot_general3A_16 = arith.constant dense<0.000000e+00> : vector<8x128xf32>
    %dot_general3A_17 = tpu.matmul %max3A_11, %transpose3A_15, %dot_general3A_16 {dimension_numbers = #tpu.dot_dimension_numbers<[1], [0], [0], [1], [0, 0, 1, 1], [], []>, transpose_lhs_hint = false} : vector<8x128xf32>, vector<128x128xf32>, vector<8x128xf32> -> vector<8x128xf32>
    %get3A_18 = arith.constant 0 : index
    %get3A_19 = arith.constant 0 : index
    %get3A_20 = vector.load %arg4[%get3A_18, %get3A_19] : memref<1x128xf32, #tpu.memory_space<vmem>>, vector<1x128xf32>
    %add3A_21 = vector.broadcast %get3A_20 : vector<1x128xf32> to vector<8x128xf32>
    %add3A_22 = arith.addf %dot_general3A_17, %add3A_21 : vector<8x128xf32>
    %max3A_23 = arith.constant 0.000000e+00 : f32
    %max3A_24 = vector.broadcast %max3A_23 : f32 to vector<8x128xf32>
    %max3A_25 = arith.maximumf %add3A_22, %max3A_24 : vector<8x128xf32>
    %get3A_26 = arith.constant 0 : index
    %get3A_27 = arith.constant 0 : index
    %get3A_28 = vector.load %arg5[%get3A_26, %get3A_27] : memref<128x128xf32, #tpu.memory_space<vmem>>, vector<128x128xf32>
    %transpose3A_29 = tpu.transpose %get3A_28, [1, 0] : vector<128x128xf32> -> vector<128x128xf32>
    %dot_general3A_30 = arith.constant dense<0.000000e+00> : vector<8x128xf32>
    %dot_general3A_31 = tpu.matmul %max3A_25, %transpose3A_29, %dot_general3A_30 {dimension_numbers = #tpu.dot_dimension_numbers<[1], [0], [0], [1], [0, 0, 1, 1], [], []>, transpose_lhs_hint = false} : vector<8x128xf32>, vector<128x128xf32>, vector<8x128xf32> -> vector<8x128xf32>
    %get3A_32 = arith.constant 0 : index
    %get3A_33 = arith.constant 0 : index
    %get3A_34 = vector.load %arg6[%get3A_32, %get3A_33] : memref<1x128xf32, #tpu.memory_space<vmem>>, vector<1x128xf32>
    %add3A_35 = vector.broadcast %get3A_34 : vector<1x128xf32> to vector<8x128xf32>
    %add3A_36 = arith.addf %dot_general3A_31, %add3A_35 : vector<8x128xf32>
    %max3A_37 = arith.constant 0.000000e+00 : f32
    %max3A_38 = vector.broadcast %max3A_37 : f32 to vector<8x128xf32>
    %max3A_39 = arith.maximumf %add3A_36, %max3A_38 : vector<8x128xf32>
    %swap3A = arith.constant 0 : index
    %swap3A_40 = arith.constant 0 : index
    %swap3A_41 = vector.load %arg7[%swap3A, %swap3A_40] : memref<8x128xf32, #tpu.memory_space<vmem>>, vector<8x128xf32>
    tpu.vector_store %arg7[%swap3A, %swap3A_40], %max3A_39 {strides = array<i32>} : memref<8x128xf32, #tpu.memory_space<vmem>>, vector<8x128xf32>,
    return
  }
}

module attributes {stable_mosaic.version = 14 : i64} {
  func.func @_trip1_kernel(%arg0: i32, %arg1: memref<1600x8xf32, #tpu.memory_space<vmem>>, %arg2: memref<1600x8xf32, #tpu.memory_space<vmem>>, %arg3: memref<1600x8xf32, #tpu.memory_space<vmem>>, %arg4: memref<1600x256xf32, #tpu.memory_space<vmem>>, %arg5: memref<1600x128xf32, #tpu.memory_space<vmem>>, %arg6: memref<1600x8xf32, #tpu.memory_space<vmem>>, %arg7: memref<8x128xf32, #tpu.memory_space<vmem>>, %arg8: memref<128x8xf32, #tpu.memory_space<vmem>>, %arg9: memref<1600x8xf32, #tpu.memory_space<vmem>>, %arg10: memref<1600x128xf32, #tpu.memory_space<vmem>>) attributes {dimension_semantics = [#tpu.dimension_semantics<arbitrary>], iteration_bounds = array<i64: 200>, scalar_prefetch = 0 : i64, scratch_operands = 0 : i64, tpu.core_type = #tpu.core_type<tc>, window_params = [{transform_indices = @transform_0, window_bounds = array<i64: 1600, 8>}, {transform_indices = @transform_1, window_bounds = array<i64: 1600, 8>}, {transform_indices = @transform_2, window_bounds = array<i64: 1600, 8>}, {transform_indices = @transform_3, window_bounds = array<i64: 1600, 256>}, {transform_indices = @transform_4, window_bounds = array<i64: 1600, 128>}, {transform_indices = @transform_5, window_bounds = array<i64: 1600, 8>}, {pipeline_mode = #tpu.pipeline_mode<synchronous>, transform_indices = @transform_6, window_bounds = array<i64: 8, 128>}, {pipeline_mode = #tpu.pipeline_mode<synchronous>, transform_indices = @transform_7, window_bounds = array<i64: 128, 8>}, {transform_indices = @transform_8, window_bounds = array<i64: 1600, 8>}, {transform_indices = @transform_9, window_bounds = array<i64: 1600, 128>}]} {
    %get3A = arith.constant 0 : index
    %get3A_0 = arith.constant 0 : index
    %get3A_1 = vector.load %arg2[%get3A, %get3A_0] : memref<1600x8xf32, #tpu.memory_space<vmem>>, vector<1600x8xf32>
    %get3A_2 = arith.constant 0 : index
    %get3A_3 = arith.constant 0 : index
    %get3A_4 = vector.load %arg1[%get3A_2, %get3A_3] : memref<1600x8xf32, #tpu.memory_space<vmem>>, vector<1600x8xf32>
    %sub3A = arith.subf %get3A_1, %get3A_4 : vector<1600x8xf32>
    %get3A_5 = arith.constant 0 : index
    %get3A_6 = arith.constant 0 : index
    %get3A_7 = vector.load %arg3[%get3A_5, %get3A_6] : memref<1600x8xf32, #tpu.memory_space<vmem>>, vector<1600x8xf32>
    %get3A_8 = arith.constant 0 : index
    %get3A_9 = arith.constant 0 : index
    %get3A_10 = vector.load %arg1[%get3A_8, %get3A_9] : memref<1600x8xf32, #tpu.memory_space<vmem>>, vector<1600x8xf32>
    %sub3A_11 = arith.subf %get3A_7, %get3A_10 : vector<1600x8xf32>
    %slice3A = vector.extract_strided_slice %sub3A {offsets = [0, 0], sizes = [1600, 1], strides = [1, 1]} : vector<1600x8xf32> to vector<1600x1xf32>
    %slice3A_12 = vector.extract_strided_slice %sub3A {offsets = [0, 1], sizes = [1600, 1], strides = [1, 1]} : vector<1600x8xf32> to vector<1600x1xf32>
    %slice3A_13 = vector.extract_strided_slice %sub3A {offsets = [0, 2], sizes = [1600, 1], strides = [1, 1]} : vector<1600x8xf32> to vector<1600x1xf32>
    %slice3A_14 = vector.extract_strided_slice %sub3A_11 {offsets = [0, 0], sizes = [1600, 1], strides = [1, 1]} : vector<1600x8xf32> to vector<1600x1xf32>
    %slice3A_15 = vector.extract_strided_slice %sub3A_11 {offsets = [0, 1], sizes = [1600, 1], strides = [1, 1]} : vector<1600x8xf32> to vector<1600x1xf32>
    %slice3A_16 = vector.extract_strided_slice %sub3A_11 {offsets = [0, 2], sizes = [1600, 1], strides = [1, 1]} : vector<1600x8xf32> to vector<1600x1xf32>
    %mul3A = arith.mulf %slice3A, %slice3A_14 : vector<1600x1xf32>
    %mul3A_17 = arith.mulf %slice3A_12, %slice3A_15 : vector<1600x1xf32>
    %add3A = arith.addf %mul3A, %mul3A_17 : vector<1600x1xf32>
    %mul3A_18 = arith.mulf %slice3A_13, %slice3A_16 : vector<1600x1xf32>
    %add3A_19 = arith.addf %add3A, %mul3A_18 : vector<1600x1xf32>
    %mul3A_20 = arith.mulf %slice3A_12, %slice3A_16 : vector<1600x1xf32>
    %mul3A_21 = arith.mulf %slice3A_13, %slice3A_15 : vector<1600x1xf32>
    %sub3A_22 = arith.subf %mul3A_20, %mul3A_21 : vector<1600x1xf32>
    %mul3A_23 = arith.mulf %slice3A_13, %slice3A_14 : vector<1600x1xf32>
    %mul3A_24 = arith.mulf %slice3A, %slice3A_16 : vector<1600x1xf32>
    %sub3A_25 = arith.subf %mul3A_23, %mul3A_24 : vector<1600x1xf32>
    %mul3A_26 = arith.mulf %slice3A, %slice3A_15 : vector<1600x1xf32>
    %mul3A_27 = arith.mulf %slice3A_12, %slice3A_14 : vector<1600x1xf32>
    %sub3A_28 = arith.subf %mul3A_26, %mul3A_27 : vector<1600x1xf32>
    %mul3A_29 = arith.mulf %sub3A_22, %sub3A_22 : vector<1600x1xf32>
    %mul3A_30 = arith.mulf %sub3A_25, %sub3A_25 : vector<1600x1xf32>
    %add3A_31 = arith.addf %mul3A_29, %mul3A_30 : vector<1600x1xf32>
    %mul3A_32 = arith.mulf %sub3A_28, %sub3A_28 : vector<1600x1xf32>
    %add3A_33 = arith.addf %add3A_31, %mul3A_32 : vector<1600x1xf32>
    %sqrt3A = math.sqrt %add3A_33 : vector<1600x1xf32>
    %broadcast_in_dim3A = arith.constant 0.000000e+00 : f32
    %broadcast_in_dim3A_34 = vector.broadcast %broadcast_in_dim3A : f32 to vector<1600x1xf32>
    %mul3A_35 = arith.constant 0.866025388 : f32
    %mul3A_36 = vector.broadcast %mul3A_35 : f32 to vector<1600x1xf32>
    %mul3A_37 = arith.mulf %sqrt3A, %mul3A_36 : vector<1600x1xf32>
    %mul3A_38 = arith.constant 5.000000e-01 : f32
    %mul3A_39 = vector.broadcast %mul3A_38 : f32 to vector<1600x1xf32>
    %mul3A_40 = arith.mulf %add3A_19, %mul3A_39 : vector<1600x1xf32>
    %sub3A_41 = arith.subf %mul3A_37, %mul3A_40 : vector<1600x1xf32>
    %ge3A = arith.constant 0.000000e+00 : f32
    %ge3A_42 = vector.broadcast %ge3A : f32 to vector<1600x1xf32>
    %ge3A_43 = arith.cmpf oge, %sub3A_41, %ge3A_42 : vector<1600x1xf32>
    %jit3A = arith.constant 1.000000e+00 : f32
    %jit3A_44 = arith.constant 0.000000e+00 : f32
    %broadcast_in_dim3A_45 = vector.broadcast %jit3A : f32 to vector<1600x1xf32>
    %broadcast_in_dim3A_46 = vector.broadcast %jit3A_44 : f32 to vector<1600x1xf32>
    %select_n3A = arith.select %ge3A_43, %broadcast_in_dim3A_45, %broadcast_in_dim3A_46 : vector<1600x1xi1>, vector<1600x1xf32>
    %add3A_47 = arith.addf %broadcast_in_dim3A_34, %select_n3A : vector<1600x1xf32>
    %mul3A_48 = arith.constant 5.000000e-01 : f32
    %mul3A_49 = vector.broadcast %mul3A_48 : f32 to vector<1600x1xf32>
    %mul3A_50 = arith.mulf %sqrt3A, %mul3A_49 : vector<1600x1xf32>
    %mul3A_51 = arith.constant 0.866025388 : f32
    %mul3A_52 = vector.broadcast %mul3A_51 : f32 to vector<1600x1xf32>
    %mul3A_53 = arith.mulf %add3A_19, %mul3A_52 : vector<1600x1xf32>
    %sub3A_54 = arith.subf %mul3A_50, %mul3A_53 : vector<1600x1xf32>
    %ge3A_55 = arith.constant 0.000000e+00 : f32
    %ge3A_56 = vector.broadcast %ge3A_55 : f32 to vector<1600x1xf32>
    %ge3A_57 = arith.cmpf oge, %sub3A_54, %ge3A_56 : vector<1600x1xf32>
    %jit3A_58 = arith.constant 1.000000e+00 : f32
    %jit3A_59 = arith.constant 0.000000e+00 : f32
    %broadcast_in_dim3A_60 = vector.broadcast %jit3A_58 : f32 to vector<1600x1xf32>
    %broadcast_in_dim3A_61 = vector.broadcast %jit3A_59 : f32 to vector<1600x1xf32>
    %select_n3A_62 = arith.select %ge3A_57, %broadcast_in_dim3A_60, %broadcast_in_dim3A_61 : vector<1600x1xi1>, vector<1600x1xf32>
    %add3A_63 = arith.addf %add3A_47, %select_n3A_62 : vector<1600x1xf32>
    %mul3A_64 = arith.constant 2.6794897E-8 : f32
    %mul3A_65 = vector.broadcast %mul3A_64 : f32 to vector<1600x1xf32>
    %mul3A_66 = arith.mulf %sqrt3A, %mul3A_65 : vector<1600x1xf32>
    %mul3A_67 = arith.constant 1.000000e+00 : f32
    %mul3A_68 = vector.broadcast %mul3A_67 : f32 to vector<1600x1xf32>
    %mul3A_69 = arith.mulf %add3A_19, %mul3A_68 : vector<1600x1xf32>
    %sub3A_70 = arith.subf %mul3A_66, %mul3A_69 : vector<1600x1xf32>
    %ge3A_71 = arith.constant 0.000000e+00 : f32
    %ge3A_72 = vector.broadcast %ge3A_71 : f32 to vector<1600x1xf32>
    %ge3A_73 = arith.cmpf oge, %sub3A_70, %ge3A_72 : vector<1600x1xf32>
    %jit3A_74 = arith.constant 1.000000e+00 : f32
    %jit3A_75 = arith.constant 0.000000e+00 : f32
    %broadcast_in_dim3A_76 = vector.broadcast %jit3A_74 : f32 to vector<1600x1xf32>
    %broadcast_in_dim3A_77 = vector.broadcast %jit3A_75 : f32 to vector<1600x1xf32>
    %select_n3A_78 = arith.select %ge3A_73, %broadcast_in_dim3A_76, %broadcast_in_dim3A_77 : vector<1600x1xi1>, vector<1600x1xf32>
    %add3A_79 = arith.addf %add3A_63, %select_n3A_78 : vector<1600x1xf32>
    %mul3A_80 = arith.constant -0.49999997 : f32
    %mul3A_81 = vector.broadcast %mul3A_80 : f32 to vector<1600x1xf32>
    %mul3A_82 = arith.mulf %sqrt3A, %mul3A_81 : vector<1600x1xf32>
    %mul3A_83 = arith.constant 0.866025447 : f32
    %mul3A_84 = vector.broadcast %mul3A_83 : f32 to vector<1600x1xf32>
    %mul3A_85 = arith.mulf %add3A_19, %mul3A_84 : vector<1600x1xf32>
    %sub3A_86 = arith.subf %mul3A_82, %mul3A_85 : vector<1600x1xf32>
    %ge3A_87 = arith.constant 0.000000e+00 : f32
    %ge3A_88 = vector.broadcast %ge3A_87 : f32 to vector<1600x1xf32>
    %ge3A_89 = arith.cmpf oge, %sub3A_86, %ge3A_88 : vector<1600x1xf32>
    %jit3A_90 = arith.constant 1.000000e+00 : f32
    %jit3A_91 = arith.constant 0.000000e+00 : f32
    %broadcast_in_dim3A_92 = vector.broadcast %jit3A_90 : f32 to vector<1600x1xf32>
    %broadcast_in_dim3A_93 = vector.broadcast %jit3A_91 : f32 to vector<1600x1xf32>
    %select_n3A_94 = arith.select %ge3A_89, %broadcast_in_dim3A_92, %broadcast_in_dim3A_93 : vector<1600x1xi1>, vector<1600x1xf32>
    %add3A_95 = arith.addf %add3A_79, %select_n3A_94 : vector<1600x1xf32>
    %mul3A_96 = arith.constant -0.866025388 : f32
    %mul3A_97 = vector.broadcast %mul3A_96 : f32 to vector<1600x1xf32>
    %mul3A_98 = arith.mulf %sqrt3A, %mul3A_97 : vector<1600x1xf32>
    %mul3A_99 = arith.constant 0.50000006 : f32
    %mul3A_100 = vector.broadcast %mul3A_99 : f32 to vector<1600x1xf32>
    %mul3A_101 = arith.mulf %add3A_19, %mul3A_100 : vector<1600x1xf32>
    %sub3A_102 = arith.subf %mul3A_98, %mul3A_101 : vector<1600x1xf32>
    %ge3A_103 = arith.constant 0.000000e+00 : f32
    %ge3A_104 = vector.broadcast %ge3A_103 : f32 to vector<1600x1xf32>
    %ge3A_105 = arith.cmpf oge, %sub3A_102, %ge3A_104 : vector<1600x1xf32>
    %jit3A_106 = arith.constant 1.000000e+00 : f32
    %jit3A_107 = arith.constant 0.000000e+00 : f32
    %broadcast_in_dim3A_108 = vector.broadcast %jit3A_106 : f32 to vector<1600x1xf32>
    %broadcast_in_dim3A_109 = vector.broadcast %jit3A_107 : f32 to vector<1600x1xf32>
    %select_n3A_110 = arith.select %ge3A_105, %broadcast_in_dim3A_108, %broadcast_in_dim3A_109 : vector<1600x1xi1>, vector<1600x1xf32>
    %add3A_111 = arith.addf %add3A_95, %select_n3A_110 : vector<1600x1xf32>
    %convert_element_type3A = arith.fptosi %add3A_111 : vector<1600x1xf32> to vector<1600x1xi32>
    %iota3A = tpu.iota {dimensions = array<i32: 1>} : vector<1x8xi32>
    %eq3A = vector.broadcast %convert_element_type3A : vector<1600x1xi32> to vector<1600x8xi32>
    %eq3A_112 = vector.broadcast %iota3A : vector<1x8xi32> to vector<1600x8xi32>
    %eq3A_113 = arith.cmpi eq, %eq3A, %eq3A_112 : vector<1600x8xi32>
    %jit3A_114 = arith.constant 1.000000e+00 : f32
    %jit3A_115 = arith.constant 0.000000e+00 : f32
    %broadcast_in_dim3A_116 = vector.broadcast %jit3A_114 : f32 to vector<1600x8xf32>
    %broadcast_in_dim3A_117 = vector.broadcast %jit3A_115 : f32 to vector<1600x8xf32>
    %select_n3A_118 = arith.select %eq3A_113, %broadcast_in_dim3A_116, %broadcast_in_dim3A_117 : vector<1600x8xi1>, vector<1600x8xf32>
    %get3A_119 = arith.constant 0 : index
    %get3A_120 = arith.constant 0 : index
    %get3A_121 = vector.load %arg7[%get3A_119, %get3A_120] : memref<8x128xf32, #tpu.memory_space<vmem>>, vector<8x128xf32>
    %dot_general3A = arith.constant dense<0.000000e+00> : vector<1600x128xf32>
    %dot_general3A_122 = tpu.matmul %select_n3A_118, %get3A_121, %dot_general3A {dimension_numbers = #tpu.dot_dimension_numbers<[1], [0], [0], [1], [0, 0, 1, 1], [], []>, transpose_lhs_hint = false} : vector<1600x8xf32>, vector<8x128xf32>, vector<1600x128xf32> -> vector<1600x128xf32>
    %get3A_123 = arith.constant 0 : index
    %get3A_124 = arith.constant 0 : index
    %get3A_125 = vector.load %arg4[%get3A_123, %get3A_124] : memref<1600x256xf32, #tpu.memory_space<vmem>>, vector<1600x256xf32>
    %slice3A_126 = vector.extract_strided_slice %get3A_125 {offsets = [0, 0], sizes = [1600, 128], strides = [1, 1]} : vector<1600x256xf32> to vector<1600x128xf32>
    %slice3A_127 = vector.extract_strided_slice %get3A_125 {offsets = [0, 128], sizes = [1600, 128], strides = [1, 1]} : vector<1600x256xf32> to vector<1600x128xf32>
    %get3A_128 = arith.constant 0 : index
    %get3A_129 = arith.constant 0 : index
    %get3A_130 = vector.load %arg6[%get3A_128, %get3A_129] : memref<1600x8xf32, #tpu.memory_space<vmem>>, vector<1600x8xf32>
    %add3A_131 = arith.addf %slice3A_126, %dot_general3A_122 : vector<1600x128xf32>
    %get3A_132 = arith.constant 0 : index
    %get3A_133 = arith.constant 0 : index
    %get3A_134 = vector.load %arg5[%get3A_132, %get3A_133] : memref<1600x128xf32, #tpu.memory_space<vmem>>, vector<1600x128xf32>
    %add3A_135 = arith.addf %get3A_134, %dot_general3A_122 : vector<1600x128xf32>
    %mul3A_136 = arith.mulf %add3A_131, %add3A_135 : vector<1600x128xf32>
    %get3A_137 = arith.constant 0 : index
    %get3A_138 = arith.constant 0 : index
    %get3A_139 = vector.load %arg8[%get3A_137, %get3A_138] : memref<128x8xf32, #tpu.memory_space<vmem>>, vector<128x8xf32>
    %dot_general3A_140 = arith.constant dense<0.000000e+00> : vector<1600x8xf32>
    %dot_general3A_141 = tpu.matmul %mul3A_136, %get3A_139, %dot_general3A_140 {dimension_numbers = #tpu.dot_dimension_numbers<[1], [0], [0], [1], [0, 0, 1, 1], [], []>, transpose_lhs_hint = false} : vector<1600x128xf32>, vector<128x8xf32>, vector<1600x8xf32> -> vector<1600x8xf32>
    %mul3A_142 = arith.constant 2.500000e-01 : f32
    %mul3A_143 = vector.broadcast %mul3A_142 : f32 to vector<1600x8xf32>
    %mul3A_144 = arith.mulf %dot_general3A_141, %mul3A_143 : vector<1600x8xf32>
    %add3A_145 = arith.addf %mul3A_144, %get3A_130 : vector<1600x8xf32>
    %exp3A = math.exp %add3A_145 : vector<1600x8xf32>
    %swap3A = arith.constant 0 : index
    %swap3A_146 = arith.constant 0 : index
    %swap3A_147 = vector.load %arg9[%swap3A, %swap3A_146] : memref<1600x8xf32, #tpu.memory_space<vmem>>, vector<1600x8xf32>
    tpu.vector_store %arg9[%swap3A, %swap3A_146], %exp3A {strides = array<i32>} : memref<1600x8xf32, #tpu.memory_space<vmem>>, vector<1600x8xf32>,
    %add3A_148 = arith.addf %slice3A_127, %dot_general3A_122 : vector<1600x128xf32>
    %swap3A_149 = arith.constant 0 : index
    %swap3A_150 = arith.constant 0 : index
    %swap3A_151 = vector.load %arg10[%swap3A_149, %swap3A_150] : memref<1600x128xf32, #tpu.memory_space<vmem>>, vector<1600x128xf32>
    tpu.vector_store %arg10[%swap3A_149, %swap3A_150], %add3A_148 {strides = array<i32>} : memref<1600x128xf32, #tpu.memory_space<vmem>>, vector<1600x128xf32>,
    return
  }
  func.func @transform_0(%arg0: i32) -> (i32, i32) {
    %c0_i32 = arith.constant 0 : i32
    %c0_i32_0 = arith.constant 0 : i32
    return %arg0, %c0_i32 : i32, i32
  }
  func.func @transform_1(%arg0: i32) -> (i32, i32) {
    %c0_i32 = arith.constant 0 : i32
    %c0_i32_0 = arith.constant 0 : i32
    return %arg0, %c0_i32 : i32, i32
  }
  func.func @transform_2(%arg0: i32) -> (i32, i32) {
    %c0_i32 = arith.constant 0 : i32
    %c0_i32_0 = arith.constant 0 : i32
    return %arg0, %c0_i32 : i32, i32
  }
  func.func @transform_3(%arg0: i32) -> (i32, i32) {
    %c0_i32 = arith.constant 0 : i32
    %c0_i32_0 = arith.constant 0 : i32
    return %arg0, %c0_i32 : i32, i32
  }
  func.func @transform_4(%arg0: i32) -> (i32, i32) {
    %c0_i32 = arith.constant 0 : i32
    %c0_i32_0 = arith.constant 0 : i32
    return %arg0, %c0_i32 : i32, i32
  }
  func.func @transform_5(%arg0: i32) -> (i32, i32) {
    %c0_i32 = arith.constant 0 : i32
    %c0_i32_0 = arith.constant 0 : i32
    return %arg0, %c0_i32 : i32, i32
  }
  func.func @transform_6(%arg0: i32) -> (i32, i32) {
    %c0_i32 = arith.constant 0 : i32
    %c0_i32_0 = arith.constant 0 : i32
    %c0_i32_1 = arith.constant 0 : i32
    return %c0_i32, %c0_i32_0 : i32, i32
  }
  func.func @transform_7(%arg0: i32) -> (i32, i32) {
    %c0_i32 = arith.constant 0 : i32
    %c0_i32_0 = arith.constant 0 : i32
    %c0_i32_1 = arith.constant 0 : i32
    return %c0_i32, %c0_i32_0 : i32, i32
  }
  func.func @transform_8(%arg0: i32) -> (i32, i32) {
    %c0_i32 = arith.constant 0 : i32
    %c0_i32_0 = arith.constant 0 : i32
    return %arg0, %c0_i32 : i32, i32
  }
  func.func @transform_9(%arg0: i32) -> (i32, i32) {
    %c0_i32 = arith.constant 0 : i32
    %c0_i32_0 = arith.constant 0 : i32
    return %arg0, %c0_i32 : i32, i32
  }
}

module attributes {stable_mosaic.version = 14 : i64} {
  func.func @_trip2_kernel(%arg0: i32, %arg1: memref<1600x8xf32, #tpu.memory_space<vmem>>, %arg2: memref<1600x8xf32, #tpu.memory_space<vmem>>, %arg3: memref<1600x128xf32, #tpu.memory_space<vmem>>, %arg4: memref<128x8xf32, #tpu.memory_space<vmem>>, %arg5: memref<1600x128xf32, #tpu.memory_space<vmem>>) attributes {dimension_semantics = [#tpu.dimension_semantics<arbitrary>], iteration_bounds = array<i64: 200>, scalar_prefetch = 0 : i64, scratch_operands = 0 : i64, tpu.core_type = #tpu.core_type<tc>, window_params = [{transform_indices = @transform_0, window_bounds = array<i64: 1600, 8>}, {transform_indices = @transform_1, window_bounds = array<i64: 1600, 8>}, {transform_indices = @transform_2, window_bounds = array<i64: 1600, 128>}, {pipeline_mode = #tpu.pipeline_mode<synchronous>, transform_indices = @transform_3, window_bounds = array<i64: 128, 8>}, {transform_indices = @transform_4, window_bounds = array<i64: 1600, 128>}]} {
    %get3A = arith.constant 0 : index
    %get3A_0 = arith.constant 0 : index
    %get3A_1 = vector.load %arg1[%get3A, %get3A_0] : memref<1600x8xf32, #tpu.memory_space<vmem>>, vector<1600x8xf32>
    %get3A_2 = arith.constant 0 : index
    %get3A_3 = arith.constant 0 : index
    %get3A_4 = vector.load %arg2[%get3A_2, %get3A_3] : memref<1600x8xf32, #tpu.memory_space<vmem>>, vector<1600x8xf32>
    %div3A = arith.divf %get3A_1, %get3A_4 : vector<1600x8xf32>
    %get3A_5 = arith.constant 0 : index
    %get3A_6 = arith.constant 0 : index
    %get3A_7 = vector.load %arg4[%get3A_5, %get3A_6] : memref<128x8xf32, #tpu.memory_space<vmem>>, vector<128x8xf32>
    %transpose3A = tpu.transpose %get3A_7, [1, 0] : vector<128x8xf32> -> vector<8x128xf32>
    %dot_general3A = arith.constant dense<0.000000e+00> : vector<1600x128xf32>
    %dot_general3A_8 = tpu.matmul %div3A, %transpose3A, %dot_general3A {dimension_numbers = #tpu.dot_dimension_numbers<[1], [0], [0], [1], [0, 0, 1, 1], [], []>, transpose_lhs_hint = false} : vector<1600x8xf32>, vector<8x128xf32>, vector<1600x128xf32> -> vector<1600x128xf32>
    %get3A_9 = arith.constant 0 : index
    %get3A_10 = arith.constant 0 : index
    %get3A_11 = vector.load %arg3[%get3A_9, %get3A_10] : memref<1600x128xf32, #tpu.memory_space<vmem>>, vector<1600x128xf32>
    %mul3A = arith.mulf %get3A_11, %dot_general3A_8 : vector<1600x128xf32>
    %swap3A = arith.constant 0 : index
    %swap3A_12 = arith.constant 0 : index
    %swap3A_13 = vector.load %arg5[%swap3A, %swap3A_12] : memref<1600x128xf32, #tpu.memory_space<vmem>>, vector<1600x128xf32>
    tpu.vector_store %arg5[%swap3A, %swap3A_12], %mul3A {strides = array<i32>} : memref<1600x128xf32, #tpu.memory_space<vmem>>, vector<1600x128xf32>,
    return
  }
  func.func @transform_0(%arg0: i32) -> (i32, i32) {
    %c0_i32 = arith.constant 0 : i32
    %c0_i32_0 = arith.constant 0 : i32
    return %arg0, %c0_i32 : i32, i32
  }
  func.func @transform_1(%arg0: i32) -> (i32, i32) {
    %c0_i32 = arith.constant 0 : i32
    %c0_i32_0 = arith.constant 0 : i32
    return %arg0, %c0_i32 : i32, i32
  }
  func.func @transform_2(%arg0: i32) -> (i32, i32) {
    %c0_i32 = arith.constant 0 : i32
    %c0_i32_0 = arith.constant 0 : i32
    return %arg0, %c0_i32 : i32, i32
  }
  func.func @transform_3(%arg0: i32) -> (i32, i32) {
    %c0_i32 = arith.constant 0 : i32
    %c0_i32_0 = arith.constant 0 : i32
    %c0_i32_1 = arith.constant 0 : i32
    return %c0_i32, %c0_i32_0 : i32, i32
  }
  func.func @transform_4(%arg0: i32) -> (i32, i32) {
    %c0_i32 = arith.constant 0 : i32
    %c0_i32_0 = arith.constant 0 : i32
    return %arg0, %c0_i32 : i32, i32
  }
}

module attributes {stable_mosaic.version = 14 : i64} {
  func.func @_ffn_kernel(%arg0: i32, %arg1: memref<1600x128xf32, #tpu.memory_space<vmem>>, %arg2: memref<1x128xf32, #tpu.memory_space<vmem>>, %arg3: memref<1x128xf32, #tpu.memory_space<vmem>>, %arg4: memref<256x128xf32, #tpu.memory_space<vmem>>, %arg5: memref<128x256xf32, #tpu.memory_space<vmem>>, %arg6: memref<1600x128xf32, #tpu.memory_space<vmem>>) attributes {dimension_semantics = [#tpu.dimension_semantics<arbitrary>], iteration_bounds = array<i64: 100>, scalar_prefetch = 0 : i64, scratch_operands = 0 : i64, tpu.core_type = #tpu.core_type<tc>, window_params = [{transform_indices = @transform_0, window_bounds = array<i64: 1600, 128>}, {pipeline_mode = #tpu.pipeline_mode<synchronous>, transform_indices = @transform_1, window_bounds = array<i64: 1, 128>}, {pipeline_mode = #tpu.pipeline_mode<synchronous>, transform_indices = @transform_2, window_bounds = array<i64: 1, 128>}, {pipeline_mode = #tpu.pipeline_mode<synchronous>, transform_indices = @transform_3, window_bounds = array<i64: 256, 128>}, {pipeline_mode = #tpu.pipeline_mode<synchronous>, transform_indices = @transform_4, window_bounds = array<i64: 128, 256>}, {transform_indices = @transform_5, window_bounds = array<i64: 1600, 128>}]} {
    %get3A = arith.constant 0 : index
    %get3A_0 = arith.constant 0 : index
    %get3A_1 = vector.load %arg1[%get3A, %get3A_0] : memref<1600x128xf32, #tpu.memory_space<vmem>>, vector<1600x128xf32>
    %reduce_sum3A = arith.constant dense<0.000000e+00> : vector<1600xf32>
    %reduce_sum3A_2 = vector.multi_reduction <add>, %get3A_1, %reduce_sum3A [1] : vector<1600x128xf32> to vector<1600xf32>
    %broadcast_in_dim3A = vector.shape_cast %reduce_sum3A_2 : vector<1600xf32> to vector<1600x1xf32>
    %div3A = arith.constant 1.280000e+02 : f32
    %div3A_3 = vector.broadcast %div3A : f32 to vector<1600x1xf32>
    %div3A_4 = arith.divf %broadcast_in_dim3A, %div3A_3 : vector<1600x1xf32>
    %sub3A = vector.broadcast %div3A_4 : vector<1600x1xf32> to vector<1600x128xf32>
    %sub3A_5 = arith.subf %get3A_1, %sub3A : vector<1600x128xf32>
    %integer_pow3A = arith.mulf %sub3A_5, %sub3A_5 : vector<1600x128xf32>
    %reduce_sum3A_6 = arith.constant dense<0.000000e+00> : vector<1600xf32>
    %reduce_sum3A_7 = vector.multi_reduction <add>, %integer_pow3A, %reduce_sum3A_6 [1] : vector<1600x128xf32> to vector<1600xf32>
    %broadcast_in_dim3A_8 = vector.shape_cast %reduce_sum3A_7 : vector<1600xf32> to vector<1600x1xf32>
    %div3A_9 = arith.constant 1.280000e+02 : f32
    %div3A_10 = vector.broadcast %div3A_9 : f32 to vector<1600x1xf32>
    %div3A_11 = arith.divf %broadcast_in_dim3A_8, %div3A_10 : vector<1600x1xf32>
    %sub3A_12 = vector.broadcast %div3A_4 : vector<1600x1xf32> to vector<1600x128xf32>
    %sub3A_13 = arith.subf %get3A_1, %sub3A_12 : vector<1600x128xf32>
    %add3A = arith.constant 9.99999974E-6 : f32
    %add3A_14 = vector.broadcast %add3A : f32 to vector<1600x1xf32>
    %add3A_15 = arith.addf %div3A_11, %add3A_14 : vector<1600x1xf32>
    %sqrt3A = math.sqrt %add3A_15 : vector<1600x1xf32>
    %div3A_16 = vector.broadcast %sqrt3A : vector<1600x1xf32> to vector<1600x128xf32>
    %div3A_17 = arith.divf %sub3A_13, %div3A_16 : vector<1600x128xf32>
    %get3A_18 = arith.constant 0 : index
    %get3A_19 = arith.constant 0 : index
    %get3A_20 = vector.load %arg2[%get3A_18, %get3A_19] : memref<1x128xf32, #tpu.memory_space<vmem>>, vector<1x128xf32>
    %mul3A = vector.broadcast %get3A_20 : vector<1x128xf32> to vector<1600x128xf32>
    %mul3A_21 = arith.mulf %div3A_17, %mul3A : vector<1600x128xf32>
    %get3A_22 = arith.constant 0 : index
    %get3A_23 = arith.constant 0 : index
    %get3A_24 = vector.load %arg3[%get3A_22, %get3A_23] : memref<1x128xf32, #tpu.memory_space<vmem>>, vector<1x128xf32>
    %add3A_25 = vector.broadcast %get3A_24 : vector<1x128xf32> to vector<1600x128xf32>
    %add3A_26 = arith.addf %mul3A_21, %add3A_25 : vector<1600x128xf32>
    %get3A_27 = arith.constant 0 : index
    %get3A_28 = arith.constant 0 : index
    %get3A_29 = vector.load %arg4[%get3A_27, %get3A_28] : memref<256x128xf32, #tpu.memory_space<vmem>>, vector<256x128xf32>
    %transpose3A = tpu.transpose %get3A_29, [1, 0] : vector<256x128xf32> -> vector<128x256xf32>
    %dot_general3A = arith.constant dense<0.000000e+00> : vector<1600x256xf32>
    %dot_general3A_30 = tpu.matmul %add3A_26, %transpose3A, %dot_general3A {dimension_numbers = #tpu.dot_dimension_numbers<[1], [0], [0], [1], [0, 0, 1, 1], [], []>, transpose_lhs_hint = false} : vector<1600x128xf32>, vector<128x256xf32>, vector<1600x256xf32> -> vector<1600x256xf32>
    %max3A = arith.constant 0.000000e+00 : f32
    %max3A_31 = vector.broadcast %max3A : f32 to vector<1600x256xf32>
    %max3A_32 = arith.maximumf %dot_general3A_30, %max3A_31 : vector<1600x256xf32>
    %get3A_33 = arith.constant 0 : index
    %get3A_34 = arith.constant 0 : index
    %get3A_35 = vector.load %arg5[%get3A_33, %get3A_34] : memref<128x256xf32, #tpu.memory_space<vmem>>, vector<128x256xf32>
    %transpose3A_36 = tpu.transpose %get3A_35, [1, 0] : vector<128x256xf32> -> vector<256x128xf32>
    %dot_general3A_37 = arith.constant dense<0.000000e+00> : vector<1600x128xf32>
    %dot_general3A_38 = tpu.matmul %max3A_32, %transpose3A_36, %dot_general3A_37 {dimension_numbers = #tpu.dot_dimension_numbers<[1], [0], [0], [1], [0, 0, 1, 1], [], []>, transpose_lhs_hint = false} : vector<1600x256xf32>, vector<256x128xf32>, vector<1600x128xf32> -> vector<1600x128xf32>
    %add3A_39 = arith.addf %dot_general3A_38, %get3A_1 : vector<1600x128xf32>
    %reduce_sum3A_40 = arith.constant dense<0.000000e+00> : vector<1600xf32>
    %reduce_sum3A_41 = vector.multi_reduction <add>, %add3A_39, %reduce_sum3A_40 [1] : vector<1600x128xf32> to vector<1600xf32>
    %broadcast_in_dim3A_42 = vector.shape_cast %reduce_sum3A_41 : vector<1600xf32> to vector<1600x1xf32>
    %div3A_43 = arith.constant 1.280000e+02 : f32
    %div3A_44 = vector.broadcast %div3A_43 : f32 to vector<1600x1xf32>
    %div3A_45 = arith.divf %broadcast_in_dim3A_42, %div3A_44 : vector<1600x1xf32>
    %sub3A_46 = vector.broadcast %div3A_45 : vector<1600x1xf32> to vector<1600x128xf32>
    %sub3A_47 = arith.subf %add3A_39, %sub3A_46 : vector<1600x128xf32>
    %integer_pow3A_48 = arith.mulf %sub3A_47, %sub3A_47 : vector<1600x128xf32>
    %reduce_sum3A_49 = arith.constant dense<0.000000e+00> : vector<1600xf32>
    %reduce_sum3A_50 = vector.multi_reduction <add>, %integer_pow3A_48, %reduce_sum3A_49 [1] : vector<1600x128xf32> to vector<1600xf32>
    %broadcast_in_dim3A_51 = vector.shape_cast %reduce_sum3A_50 : vector<1600xf32> to vector<1600x1xf32>
    %div3A_52 = arith.constant 1.280000e+02 : f32
    %div3A_53 = vector.broadcast %div3A_52 : f32 to vector<1600x1xf32>
    %div3A_54 = arith.divf %broadcast_in_dim3A_51, %div3A_53 : vector<1600x1xf32>
    %sub3A_55 = vector.broadcast %div3A_45 : vector<1600x1xf32> to vector<1600x128xf32>
    %sub3A_56 = arith.subf %add3A_39, %sub3A_55 : vector<1600x128xf32>
    %add3A_57 = arith.constant 9.99999974E-6 : f32
    %add3A_58 = vector.broadcast %add3A_57 : f32 to vector<1600x1xf32>
    %add3A_59 = arith.addf %div3A_54, %add3A_58 : vector<1600x1xf32>
    %sqrt3A_60 = math.sqrt %add3A_59 : vector<1600x1xf32>
    %div3A_61 = vector.broadcast %sqrt3A_60 : vector<1600x1xf32> to vector<1600x128xf32>
    %div3A_62 = arith.divf %sub3A_56, %div3A_61 : vector<1600x128xf32>
    %swap3A = arith.constant 0 : index
    %swap3A_63 = arith.constant 0 : index
    %swap3A_64 = vector.load %arg6[%swap3A, %swap3A_63] : memref<1600x128xf32, #tpu.memory_space<vmem>>, vector<1600x128xf32>
    tpu.vector_store %arg6[%swap3A, %swap3A_63], %div3A_62 {strides = array<i32>} : memref<1600x128xf32, #tpu.memory_space<vmem>>, vector<1600x128xf32>,
    return
  }
  func.func @transform_0(%arg0: i32) -> (i32, i32) {
    %c0_i32 = arith.constant 0 : i32
    %c0_i32_0 = arith.constant 0 : i32
    return %arg0, %c0_i32 : i32, i32
  }
  func.func @transform_1(%arg0: i32) -> (i32, i32) {
    %c0_i32 = arith.constant 0 : i32
    %c0_i32_0 = arith.constant 0 : i32
    %c0_i32_1 = arith.constant 0 : i32
    return %c0_i32, %c0_i32_0 : i32, i32
  }
  func.func @transform_2(%arg0: i32) -> (i32, i32) {
    %c0_i32 = arith.constant 0 : i32
    %c0_i32_0 = arith.constant 0 : i32
    %c0_i32_1 = arith.constant 0 : i32
    return %c0_i32, %c0_i32_0 : i32, i32
  }
  func.func @transform_3(%arg0: i32) -> (i32, i32) {
    %c0_i32 = arith.constant 0 : i32
    %c0_i32_0 = arith.constant 0 : i32
    %c0_i32_1 = arith.constant 0 : i32
    return %c0_i32, %c0_i32_0 : i32, i32
  }
  func.func @transform_4(%arg0: i32) -> (i32, i32) {
    %c0_i32 = arith.constant 0 : i32
    %c0_i32_0 = arith.constant 0 : i32
    %c0_i32_1 = arith.constant 0 : i32
    return %c0_i32, %c0_i32_0 : i32, i32
  }
  func.func @transform_5(%arg0: i32) -> (i32, i32) {
    %c0_i32 = arith.constant 0 : i32
    %c0_i32_0 = arith.constant 0 : i32
    return %arg0, %c0_i32 : i32, i32
  }
}

</mosaic_0001>

<sc_bundles>
// kernel: kernel.12.cloned.1.call-start
scs
__scs_entry_jumppad:
0x0: {  	(pc) =	sbr.rel $0x88, $3  }
0x1: {  	(tag) =	ssettag $0x0;
	lr =	simm.s32 $0x1  }
0x2: {  	[smem:$0x3F8A] =	sst lr;
	_ =	strace $0xD0000000  }
0x3: {  	_ = 	snop  }
0x4: {  	_ = 	snop  }
0x5: {  	_ = 	snop  }
0x6: {  	_ = 	snop  }
0x7: {  	_ = 	snop  }
__scs_overlays_trampoline_lowered:
0x8: {  	[smem:$0x3F99] =	sst s0  }
0x9: {  	[smem:$0x3F9A] =	sst s1  }
0xa: {  	[smem:$0x3F9B] =	sst s2  }
0xb: {  	[smem:$0x3F9C] =	sst s3  }
0xc: {  	[smem:$0x3F9D] =	sst s4  }
0xd: {  	[smem:$0x3F9E] =	sst s5  }
0xe: {  	[smem:$0x3F9F] =	sst s6  }
0xf: {  	[smem:$0x3FA0] =	sst s7  }
0x10: {  	[smem:$0x3FA1] =	sst s8  }
0x11: {  	[smem:$0x3FA2] =	sst s9;
	s0 =	simm.s32 @!p0 $0x0  }
0x12: {  	s1 =	sld [smem:$0x3F88];
	s0 =	simm.s32 @p0 $0x1  }
0x13: {  	[smem:$0x3FA3] =	sst s0;
	s0 =	simm.s32 @!p1 $0x0  }
0x14: {  	s2 =	sld [smem:$0x3F87];
	s0 =	simm.s32 @p1 $0x1  }
0x15: {  	[smem:$0x3FA4] =	sst s0;
	s0 =	simm.s32 @!p2 $0x0  }
0x16: {  	s3 =	sld [smem:$0x3FDB];
	s0 =	simm.s32 @p2 $0x1  }
0x17: {  	s4 =	simm.s32 $0x1BF5;
	[smem:$0x3FA6] =	sst s0  }
0x18: {  	s0 =	sld [smem:$0x3F89];
	_ =	swait.ge [sflag:s4], $0x0  }
0x19: {  	s7 =	sld [smem:$0x3F8A]  }
0x1a: {  	s8 =	sadd.s32 $0xFFFFE003, lr  }
0x1b: {  	s9 =	sadd.s32 $0xFFFFFEF7, lr;
	s5 =	simm.s32 $0xFFFFFFFF;
	p2 =	slt.u32 s8, $0xFFFFF086  }
0x1c: {  	p1 =	slt.u32 s9, $0xF7A;
	s5 =	simm.s32 @!p2 $0x0  }
0x1d: {  	s5 =	simm.s32 @p1 $0x1;
	p0 =	seq.s32 s7, s2  }
0x1e: {  	s7 =	smul.u32 @!p0 $0xF7A, s2;
	p2 =	seq.s32 @!p0 s5, $0x0  }
0x1f: {  	s9 =	smul.u32 $0xF7A, s1;
	s8 =	simm.s32 @!p0 $0x1BF5;
	p2 =	por !p2, p0  }
0x20: {  	[sflag:s8] =	ssyncset.s32 @!p0 $0xFFFFF086;
	s6 =	sadd.s32 @!p0 s3, s7;
	s7 =	simm.s32 @!p0 $0x108  }
0x21: {  	s3 =	sadd.s32 s3, s9;
	s6 =	sadd.s32 @!p0 $0x88, s6;
	s7 =	simm.s32 @p2 $0x1082  }
0x22: {  	[simem:s7], [sflag:s8] =	dma.local @!p0 [hbm:s6], $0xF7A  }
0x23: {  	s9 =	sor.u32 $0xD0000000, s2;
	s6 =	simm.s32 $0x108;
	_ =	swait.ge @!p0 [sflag:s8], $0x0  }
0x24: {  	s3 =	sadd.s32 $0x88, s3;
	s6 =	simm.s32 @!p1 $0x1082;
	[sflag:s4] =	ssyncset.s32 $0xFFFFF086  }
0x25: {  	[simem:s6], [sflag:s4] =	dma.local [hbm:s3], $0xF7A  }
0x26: {  	[smem:$0x3F8A] =	sst s1;
	(tag) =	ssettag s2;
	_ =	strace s9  }
0x27: {  	s1 =	sld [smem:$0x3F9A]  }
0x28: {  	s2 =	sld [smem:$0x3F9B]  }
0x29: {  	s4 =	sld [smem:$0x3F9D]  }
0x2a: {  	p0 =	seq.s32 s5, $0x0;
	s5 =	sld [smem:$0x3F9E]  }
0x2b: {  	s6 =	sld [smem:$0x3F9F]  }
0x2c: {  	s7 =	sld [smem:$0x3FA0]  }
0x2d: {  	s3 =	simm.s32 $0x108;
	s8 =	sld [smem:$0x3FA1]  }
0x2e: {  	s3 =	simm.s32 @!p0 $0x1082;
	s9 =	sld [smem:$0x3FA2]  }
0x2f: {  	lr =	sadd.s32 s0, s3;
	s0 =	sld [smem:$0x3F99]  }
0x30: {  	s3 =	sld [smem:$0x3F9C]  }
0x31: {  	[smem:$0x3FA5] =	sst s10  }
0x32: {  	s10 =	sld [smem:$0x3FA3];
	_ =	sdelay $0x3  }
0x33: {  	p0 =	seq.s32 s10, $0x1;
	s10 =	sld [smem:$0x3FA5];
	_ =	sdelay $0x3  }
0x34: {  	[smem:$0x3FA5] =	sst s10  }
0x35: {  	s10 =	sld [smem:$0x3FA4];
	_ =	sdelay $0x3  }
0x36: {  	p1 =	seq.s32 s10, $0x1;
	s10 =	sld [smem:$0x3FA5];
	_ =	sdelay $0x3  }
0x37: {  	[smem:$0x3FA5] =	sst s10  }
0x38: {  	s10 =	sld [smem:$0x3FA6]  }
0x39: {  	_ = 	snop;
	(pc) =	sbr.ind lr, $3  }
0x3a: {  	_ = 	snop  }
0x3b: {  	_ = 	snop  }
0x3c: {  	p2 =	seq.s32 s10, $0x1;
	s10 =	sld [smem:$0x3FA5]  }
0x3d: {  	_ =	shalt  }
0x3e: {  	_ =	shalt  }
0x3f: {  	_ =	shalt  }
0x40: {  	_ =	shalt  }
0x41: {  	_ =	shalt  }
0x42: {  	_ =	shalt  }
0x43: {  	_ =	shalt  }
0x44: {  	_ =	shalt  }
0x45: {  	_ =	shalt  }
0x46: {  	_ =	shalt  }
0x47: {  	_ =	shalt  }
0x48: {  	_ =	shalt  }
0x49: {  	_ =	shalt  }
0x4a: {  	_ =	shalt  }
0x4b: {  	_ =	shalt  }
0x4c: {  	_ =	shalt  }
0x4d: {  	_ =	shalt  }
0x4e: {  	_ =	shalt  }
0x4f: {  	_ =	shalt  }
0x50: {  	_ =	shalt  }
0x51: {  	_ =	shalt  }
0x52: {  	_ =	shalt  }
0x53: {  	_ =	shalt  }
0x54: {  	_ =	shalt  }
0x55: {  	_ =	shalt  }
0x56: {  	_ =	shalt  }
0x57: {  	_ =	shalt  }
0x58: {  	_ =	shalt  }
0x59: {  	_ =	shalt  }
0x5a: {  	_ =	shalt  }
0x5b: {  	_ =	shalt  }
0x5c: {  	_ =	shalt  }
0x5d: {  	_ =	shalt  }
0x5e: {  	_ =	shalt  }
0x5f: {  	_ =	shalt  }
0x60: {  	_ =	shalt  }
0x61: {  	_ =	shalt  }
0x62: {  	_ =	shalt  }
0x63: {  	_ =	shalt  }
0x64: {  	_ =	shalt  }
0x65: {  	_ =	shalt  }
0x66: {  	_ =	shalt  }
0x67: {  	_ =	shalt  }
0x68: {  	_ =	shalt  }
0x69: {  	_ =	shalt  }
0x6a: {  	_ =	shalt  }
0x6b: {  	_ =	shalt  }
0x6c: {  	_ =	shalt  }
0x6d: {  	_ =	shalt  }
0x6e: {  	_ =	shalt  }
0x6f: {  	_ =	shalt  }
0x70: {  	_ =	shalt  }
0x71: {  	_ =	shalt  }
0x72: {  	_ =	shalt  }
0x73: {  	_ =	shalt  }
0x74: {  	_ =	shalt  }
0x75: {  	_ =	shalt  }
0x76: {  	_ =	shalt  }
0x77: {  	_ =	shalt  }
0x78: {  	_ =	shalt  }
0x79: {  	_ =	shalt  }
0x7a: {  	_ =	shalt  }
0x7b: {  	_ =	shalt  }
0x7c: {  	_ =	shalt  }
0x7d: {  	_ =	shalt  }
0x7e: {  	_ =	shalt  }
0x7f: {  	_ =	shalt  }
0x80: {  	_ =	shalt  }
0x81: {  	_ =	shalt  }
0x82: {  	_ =	shalt  }
0x83: {  	_ =	shalt  }
0x84: {  	_ =	shalt  }
0x85: {  	_ =	shalt  }
0x86: {  	_ =	shalt  }
0x87: {  	_ =	shalt  }
.Lfunc_end0:
.L_simem_size_0:
called_computation.3_lowered:
.L_overlay_start_0:
0x88: {  	s2 =	sld [smem:$0x3FD9]  }
0x89: {  	s3 =	sld [smem:$0x3FFE];
	_ =	sdelay $0x1  }
0x8a: {  	s1 =	srdreg.scid  }
0x8b: {  	s0 =	sand.u32 $0x1, s1  }
0x8c: {  	s17 =	sshll.u32 s0, $0xA;
	s2 =	sadd.s32 s3, s2  }
0x8d: {  	s2 =	sadd.s32 s2, s17  }
0x8e: {  	[smem:$0x3FB1] =	sst s2  }
0x8f: {  	_ = 	snop  }
0x90: {  	s2 =	sld [smem:$0x3FC5];
	(tm) =	ssettm $0x1  }
0x91: {  	s18 =	sld [smem:$0x3FFB];
	_ =	sdelay $0x3  }
0x92: {  	_ =	strace s18  }
0x93: {  	s3 =	sld [smem:$0x3FFC];
	_ =	sdelay $0x3  }
0x94: {  	_ =	strace s3  }
0x95: {  	s3 =	sld [smem:$0x3FFD];
	_ =	sdelay $0x3  }
0x96: {  	_ =	strace s3  }
0x97: {  	_ =	strace $0x8FFFFFFF  }
0x98: {  	s19 =	sld [smem:$0x3FDB];
	_ =	sdelay $0x1  }
0x99: {  	s4 =	simm.s32 $_scs_section_size  }
0x9a: {  	s5 =	simm.s32 $_size__tile_overlayer_lowered;
	s6 =	simm.s32 $_tile_overlayer_lowered  }
0x9b: {  	s22 =	simm.s32 $0x1BFF;
	s21 =	sshll.u32 s6, $0x1;
	s3 =	sadd.s32 s4, s19  }
0x9c: {  	s7 =	simm.s32 $0x0;
	s20 =	sshll.u32 s5, $0x1;
	s5 =	sadd.s32 s21, s3  }
0x9d: {  	[timem:s7], [sflag:s22] =	dma.local [hbm:s5], s20  }
0x9e: {  	_ =	swait.ge [sflag:s22], s20  }
0x9f: {  	s4 =	ssub.s32 $0x0, s20;
	[sflag:s22] =	ssyncset.done $0x0  }
0xa0: {  	[sflag:s22] =	ssyncadd.s32 s4;
	_ =	sdelay $0x1  }
0xa1: {  	s23 =	simm.s32 $0x1B8B  }
0xa2: {  	_ =	swait.ge [sflag:s23], $0x1  }
0xa3: {  	[sflag:s23] =	ssyncset.done $0x0  }
0xa4: {  	s25 =	simm.s32 $0x1B8E;
	s24 =	sld [smem:$0x3FFE];
	[sflag:s23] =	ssyncadd.s32 $0xFFFFFFFF  }
0xa5: {  	s26 =	simm.s32 $execute0_lowered;
	[smem:$0x3FD2] =	sst s25  }
0xa6: {  	s5 =	sshll.u32 s26, $0x1;
	_ =	strace $0x80000046;
	[dreg:$0x1] =	wrdreg $0xFFFFFFFF  }
0xa7: {  	s28 =	simm.s32 $_size_execute0_lowered;
	s3 =	sadd.s32 s3, s5;
	[dreg:$0x0] =	wrdreg $0x0  }
0xa8: {  	s5 =	sshll.u32 s28, $0x1;
	[dreg:$0x2] =	wrdreg s3  }
0xa9: {  	[dreg:$0x3] =	wrdreg s5  }
0xaa: {  	[dreg:$0x4] =	wrdreg $0xC0  }
0xab: {  	_ =	task [dreg:s7], $0x5FFFF  }
0xac: {  	[dreg:$0x1] =	wrdreg $0xFFFFFFFF  }
0xad: {  	[dreg:$0x0] =	wrdreg $0x60  }
0xae: {  	[dreg:$0x2] =	wrdreg s24  }
0xaf: {  	[dreg:$0x3] =	wrdreg s2  }
0xb0: {  	[dreg:$0x4] =	wrdreg $0xA  }
0xb1: {  	_ =	task.clear_ibuf [dreg:s7], $0x5FFFF;
	_ =	strace $0x90000046  }
0xb2: {  	s29 =	simm.s32 $0xA;
	_ =	strace $0x80000048  }
0xb3: {  	_ =	swait.ge [sflag:s29], $0x1  }
0xb4: {  	[sflag:s29] =	ssyncadd.s32 $0xFFFFFFFF  }
0xb5: {  	_ =	strace $0x90000048  }
0xb6: {  	_ =	sfence  }
0xb7: {  	s30 =	sld [smem:$0x0];
	_ =	sdelay $0x2  }
0xb8: {  	s31 =	sshll.u32 s1, $0xD;
	s1 =	sshrl.u32 s1, $0x2  }
0xb9: {  	s3 =	sand.u32 $0x4000, s31;
	s1 =	sadd.s32 s1, s30  }
0xba: {  	s0 =	sor.u32 s3, s0;
	s1 =	sshll.u32 s1, $0x11  }
0xbb: {  	s0 =	sor.u32 s1, s0  }
0xbc: {  	s0 =	sadd.s32 $0x8F2B, s0  }
0xbd: {  	[sflag:s0] =	ssyncadd.remote.s32 $0x1  }
0xbe: {  	_ =	sfence.sel $0xFFFF  }
0xbf: {  	[dreg:$0x0] =	wrdreg $0xFFFFFFFF;
	(pc) =	sbr.abs _section_cstart, $3  }
0xc0: {  	[dreg:$0x1] =	wrdreg $0xFFFFFFFF  }
0xc1: {  	_ =	task.clear_ibuf [dreg:s7], $0x2FFFF;
	_ =	strace $0x9FFFFFFF  }
0xc2: {  	(tm) =	ssettm $0x7FFFFFFF  }
0xc3: {  	_ =	shalt  }
tec
execute0_lowered:
.L_overlay_start_1:
0x0: {  	(tag) =	ssettag $0x1  }
0x1: {  	s4 =	rddreg [dreg:$0x0]  }
0x2: {  	s6 =	rddreg [dreg:$0x1]  }
0x3: {  	s0 =	rddreg [dreg:$0x2];
	s1 =	stileid.u32  }
0x4: {  	s2 =	simm.s32 $0x0;
	s3 =	srdreg.scid;
	s12 =	simm.s32 $0x5200  }
0x5: {  	s13 =	simm.s32 $0xF0;
	s14 =	simm.s32 $0x7A00;
	s15 =	simm.s32 $0x140  }
0x6: {  	s16 =	simm.s32 $0xA200;
	s17 =	simm.s32 $0x1;
	s18 =	simm.s32 $0x2  }
0x7: {  	s19 =	simm.s32 $0x3;
	s20 =	simm.s32 $0x4;
	s5 =	smul.u32 $0x4E200, s1  }
0x8: {  	s21 =	simm.s32 $0x5;
	s7 =	sand.u32 $0x1, s3;
	s8 =	smul.u32 $0x4E20, s1  }
0x9: {  	s22 =	simm.s32 $0x0;
	[smem:$0x7FF] =	sst s2;
	s10 =	smul.u32 $0x2710, s7  }
0xa: {  	s3 =	sadd.s32 $0x4E5200, s4;
	s9 =	ssub.s32 $0x2, s7;
	s7 =	smul.u32 $0x27100, s7  }
0xb: {  	_ =	strace $0x80000047;
	s11 =	sshrl.u32 s9, $0x1;
	s5 =	sadd.s32 s5, s4  }
0xc: {  	s30 =	ssub.s32 s9, s11;
	s8 =	sadd.s32 s10, s8;
	s5 =	sadd.s32 s7, s5  }
0xd: {  	s7 =	simm.s32 $0x6;
	s9 =	simm.s32 $0x200;
	s10 =	simm.s32 $0x2A00  }
0xe: {  	s11 =	simm.s32 $0xA0;
	s4 =	smax.u32 s30, $0x1;
	s31 =	sshrl.u32 s8, $0x3  }
0xf: {  	s5 =	sadd.s32 $0xC38200, s5;
	s8 =	simm.s32 $0x50;
	s6 =	sadd.s32 s31, s6  }
.LBB2_1:
0x10: {  	[tilespmem:s2], [sflag:$0x6] =	stream.linear.gather [hbm4b:s6+s2], $0x190, $0x38;
	[tilespmem:$0xCA00] =	vst v63  }
0x11: {  	_ =	swait.ge [sflag:s7], $0x190  }
0x12: {  	[sflag:s7] =	ssyncset.done $0x0  }
0x13: {  	[sflag:s7] =	ssyncadd.s32 $0xFFFFFE70  }
0x14: {  	[tilespmem:s9], [sflag:$0x1] =	stream.indirect.gather [hbm4b:s3+s8], $0x80, s2, s8, $0xb8;
	[tilespmem:$0xCA00] =	vst v63  }
0x15: {  	_ = 	snop  }
0x16: {  	[tilespmem:s10], [sflag:$0x2] =	stream.indirect.gather [hbm4b:s3+s8], $0x80, s8, s8, $0xb8;
	[tilespmem:$0xCA00] =	vst v63  }
0x17: {  	_ = 	snop  }
0x18: {  	[tilespmem:s12], [sflag:$0x3] =	stream.indirect.gather [hbm4b:s3+s8], $0x80, s11, s8, $0xb8;
	[tilespmem:$0xCA00] =	vst v63  }
0x19: {  	_ = 	snop  }
0x1a: {  	[tilespmem:s14], [sflag:$0x4] =	stream.indirect.gather [hbm4b:s3+s8], $0x80, s13, s8, $0xb8;
	[tilespmem:$0xCA00] =	vst v63  }
0x1b: {  	_ = 	snop  }
0x1c: {  	[tilespmem:s16], [sflag:$0x5] =	stream.indirect.gather [hbm4b:s3+s8], $0x80, s15, s8, $0xb8;
	[tilespmem:$0xCA00] =	vst v63  }
0x1d: {  	_ =	swait.ge [sflag:s17], $0x2800  }
0x1e: {  	[sflag:s17] =	ssyncset.done $0x0  }
0x1f: {  	s23 =	sadd.s32 $0x0, s5;
	[sflag:s17] =	ssyncadd.s32 $0xFFFFD800  }
0x20: {  	[hbm4b:s23+s2] =	stream.linear.scatter [tilespmem:s9], [sflag:$0x6], $0x2800, $0x38;
	[tilespmem:$0xCA00] =	vst v63  }
0x21: {  	_ =	swait.ge [sflag:s7], $0x2800  }
0x22: {  	[sflag:s7] =	ssyncset.done $0x0  }
0x23: {  	[sflag:s7] =	ssyncadd.s32 $0xFFFFD800  }
0x24: {  	_ =	swait.ge [sflag:s18], $0x2800  }
0x25: {  	[sflag:s18] =	ssyncset.done $0x0  }
0x26: {  	s24 =	sadd.s32 $0x500, s23;
	[sflag:s18] =	ssyncadd.s32 $0xFFFFD800  }
0x27: {  	[hbm4b:s24+s2] =	stream.linear.scatter [tilespmem:s10], [sflag:$0x6], $0x2800, $0x38;
	[tilespmem:$0xCA00] =	vst v63  }
0x28: {  	_ =	swait.ge [sflag:s7], $0x2800  }
0x29: {  	[sflag:s7] =	ssyncset.done $0x0  }
0x2a: {  	[sflag:s7] =	ssyncadd.s32 $0xFFFFD800  }
0x2b: {  	_ =	swait.ge [sflag:s19], $0x2800  }
0x2c: {  	[sflag:s19] =	ssyncset.done $0x0  }
0x2d: {  	s30 =	sadd.s32 $0xA00, s23;
	[sflag:s19] =	ssyncadd.s32 $0xFFFFD800  }
0x2e: {  	[hbm4b:s30+s2] =	stream.linear.scatter [tilespmem:s12], [sflag:$0x6], $0x2800, $0x38;
	[tilespmem:$0xCA00] =	vst v63  }
0x2f: {  	_ =	swait.ge [sflag:s7], $0x2800  }
0x30: {  	[sflag:s7] =	ssyncset.done $0x0  }
0x31: {  	[sflag:s7] =	ssyncadd.s32 $0xFFFFD800  }
0x32: {  	_ =	swait.ge [sflag:s20], $0x2800  }
0x33: {  	[sflag:s20] =	ssyncset.done $0x0  }
0x34: {  	s31 =	sadd.s32 $0xF00, s23;
	[sflag:s20] =	ssyncadd.s32 $0xFFFFD800  }
0x35: {  	[hbm4b:s31+s2] =	stream.linear.scatter [tilespmem:s14], [sflag:$0x6], $0x2800, $0x38;
	[tilespmem:$0xCA00] =	vst v63  }
0x36: {  	_ =	swait.ge [sflag:s7], $0x2800  }
0x37: {  	[sflag:s7] =	ssyncset.done $0x0  }
0x38: {  	[sflag:s7] =	ssyncadd.s32 $0xFFFFD800  }
0x39: {  	_ =	swait.ge [sflag:s21], $0x2800  }
0x3a: {  	[sflag:s21] =	ssyncset.done $0x0  }
0x3b: {  	s23 =	sadd.s32 $0x1400, s23;
	[sflag:s21] =	ssyncadd.s32 $0xFFFFD800  }
0x3c: {  	[hbm4b:s23+s2] =	stream.linear.scatter [tilespmem:s16], [sflag:$0x6], $0x2800, $0x38;
	[tilespmem:$0xCA00] =	vst v63  }
0x3d: {  	_ =	swait.ge [sflag:s7], $0x2800  }
0x3e: {  	s24 =	smov.u32 s6;
	s23 =	simm.s32 $0x1900;
	[sflag:s7] =	ssyncset.done $0x0  }
.LBB2_2:
0x3f: {  	p0 =	sne.s32 s23, $0x25800;
	[sflag:s7] =	ssyncadd.s32 $0xFFFFD800;
	s24 =	sadd.s32 $0x32, s24  }
0x40: {  	[tilespmem:s2], [sflag:$0x6] =	stream.linear.gather [hbm4b:s24+s2], $0x190, $0x38;
	[tilespmem:$0xCA00] =	vst v63  }
0x41: {  	s25 =	smov.u32 s23;
	s23 =	sadd.s32 $0x1900, s23;
	_ =	swait.ge [sflag:s7], $0x190  }
0x42: {  	[sflag:s7] =	ssyncset.done $0x0  }
0x43: {  	[sflag:s7] =	ssyncadd.s32 $0xFFFFFE70  }
0x44: {  	[tilespmem:s9], [sflag:$0x1] =	stream.indirect.gather [hbm4b:s3+s8], $0x80, s2, s8, $0xb8;
	[tilespmem:$0xCA00] =	vst v63  }
0x45: {  	_ = 	snop  }
0x46: {  	[tilespmem:s10], [sflag:$0x2] =	stream.indirect.gather [hbm4b:s3+s8], $0x80, s8, s8, $0xb8;
	[tilespmem:$0xCA00] =	vst v63  }
0x47: {  	_ = 	snop  }
0x48: {  	[tilespmem:s12], [sflag:$0x3] =	stream.indirect.gather [hbm4b:s3+s8], $0x80, s11, s8, $0xb8;
	[tilespmem:$0xCA00] =	vst v63  }
0x49: {  	_ = 	snop  }
0x4a: {  	[tilespmem:s14], [sflag:$0x4] =	stream.indirect.gather [hbm4b:s3+s8], $0x80, s13, s8, $0xb8;
	[tilespmem:$0xCA00] =	vst v63  }
0x4b: {  	_ = 	snop  }
0x4c: {  	[tilespmem:s16], [sflag:$0x5] =	stream.indirect.gather [hbm4b:s3+s8], $0x80, s15, s8, $0xb8;
	[tilespmem:$0xCA00] =	vst v63  }
0x4d: {  	_ =	swait.ge [sflag:s17], $0x2800  }
0x4e: {  	[sflag:s17] =	ssyncset.done $0x0  }
0x4f: {  	s25 =	sadd.s32 s25, s5;
	[sflag:s17] =	ssyncadd.s32 $0xFFFFD800  }
0x50: {  	[hbm4b:s25+s2] =	stream.linear.scatter [tilespmem:s9], [sflag:$0x6], $0x2800, $0x38;
	[tilespmem:$0xCA00] =	vst v63  }
0x51: {  	_ =	swait.ge [sflag:s7], $0x2800  }
0x52: {  	[sflag:s7] =	ssyncset.done $0x0  }
0x53: {  	[sflag:s7] =	ssyncadd.s32 $0xFFFFD800  }
0x54: {  	_ =	swait.ge [sflag:s18], $0x2800  }
0x55: {  	[sflag:s18] =	ssyncset.done $0x0  }
0x56: {  	s26 =	sadd.s32 $0x500, s25;
	[sflag:s18] =	ssyncadd.s32 $0xFFFFD800  }
0x57: {  	[hbm4b:s26+s2] =	stream.linear.scatter [tilespmem:s10], [sflag:$0x6], $0x2800, $0x38;
	[tilespmem:$0xCA00] =	vst v63  }
0x58: {  	_ =	swait.ge [sflag:s7], $0x2800  }
0x59: {  	[sflag:s7] =	ssyncset.done $0x0  }
0x5a: {  	[sflag:s7] =	ssyncadd.s32 $0xFFFFD800  }
0x5b: {  	_ =	swait.ge [sflag:s19], $0x2800  }
0x5c: {  	[sflag:s19] =	ssyncset.done $0x0  }
0x5d: {  	s26 =	sadd.s32 $0xA00, s25;
	[sflag:s19] =	ssyncadd.s32 $0xFFFFD800  }
0x5e: {  	[hbm4b:s26+s2] =	stream.linear.scatter [tilespmem:s12], [sflag:$0x6], $0x2800, $0x38;
	[tilespmem:$0xCA00] =	vst v63  }
0x5f: {  	_ =	swait.ge [sflag:s7], $0x2800  }
0x60: {  	[sflag:s7] =	ssyncset.done $0x0  }
0x61: {  	[sflag:s7] =	ssyncadd.s32 $0xFFFFD800  }
0x62: {  	_ =	swait.ge [sflag:s20], $0x2800  }
0x63: {  	[sflag:s20] =	ssyncset.done $0x0  }
0x64: {  	s26 =	sadd.s32 $0xF00, s25;
	[sflag:s20] =	ssyncadd.s32 $0xFFFFD800  }
0x65: {  	[hbm4b:s26+s2] =	stream.linear.scatter [tilespmem:s14], [sflag:$0x6], $0x2800, $0x38;
	[tilespmem:$0xCA00] =	vst v63  }
0x66: {  	_ =	swait.ge [sflag:s7], $0x2800  }
0x67: {  	[sflag:s7] =	ssyncset.done $0x0  }
0x68: {  	[sflag:s7] =	ssyncadd.s32 $0xFFFFD800  }
0x69: {  	_ =	swait.ge [sflag:s21], $0x2800  }
.Ltmp0:
0x6a: {  	[sflag:s21] =	ssyncset.done $0x0;
	(pc) =	sbr.rel @p0 .LBB2_2-.Ltmp0, $4  }
0x6b: {  	s25 =	sadd.s32 $0x1400, s25;
	[sflag:s21] =	ssyncadd.s32 $0xFFFFD800  }
0x6c: {  	[hbm4b:s25+s2] =	stream.linear.scatter [tilespmem:s16], [sflag:$0x6], $0x2800, $0x38;
	[tilespmem:$0xCA00] =	vst v63  }
0x6d: {  	_ =	swait.ge [sflag:s7], $0x2800  }
0x6e: {  	[sflag:s7] =	ssyncset.done $0x0  }
0x6f: {  	s22 =	sadd.s32 $0x1, s22  }
0x70: {  	p0 =	sne.s32 s22, s4  }
.Ltmp1:
0x71: {  	_ = 	snop;
	(pc) =	sbr.rel @p0 .LBB2_1-.Ltmp1, $2  }
0x72: {  	_ =	sdelay $0x2  }
0x73: {  	[sflag:s7] =	ssyncadd.s32 $0xFFFFD800  }
0x74: {  	_ =	sfence.sel $0x180000  }
0x75: {  	[bflag:$0x0] =	sbarrier.arrive $0xFFFF  }
0x76: {  	p0 =	sne.s32 s1, $0x0;
	_ =	strace $0x90000047  }
0x77: {  	s0 =	sadd.s32 @!p0 $0x100000, s0;
	[bflag:$0x2] =	sbarrier.arrive $0xFFFF  }
0x78: {  	[sflag:s0] =	ssyncadd.tile.s32 @!p0 $0x1;
	_ =	shalt  }
.Lfunc_end2:
_tile_overlayer_lowered:
.L_overlay_start_2:
0x79: {  	(tag) =	ssettag $0x2  }
0x7a: {  	s0 =	rddreg [dreg:$0x0];
	s2 =	stileid.u32  }
0x7b: {  	s1 =	rddreg [dreg:$0x1];
	p0 =	sne.s32 s2, $0x0  }
0x7c: {  	s3 =	rddreg [dreg:$0x2];
	[bflag:$0x3] =	sbarrier.arrive $0xFFFF;
	s2 =	simm.s32 @!p0 $0x1C06  }
0x7d: {  	[timem:s3], [sflag:s2] =	dma.local @!p0 [hbm:s0], s1  }
0x7e: {  	s0 =	simm.s32 @!p0 $0x6  }
0x7f: {  	_ =	swait.ge @!p0 [sflag:s0], s1  }
0x80: {  	s1 =	ssub.s32 @!p0 $0x0, s1;
	[sflag:s0] =	ssyncset.done @!p0 $0x0  }
0x81: {  	[sflag:s0] =	ssyncadd.s32 @!p0 s1  }
0x82: {  	[bflag:$0x3] =	sbarrier.arrive $0xFFFF  }
0x83: {  	_ =	shalt  }

// kernel: kernel.9.cloned.1.call-start
scs
__scs_entry_jumppad:
0x0: {  	(pc) =	sbr.rel $0x88, $3  }
0x1: {  	(tag) =	ssettag $0x0;
	lr =	simm.s32 $0x1  }
0x2: {  	[smem:$0x3F8A] =	sst lr;
	_ =	strace $0xD0000000  }
0x3: {  	_ = 	snop  }
0x4: {  	_ = 	snop  }
0x5: {  	_ = 	snop  }
0x6: {  	_ = 	snop  }
0x7: {  	_ = 	snop  }
__scs_overlays_trampoline_lowered:
0x8: {  	[smem:$0x3F99] =	sst s0  }
0x9: {  	[smem:$0x3F9A] =	sst s1  }
0xa: {  	[smem:$0x3F9B] =	sst s2  }
0xb: {  	[smem:$0x3F9C] =	sst s3  }
0xc: {  	[smem:$0x3F9D] =	sst s4  }
0xd: {  	[smem:$0x3F9E] =	sst s5  }
0xe: {  	[smem:$0x3F9F] =	sst s6  }
0xf: {  	[smem:$0x3FA0] =	sst s7  }
0x10: {  	[smem:$0x3FA1] =	sst s8  }
0x11: {  	[smem:$0x3FA2] =	sst s9;
	s0 =	simm.s32 @!p0 $0x0  }
0x12: {  	s1 =	sld [smem:$0x3F88];
	s0 =	simm.s32 @p0 $0x1  }
0x13: {  	[smem:$0x3FA3] =	sst s0;
	s0 =	simm.s32 @!p1 $0x0  }
0x14: {  	s2 =	sld [smem:$0x3F87];
	s0 =	simm.s32 @p1 $0x1  }
0x15: {  	[smem:$0x3FA4] =	sst s0;
	s0 =	simm.s32 @!p2 $0x0  }
0x16: {  	s3 =	sld [smem:$0x3FDB];
	s0 =	simm.s32 @p2 $0x1  }
0x17: {  	s4 =	simm.s32 $0x1BF5;
	[smem:$0x3FA6] =	sst s0  }
0x18: {  	s0 =	sld [smem:$0x3F89];
	_ =	swait.ge [sflag:s4], $0x0  }
0x19: {  	s7 =	sld [smem:$0x3F8A]  }
0x1a: {  	s8 =	sadd.s32 $0xFFFFE003, lr  }
0x1b: {  	s9 =	sadd.s32 $0xFFFFFEF7, lr;
	s5 =	simm.s32 $0xFFFFFFFF;
	p2 =	slt.u32 s8, $0xFFFFF086  }
0x1c: {  	p1 =	slt.u32 s9, $0xF7A;
	s5 =	simm.s32 @!p2 $0x0  }
0x1d: {  	s5 =	simm.s32 @p1 $0x1;
	p0 =	seq.s32 s7, s2  }
0x1e: {  	s7 =	smul.u32 @!p0 $0xF7A, s2;
	p2 =	seq.s32 @!p0 s5, $0x0  }
0x1f: {  	s9 =	smul.u32 $0xF7A, s1;
	s8 =	simm.s32 @!p0 $0x1BF5;
	p2 =	por !p2, p0  }
0x20: {  	[sflag:s8] =	ssyncset.s32 @!p0 $0xFFFFF086;
	s6 =	sadd.s32 @!p0 s3, s7;
	s7 =	simm.s32 @!p0 $0x108  }
0x21: {  	s3 =	sadd.s32 s3, s9;
	s6 =	sadd.s32 @!p0 $0x88, s6;
	s7 =	simm.s32 @p2 $0x1082  }
0x22: {  	[simem:s7], [sflag:s8] =	dma.local @!p0 [hbm:s6], $0xF7A  }
0x23: {  	s9 =	sor.u32 $0xD0000000, s2;
	s6 =	simm.s32 $0x108;
	_ =	swait.ge @!p0 [sflag:s8], $0x0  }
0x24: {  	s3 =	sadd.s32 $0x88, s3;
	s6 =	simm.s32 @!p1 $0x1082;
	[sflag:s4] =	ssyncset.s32 $0xFFFFF086  }
0x25: {  	[simem:s6], [sflag:s4] =	dma.local [hbm:s3], $0xF7A  }
0x26: {  	[smem:$0x3F8A] =	sst s1;
	(tag) =	ssettag s2;
	_ =	strace s9  }
0x27: {  	s1 =	sld [smem:$0x3F9A]  }
0x28: {  	s2 =	sld [smem:$0x3F9B]  }
0x29: {  	s4 =	sld [smem:$0x3F9D]  }
0x2a: {  	p0 =	seq.s32 s5, $0x0;
	s5 =	sld [smem:$0x3F9E]  }
0x2b: {  	s6 =	sld [smem:$0x3F9F]  }
0x2c: {  	s7 =	sld [smem:$0x3FA0]  }
0x2d: {  	s3 =	simm.s32 $0x108;
	s8 =	sld [smem:$0x3FA1]  }
0x2e: {  	s3 =	simm.s32 @!p0 $0x1082;
	s9 =	sld [smem:$0x3FA2]  }
0x2f: {  	lr =	sadd.s32 s0, s3;
	s0 =	sld [smem:$0x3F99]  }
0x30: {  	s3 =	sld [smem:$0x3F9C]  }
0x31: {  	[smem:$0x3FA5] =	sst s10  }
0x32: {  	s10 =	sld [smem:$0x3FA3];
	_ =	sdelay $0x3  }
0x33: {  	p0 =	seq.s32 s10, $0x1;
	s10 =	sld [smem:$0x3FA5];
	_ =	sdelay $0x3  }
0x34: {  	[smem:$0x3FA5] =	sst s10  }
0x35: {  	s10 =	sld [smem:$0x3FA4];
	_ =	sdelay $0x3  }
0x36: {  	p1 =	seq.s32 s10, $0x1;
	s10 =	sld [smem:$0x3FA5];
	_ =	sdelay $0x3  }
0x37: {  	[smem:$0x3FA5] =	sst s10  }
0x38: {  	s10 =	sld [smem:$0x3FA6]  }
0x39: {  	_ = 	snop;
	(pc) =	sbr.ind lr, $3  }
0x3a: {  	_ = 	snop  }
0x3b: {  	_ = 	snop  }
0x3c: {  	p2 =	seq.s32 s10, $0x1;
	s10 =	sld [smem:$0x3FA5]  }
0x3d: {  	_ =	shalt  }
0x3e: {  	_ =	shalt  }
0x3f: {  	_ =	shalt  }
0x40: {  	_ =	shalt  }
0x41: {  	_ =	shalt  }
0x42: {  	_ =	shalt  }
0x43: {  	_ =	shalt  }
0x44: {  	_ =	shalt  }
0x45: {  	_ =	shalt  }
0x46: {  	_ =	shalt  }
0x47: {  	_ =	shalt  }
0x48: {  	_ =	shalt  }
0x49: {  	_ =	shalt  }
0x4a: {  	_ =	shalt  }
0x4b: {  	_ =	shalt  }
0x4c: {  	_ =	shalt  }
0x4d: {  	_ =	shalt  }
0x4e: {  	_ =	shalt  }
0x4f: {  	_ =	shalt  }
0x50: {  	_ =	shalt  }
0x51: {  	_ =	shalt  }
0x52: {  	_ =	shalt  }
0x53: {  	_ =	shalt  }
0x54: {  	_ =	shalt  }
0x55: {  	_ =	shalt  }
0x56: {  	_ =	shalt  }
0x57: {  	_ =	shalt  }
0x58: {  	_ =	shalt  }
0x59: {  	_ =	shalt  }
0x5a: {  	_ =	shalt  }
0x5b: {  	_ =	shalt  }
0x5c: {  	_ =	shalt  }
0x5d: {  	_ =	shalt  }
0x5e: {  	_ =	shalt  }
0x5f: {  	_ =	shalt  }
0x60: {  	_ =	shalt  }
0x61: {  	_ =	shalt  }
0x62: {  	_ =	shalt  }
0x63: {  	_ =	shalt  }
0x64: {  	_ =	shalt  }
0x65: {  	_ =	shalt  }
0x66: {  	_ =	shalt  }
0x67: {  	_ =	shalt  }
0x68: {  	_ =	shalt  }
0x69: {  	_ =	shalt  }
0x6a: {  	_ =	shalt  }
0x6b: {  	_ =	shalt  }
0x6c: {  	_ =	shalt  }
0x6d: {  	_ =	shalt  }
0x6e: {  	_ =	shalt  }
0x6f: {  	_ =	shalt  }
0x70: {  	_ =	shalt  }
0x71: {  	_ =	shalt  }
0x72: {  	_ =	shalt  }
0x73: {  	_ =	shalt  }
0x74: {  	_ =	shalt  }
0x75: {  	_ =	shalt  }
0x76: {  	_ =	shalt  }
0x77: {  	_ =	shalt  }
0x78: {  	_ =	shalt  }
0x79: {  	_ =	shalt  }
0x7a: {  	_ =	shalt  }
0x7b: {  	_ =	shalt  }
0x7c: {  	_ =	shalt  }
0x7d: {  	_ =	shalt  }
0x7e: {  	_ =	shalt  }
0x7f: {  	_ =	shalt  }
0x80: {  	_ =	shalt  }
0x81: {  	_ =	shalt  }
0x82: {  	_ =	shalt  }
0x83: {  	_ =	shalt  }
0x84: {  	_ =	shalt  }
0x85: {  	_ =	shalt  }
0x86: {  	_ =	shalt  }
0x87: {  	_ =	shalt  }
.Lfunc_end0:
.L_simem_size_0:
called_computation.2_lowered:
.L_overlay_start_0:
0x88: {  	s2 =	sld [smem:$0x3FD9]  }
0x89: {  	s3 =	sld [smem:$0x3FFE];
	_ =	sdelay $0x1  }
0x8a: {  	s1 =	srdreg.scid  }
0x8b: {  	s0 =	sand.u32 $0x1, s1  }
0x8c: {  	s17 =	sshll.u32 s0, $0xA;
	s2 =	sadd.s32 s3, s2  }
0x8d: {  	s2 =	sadd.s32 s2, s17  }
0x8e: {  	[smem:$0x3FB1] =	sst s2  }
0x8f: {  	_ = 	snop  }
0x90: {  	s18 =	sld [smem:$0x3FC6];
	(tm) =	ssettm $0x1  }
0x91: {  	s19 =	sld [smem:$0x3FFB];
	_ =	sdelay $0x3  }
0x92: {  	_ =	strace s19  }
0x93: {  	s2 =	sld [smem:$0x3FFC];
	_ =	sdelay $0x3  }
0x94: {  	_ =	strace s2  }
0x95: {  	s2 =	sld [smem:$0x3FFD];
	_ =	sdelay $0x3  }
0x96: {  	_ =	strace s2  }
0x97: {  	_ =	strace $0x8FFFFFFF  }
0x98: {  	s20 =	sld [smem:$0x3FDB];
	_ =	sdelay $0x1  }
0x99: {  	s4 =	simm.s32 $_scs_section_size  }
0x9a: {  	s5 =	simm.s32 $_size__tile_overlayer_lowered;
	s6 =	simm.s32 $_tile_overlayer_lowered  }
0x9b: {  	s7 =	simm.s32 $0x1BFF;
	s21 =	sshll.u32 s6, $0x1;
	s4 =	sadd.s32 s4, s20  }
0x9c: {  	s22 =	simm.s32 $0x0;
	s5 =	sshll.u32 s5, $0x1;
	s6 =	sadd.s32 s21, s4  }
0x9d: {  	[timem:s22], [sflag:s7] =	dma.local [hbm:s6], s5  }
0x9e: {  	_ =	swait.ge [sflag:s7], s5  }
0x9f: {  	s5 =	ssub.s32 $0x0, s5;
	[sflag:s7] =	ssyncset.done $0x0  }
0xa0: {  	[sflag:s7] =	ssyncadd.s32 s5;
	_ =	sdelay $0x1  }
0xa1: {  	s23 =	simm.s32 $0x1B8B  }
0xa2: {  	_ =	swait.ge [sflag:s23], $0x1  }
0xa3: {  	[sflag:s23] =	ssyncset.done $0x0  }
0xa4: {  	[sflag:s23] =	ssyncadd.s32 $0xFFFFFFFF  }
0xa5: {  	s5 =	sld [smem:$0x0]  }
0xa6: {  	s6 =	sand.u32 $0xFFFFFFFE, s1  }
0xa7: {  	p0 =	sne.s32 s1, s6  }
0xa8: {  	s6 =	sshll.u32 @p0 s6, $0xE  }
0xa9: {  	s6 =	sadd.s32 @p0 $0x11B8D, s6;
	s7 =	sshll.u32 @p0 s5, $0x11  }
0xaa: {  	s6 =	sor.u32 @p0 s7, s6  }
0xab: {  	[sflag:s6] =	ssyncadd.remote.s32 @p0 $0x1;
	_ =	sdelay $0x1  }
0xac: {  	s6 =	simm.s32 @p0 $0x1B8D  }
0xad: {  	_ =	swait.eq @p0 [sflag:s6], $0x1  }
0xae: {  	[sflag:s6] =	ssyncadd.s32 @p0 $0xFFFFFFFF  }
0xaf: {  	s7 =	sshll.u32 @!p0 s1, $0xE  }
0xb0: {  	s7 =	sor.u32 @!p0 $0x4000, s7;
	s6 =	simm.s32 @!p0 $0x1B8D  }
0xb1: {  	s5 =	sshll.u32 @!p0 s5, $0x11;
	s7 =	sadd.s32 @!p0 $0x11B8D, s7;
	_ =	swait.eq @!p0 [sflag:s6], $0x1  }
0xb2: {  	s5 =	sor.u32 @!p0 s5, s7;
	[sflag:s6] =	ssyncadd.s32 @!p0 $0xFFFFFFFF  }
0xb3: {  	s25 =	simm.s32 $0x1B8E;
	s24 =	sld [smem:$0x3FFE];
	[sflag:s5] =	ssyncadd.remote.s32 @!p0 $0x1  }
0xb4: {  	s26 =	simm.s32 $execute0_lowered;
	[smem:$0x3FD2] =	sst s25  }
0xb5: {  	s6 =	sshll.u32 s26, $0x1;
	_ =	strace $0x80000049;
	[dreg:$0x1] =	wrdreg $0xFFFFFFFF  }
0xb6: {  	s28 =	simm.s32 $_size_execute0_lowered;
	s4 =	sadd.s32 s4, s6;
	[dreg:$0x0] =	wrdreg $0x0  }
0xb7: {  	s6 =	sshll.u32 s28, $0x1;
	[dreg:$0x2] =	wrdreg s4  }
0xb8: {  	[dreg:$0x3] =	wrdreg s6  }
0xb9: {  	[dreg:$0x4] =	wrdreg $0xC0  }
0xba: {  	_ =	task [dreg:s22], $0x5FFFF  }
0xbb: {  	[dreg:$0x1] =	wrdreg $0xFFFFFFFF  }
0xbc: {  	[dreg:$0x0] =	wrdreg $0x60  }
0xbd: {  	[dreg:$0x2] =	wrdreg s24  }
0xbe: {  	[dreg:$0x3] =	wrdreg s18  }
0xbf: {  	[dreg:$0x4] =	wrdreg $0x9  }
0xc0: {  	_ =	task.clear_ibuf [dreg:s22], $0x5FFFF;
	_ =	strace $0x90000049  }
0xc1: {  	s29 =	simm.s32 $0x9;
	_ =	strace $0x8000004B  }
0xc2: {  	_ =	swait.ge [sflag:s29], $0x1  }
0xc3: {  	[sflag:s29] =	ssyncadd.s32 $0xFFFFFFFF  }
0xc4: {  	_ =	strace $0x9000004B  }
0xc5: {  	_ =	sfence  }
0xc6: {  	s30 =	sld [smem:$0x0];
	_ =	sdelay $0x2  }
0xc7: {  	s31 =	sshll.u32 s1, $0xD;
	s1 =	sshrl.u32 s1, $0x2  }
0xc8: {  	s4 =	sand.u32 $0x4000, s31;
	s1 =	sadd.s32 s1, s30  }
0xc9: {  	s0 =	sor.u32 s4, s0;
	s1 =	sshll.u32 s1, $0x11  }
0xca: {  	s0 =	sor.u32 s1, s0  }
0xcb: {  	s0 =	sadd.s32 $0x8F2B, s0  }
0xcc: {  	[sflag:s0] =	ssyncadd.remote.s32 $0x1  }
0xcd: {  	_ =	sfence.sel $0xFFFF  }
0xce: {  	[dreg:$0x0] =	wrdreg $0xFFFFFFFF;
	(pc) =	sbr.abs _section_cstart, $3  }
0xcf: {  	[dreg:$0x1] =	wrdreg $0xFFFFFFFF  }
0xd0: {  	_ =	task.clear_ibuf [dreg:s22], $0x2FFFF;
	_ =	strace $0x9FFFFFFF  }
0xd1: {  	(tm) =	ssettm $0x7FFFFFFF  }
tec
execute0_lowered:
.L_overlay_start_1:
0x0: {  	(tag) =	ssettag $0x1  }
0x1: {  	s3 =	rddreg [dreg:$0x0]  }
0x2: {  	s5 =	rddreg [dreg:$0x1];
	s2 =	simm.s32 $0x0  }
0x3: {  	s18 =	simm.s32 $0xA00;
	[smem:$0x7FF] =	sst s2  }
0x4: {  	s19 =	simm.s32 $0x1200;
	_ =	strace $0x8000004A;
	[dreg:$0x4] =	wrdreg s18  }
0x5: {  	s20 =	simm.s32 $0x1A00;
	[dreg:$0x5] =	wrdreg s19  }
0x6: {  	s21 =	simm.s32 $0x2200;
	[dreg:$0x6] =	wrdreg s20  }
0x7: {  	s22 =	simm.s32 $0x2A00;
	[dreg:$0x7] =	wrdreg s21  }
0x8: {  	s23 =	simm.s32 $0x3200;
	[dreg:$0x8] =	wrdreg s22  }
0x9: {  	s24 =	simm.s32 $0x3A00;
	[dreg:$0x9] =	wrdreg s23  }
0xa: {  	s25 =	simm.s32 $0x4200;
	[dreg:$0xa] =	wrdreg s24  }
0xb: {  	s26 =	simm.s32 $0x4A00;
	[dreg:$0xb] =	wrdreg s25  }
0xc: {  	s29 =	simm.s32 $0x5A00;
	[dreg:$0xc] =	wrdreg s26  }
0xd: {  	s30 =	simm.s32 $0x6200;
	[dreg:$0xd] =	wrdreg s29  }
0xe: {  	s1 =	srdreg.scid;
	s31 =	simm.s32 $0x6A00;
	[dreg:$0xe] =	wrdreg s30  }
0xf: {  	s4 =	sand.u32 $0x1, s1;
	s1 =	simm.s32 $0x7200;
	[dreg:$0xf] =	wrdreg s31  }
0x10: {  	s8 =	simm.s32 $0x8200;
	[dreg:$0x10] =	wrdreg s1  }
0x11: {  	s9 =	simm.s32 $0x8A00;
	[dreg:$0x12] =	wrdreg s8  }
0x12: {  	s10 =	simm.s32 $0x9200;
	[dreg:$0x13] =	wrdreg s9  }
0x13: {  	s11 =	simm.s32 $0x9A00;
	[dreg:$0x14] =	wrdreg s10  }
0x14: {  	s12 =	simm.s32 $0xAA00;
	[dreg:$0x15] =	wrdreg s11  }
0x15: {  	s13 =	simm.s32 $0xB200;
	[dreg:$0x16] =	wrdreg s12  }
0x16: {  	s0 =	stileid.u32;
	s14 =	simm.s32 $0xBA00;
	[dreg:$0x17] =	wrdreg s13  }
0x17: {  	s16 =	simm.s32 $0xC200;
	s17 =	simm.s32 $0xCA00;
	[dreg:$0x18] =	wrdreg s14  }
0x18: {  	s28 =	simm.s32 $0x0;
	s6 =	smul.u32 $0x9C400, s0;
	[dreg:$0x19] =	wrdreg s16  }
0x19: {  	s7 =	smul.u32 $0x4E200, s4;
	[dreg:$0x1a] =	wrdreg s17;
	s18 =	simm.s32 $0xD200  }
0x1a: {  	s15 =	ssub.s32 $0x2, s4;
	s20 =	simm.s32 $0xDA00;
	[dreg:$0x1b] =	wrdreg s18  }
0x1b: {  	s19 =	smul.u32 $0x4E20, s0;
	s21 =	simm.s32 $0xE200;
	[dreg:$0x1c] =	wrdreg s20  }
0x1c: {  	s9 =	smul.u32 $0x2710, s4;
	s22 =	simm.s32 $0xEA00;
	[dreg:$0x1d] =	wrdreg s21  }
0x1d: {  	s24 =	simm.s32 $0xFA00;
	s25 =	simm.s32 $0x10200;
	[dreg:$0x1e] =	wrdreg s22  }
0x1e: {  	s26 =	simm.s32 $0x10A00;
	s29 =	simm.s32 $0x11200;
	[dreg:$0x1f] =	wrdreg s24  }
0x1f: {  	s30 =	simm.s32 $0x11A00;
	s10 =	simm.s32 $0x12200;
	[smem:$0x7F7] =	sst s25  }
0x20: {  	s11 =	simm.s32 $0x12A00;
	s31 =	simm.s32 $0x13200;
	[smem:$0x7F8] =	sst s26  }
0x21: {  	s12 =	simm.s32 $0x14200;
	s13 =	simm.s32 $0x14A00;
	[smem:$0x7F9] =	sst s29  }
0x22: {  	s14 =	simm.s32 $0x15200;
	s16 =	simm.s32 $0x16200;
	[smem:$0x7FA] =	sst s30  }
0x23: {  	s17 =	simm.s32 $0x16A00;
	s6 =	sadd.s32 s6, s3;
	[smem:$0x7FB] =	sst s10  }
0x24: {  	s3 =	sadd.s32 $0x756200, s3;
	s8 =	sshrl.u32 s15, $0x1;
	[smem:$0x7FC] =	sst s11  }
0x25: {  	s10 =	simm.s32 $0xF200;
	[smem:$0x7FD] =	sst s31;
	s11 =	simm.s32 $0x13A00  }
0x26: {  	s18 =	simm.s32 $0x17200;
	s20 =	simm.s32 $0x18200;
	s21 =	simm.s32 $0x18A00  }
0x27: {  	s22 =	simm.s32 $0x1;
	s24 =	simm.s32 $0x3;
	s25 =	simm.s32 $0x4  }
0x28: {  	s26 =	simm.s32 $0x5;
	s6 =	sadd.s32 s7, s6;
	s7 =	simm.s32 $0x7A00  }
0x29: {  	s23 =	sadd.s32 s9, s19;
	s9 =	simm.s32 $0xA200;
	s19 =	simm.s32 $0x17A00  }
0x2a: {  	s6 =	sadd.s32 $0x111A200, s6;
	[dreg:$0x11] =	wrdreg s7;
	s7 =	ssub.s32 s15, s8  }
0x2b: {  	v2 =	vlaneseq.u32;
	s8 =	simm.s32 $0x5200;
	s15 =	simm.s32 $0x15A00;
	[dreg:$0x3] =	wrdreg s6  }
0x2c: {  	vm0 =	vmmov $0xffff;
	v1 =	vshrl.u32 v2, $0x3;
	s4 =	smax.u32 s7, $0x1;
	s7 =	sshrl.u32 s23, $0x3;
	s6 =	simm.s32 $0x6  }
0x2d: {  	v0 =	vand.u32 $0x7, v2;
	v2 =	vor.u32 $0x8, v2;
	v1 =	vmul.u32 $0x8, v1;
	s23 =	simm.s32 $0x2;
	s5 =	sadd.s32 s7, s5;
	s7 =	simm.s32 $0x200  }
.LBB2_1:
0x2e: {  	s29 =	smov.u32 s5;
	s30 =	simm.s32 $0x0  }
.LBB2_2:
0x2f: {  	[tilespmem:s2], [sflag:$0x6] =	stream.linear.gather [hbm4b:s29+s2], $0x190, $0x38;
	[tilespmem:$0x19200] =	vst v63  }
0x30: {  	_ =	swait.ge [sflag:s6], $0x190  }
0x31: {  	[sflag:s6] =	ssyncset.done $0x0  }
0x32: {  	[sflag:s6] =	ssyncadd.s32 $0xFFFFFE70  }
0x33: {  	v3 =	vld [tilespmem:$0x0];
	_ =	sdelay $0x4  }
0x34: {  	v4 =	vshll.u32 v3, $0x1  }
0x35: {  	v3 =	vand.u32 $0x7, v3;
	v4 =	vand.u32 $0xFFFFFFF0, v4  }
0x36: {  	v3 =	vor.u32 v3, v4  }
0x37: {  	v4 =	vperm.xlane v3, v0;
	_ =	sdelay $0x1  }
0x38: {  	v3 =	vperm.xlane v3, v2;
	v4 =	vadd.s32 v1, v4;
	_ =	sdelay $0x1  }
0x39: {  	v3 =	vadd.s32 v1, v3;
	_ =	sdelay $0x2  }
0x3a: {  	[tilespmem:s7], [sflag:$0x1] =	stream.indirect_vreg.gather [hbm4b:s3+s2], $0x80, v4, vm0, $0xb8;
	[tilespmem:$0x19200] =	vst v63  }
0x3b: {  	s31 =	rddreg [dreg:$0x4]  }
0x3c: {  	[tilespmem:s31], [sflag:$0x1] =	stream.indirect_vreg.gather [hbm4b:s3+s2], $0x80, v3, vm0, $0xb8;
	[tilespmem:$0x19200] =	vst v63  }
0x3d: {  	v3 =	vld [tilespmem:$0x10];
	_ =	sdelay $0x4  }
0x3e: {  	v40 =	vshll.u32 v3, $0x1  }
0x3f: {  	v3 =	vand.u32 $0x7, v3;
	v4 =	vand.u32 $0xFFFFFFF0, v40  }
0x40: {  	v3 =	vor.u32 v3, v4  }
0x41: {  	v4 =	vperm.xlane v3, v0;
	_ =	sdelay $0x1  }
0x42: {  	v3 =	vperm.xlane v3, v2;
	v4 =	vadd.s32 v1, v4;
	_ =	sdelay $0x1  }
0x43: {  	v3 =	vadd.s32 v1, v3;
	_ =	sdelay $0x1  }
0x44: {  	s31 =	rddreg [dreg:$0x5]  }
0x45: {  	[tilespmem:s31], [sflag:$0x1] =	stream.indirect_vreg.gather [hbm4b:s3+s2], $0x80, v4, vm0, $0xb8;
	[tilespmem:$0x19200] =	vst v63  }
0x46: {  	s1 =	rddreg [dreg:$0x6]  }
0x47: {  	[tilespmem:s1], [sflag:$0x1] =	stream.indirect_vreg.gather [hbm4b:s3+s2], $0x80, v3, vm0, $0xb8;
	[tilespmem:$0x19200] =	vst v63  }
0x48: {  	v3 =	vld [tilespmem:$0x20];
	_ =	sdelay $0x4  }
0x49: {  	v41 =	vshll.u32 v3, $0x1  }
0x4a: {  	v3 =	vand.u32 $0x7, v3;
	v4 =	vand.u32 $0xFFFFFFF0, v41  }
0x4b: {  	v3 =	vor.u32 v3, v4  }
0x4c: {  	v4 =	vperm.xlane v3, v0;
	_ =	sdelay $0x1  }
0x4d: {  	v3 =	vperm.xlane v3, v2;
	v4 =	vadd.s32 v1, v4;
	_ =	sdelay $0x1  }
0x4e: {  	v3 =	vadd.s32 v1, v3;
	_ =	sdelay $0x1  }
0x4f: {  	s1 =	rddreg [dreg:$0x7]  }
0x50: {  	[tilespmem:s1], [sflag:$0x1] =	stream.indirect_vreg.gather [hbm4b:s3+s2], $0x80, v4, vm0, $0xb8;
	[tilespmem:$0x19200] =	vst v63  }
0x51: {  	s31 =	rddreg [dreg:$0x8]  }
0x52: {  	[tilespmem:s31], [sflag:$0x1] =	stream.indirect_vreg.gather [hbm4b:s3+s2], $0x80, v3, vm0, $0xb8;
	[tilespmem:$0x19200] =	vst v63  }
0x53: {  	v3 =	vld [tilespmem:$0x30];
	_ =	sdelay $0x4  }
0x54: {  	v42 =	vshll.u32 v3, $0x1  }
0x55: {  	v3 =	vand.u32 $0x7, v3;
	v4 =	vand.u32 $0xFFFFFFF0, v42  }
0x56: {  	v3 =	vor.u32 v3, v4  }
0x57: {  	v4 =	vperm.xlane v3, v0;
	_ =	sdelay $0x1  }
0x58: {  	v3 =	vperm.xlane v3, v2;
	v4 =	vadd.s32 v1, v4;
	_ =	sdelay $0x1  }
0x59: {  	v3 =	vadd.s32 v1, v3;
	_ =	sdelay $0x1  }
0x5a: {  	s1 =	rddreg [dreg:$0x9]  }
0x5b: {  	[tilespmem:s1], [sflag:$0x1] =	stream.indirect_vreg.gather [hbm4b:s3+s2], $0x80, v4, vm0, $0xb8;
	[tilespmem:$0x19200] =	vst v63  }
0x5c: {  	s31 =	rddreg [dreg:$0xa]  }
0x5d: {  	[tilespmem:s31], [sflag:$0x1] =	stream.indirect_vreg.gather [hbm4b:s3+s2], $0x80, v3, vm0, $0xb8;
	[tilespmem:$0x19200] =	vst v63  }
0x5e: {  	v3 =	vld [tilespmem:$0x40];
	_ =	sdelay $0x4  }
0x5f: {  	v43 =	vshll.u32 v3, $0x1  }
0x60: {  	v3 =	vand.u32 $0x7, v3;
	v4 =	vand.u32 $0xFFFFFFF0, v43  }
0x61: {  	v3 =	vor.u32 v3, v4  }
0x62: {  	v4 =	vperm.xlane v3, v0;
	_ =	sdelay $0x1  }
0x63: {  	v3 =	vperm.xlane v3, v2;
	v4 =	vadd.s32 v1, v4;
	_ =	sdelay $0x1  }
0x64: {  	v3 =	vadd.s32 v1, v3;
	_ =	sdelay $0x1  }
0x65: {  	s1 =	rddreg [dreg:$0xb]  }
0x66: {  	[tilespmem:s1], [sflag:$0x1] =	stream.indirect_vreg.gather [hbm4b:s3+s2], $0x80, v4, vm0, $0xb8;
	[tilespmem:$0x19200] =	vst v63  }
0x67: {  	s31 =	rddreg [dreg:$0xc]  }
0x68: {  	[tilespmem:s31], [sflag:$0x1] =	stream.indirect_vreg.gather [hbm4b:s3+s2], $0x80, v3, vm0, $0xb8;
	[tilespmem:$0x19200] =	vst v63  }
0x69: {  	v3 =	vld [tilespmem:$0x50];
	_ =	sdelay $0x4  }
0x6a: {  	v44 =	vshll.u32 v3, $0x1  }
0x6b: {  	v3 =	vand.u32 $0x7, v3;
	v4 =	vand.u32 $0xFFFFFFF0, v44  }
0x6c: {  	v3 =	vor.u32 v3, v4  }
0x6d: {  	v4 =	vperm.xlane v3, v0;
	_ =	sdelay $0x1  }
0x6e: {  	v3 =	vperm.xlane v3, v2;
	v4 =	vadd.s32 v1, v4;
	_ =	sdelay $0x1  }
0x6f: {  	v3 =	vadd.s32 v1, v3;
	_ =	sdelay $0x2  }
0x70: {  	[tilespmem:s8], [sflag:$0x2] =	stream.indirect_vreg.gather [hbm4b:s3+s2], $0x80, v4, vm0, $0xb8;
	[tilespmem:$0x19200] =	vst v63  }
0x71: {  	s31 =	rddreg [dreg:$0xd]  }
0x72: {  	[tilespmem:s31], [sflag:$0x2] =	stream.indirect_vreg.gather [hbm4b:s3+s2], $0x80, v3, vm0, $0xb8;
	[tilespmem:$0x19200] =	vst v63  }
0x73: {  	v3 =	vld [tilespmem:$0x60];
	_ =	sdelay $0x4  }
0x74: {  	v45 =	vshll.u32 v3, $0x1  }
0x75: {  	v3 =	vand.u32 $0x7, v3;
	v4 =	vand.u32 $0xFFFFFFF0, v45  }
0x76: {  	v3 =	vor.u32 v3, v4  }
0x77: {  	v4 =	vperm.xlane v3, v0;
	_ =	sdelay $0x1  }
0x78: {  	v3 =	vperm.xlane v3, v2;
	v4 =	vadd.s32 v1, v4;
	_ =	sdelay $0x1  }
0x79: {  	v3 =	vadd.s32 v1, v3;
	_ =	sdelay $0x1  }
0x7a: {  	s1 =	rddreg [dreg:$0xe]  }
0x7b: {  	[tilespmem:s1], [sflag:$0x2] =	stream.indirect_vreg.gather [hbm4b:s3+s2], $0x80, v4, vm0, $0xb8;
	[tilespmem:$0x19200] =	vst v63  }
0x7c: {  	s31 =	rddreg [dreg:$0xf]  }
0x7d: {  	[tilespmem:s31], [sflag:$0x2] =	stream.indirect_vreg.gather [hbm4b:s3+s2], $0x80, v3, vm0, $0xb8;
	[tilespmem:$0x19200] =	vst v63  }
0x7e: {  	v3 =	vld [tilespmem:$0x70];
	_ =	sdelay $0x4  }
0x7f: {  	v46 =	vshll.u32 v3, $0x1  }
0x80: {  	v3 =	vand.u32 $0x7, v3;
	v4 =	vand.u32 $0xFFFFFFF0, v46  }
0x81: {  	v3 =	vor.u32 v3, v4  }
0x82: {  	v4 =	vperm.xlane v3, v0;
	_ =	sdelay $0x1  }
0x83: {  	v3 =	vperm.xlane v3, v2;
	v4 =	vadd.s32 v1, v4;
	_ =	sdelay $0x1  }
0x84: {  	v3 =	vadd.s32 v1, v3;
	_ =	sdelay $0x1  }
0x85: {  	s1 =	rddreg [dreg:$0x10]  }
0x86: {  	[tilespmem:s1], [sflag:$0x2] =	stream.indirect_vreg.gather [hbm4b:s3+s2], $0x80, v4, vm0, $0xb8;
	[tilespmem:$0x19200] =	vst v63  }
0x87: {  	s31 =	rddreg [dreg:$0x11]  }
0x88: {  	[tilespmem:s31], [sflag:$0x2] =	stream.indirect_vreg.gather [hbm4b:s3+s2], $0x80, v3, vm0, $0xb8;
	[tilespmem:$0x19200] =	vst v63  }
0x89: {  	v3 =	vld [tilespmem:$0x80];
	_ =	sdelay $0x4  }
0x8a: {  	v47 =	vshll.u32 v3, $0x1  }
0x8b: {  	v3 =	vand.u32 $0x7, v3;
	v4 =	vand.u32 $0xFFFFFFF0, v47  }
0x8c: {  	v3 =	vor.u32 v3, v4  }
0x8d: {  	v4 =	vperm.xlane v3, v0;
	_ =	sdelay $0x1  }
0x8e: {  	v3 =	vperm.xlane v3, v2;
	v4 =	vadd.s32 v1, v4;
	_ =	sdelay $0x1  }
0x8f: {  	v3 =	vadd.s32 v1, v3;
	_ =	sdelay $0x1  }
0x90: {  	s1 =	rddreg [dreg:$0x12]  }
0x91: {  	[tilespmem:s1], [sflag:$0x2] =	stream.indirect_vreg.gather [hbm4b:s3+s2], $0x80, v4, vm0, $0xb8;
	[tilespmem:$0x19200] =	vst v63  }
0x92: {  	s31 =	rddreg [dreg:$0x13]  }
0x93: {  	[tilespmem:s31], [sflag:$0x2] =	stream.indirect_vreg.gather [hbm4b:s3+s2], $0x80, v3, vm0, $0xb8;
	[tilespmem:$0x19200] =	vst v63  }
0x94: {  	v3 =	vld [tilespmem:$0x90];
	_ =	sdelay $0x4  }
0x95: {  	v48 =	vshll.u32 v3, $0x1  }
0x96: {  	v3 =	vand.u32 $0x7, v3;
	v4 =	vand.u32 $0xFFFFFFF0, v48  }
0x97: {  	v3 =	vor.u32 v3, v4  }
0x98: {  	v4 =	vperm.xlane v3, v0;
	_ =	sdelay $0x1  }
0x99: {  	v3 =	vperm.xlane v3, v2;
	v4 =	vadd.s32 v1, v4;
	_ =	sdelay $0x1  }
0x9a: {  	v3 =	vadd.s32 v1, v3;
	_ =	sdelay $0x1  }
0x9b: {  	s1 =	rddreg [dreg:$0x14]  }
0x9c: {  	[tilespmem:s1], [sflag:$0x2] =	stream.indirect_vreg.gather [hbm4b:s3+s2], $0x80, v4, vm0, $0xb8;
	[tilespmem:$0x19200] =	vst v63  }
0x9d: {  	s31 =	rddreg [dreg:$0x15]  }
0x9e: {  	[tilespmem:s31], [sflag:$0x2] =	stream.indirect_vreg.gather [hbm4b:s3+s2], $0x80, v3, vm0, $0xb8;
	[tilespmem:$0x19200] =	vst v63  }
0x9f: {  	v3 =	vld [tilespmem:$0xA0];
	_ =	sdelay $0x4  }
0xa0: {  	v49 =	vshll.u32 v3, $0x1  }
0xa1: {  	v3 =	vand.u32 $0x7, v3;
	v4 =	vand.u32 $0xFFFFFFF0, v49  }
0xa2: {  	v3 =	vor.u32 v3, v4  }
0xa3: {  	v4 =	vperm.xlane v3, v0;
	_ =	sdelay $0x1  }
0xa4: {  	v3 =	vperm.xlane v3, v2;
	v4 =	vadd.s32 v1, v4;
	_ =	sdelay $0x1  }
0xa5: {  	v3 =	vadd.s32 v1, v3;
	_ =	sdelay $0x2  }
0xa6: {  	[tilespmem:s9], [sflag:$0x3] =	stream.indirect_vreg.gather [hbm4b:s3+s2], $0x80, v4, vm0, $0xb8;
	[tilespmem:$0x19200] =	vst v63  }
0xa7: {  	s31 =	rddreg [dreg:$0x16]  }
0xa8: {  	[tilespmem:s31], [sflag:$0x3] =	stream.indirect_vreg.gather [hbm4b:s3+s2], $0x80, v3, vm0, $0xb8;
	[tilespmem:$0x19200] =	vst v63  }
0xa9: {  	v3 =	vld [tilespmem:$0xB0];
	_ =	sdelay $0x4  }
0xaa: {  	v50 =	vshll.u32 v3, $0x1  }
0xab: {  	v3 =	vand.u32 $0x7, v3;
	v4 =	vand.u32 $0xFFFFFFF0, v50  }
0xac: {  	v3 =	vor.u32 v3, v4  }
0xad: {  	v4 =	vperm.xlane v3, v0;
	_ =	sdelay $0x1  }
0xae: {  	v3 =	vperm.xlane v3, v2;
	v4 =	vadd.s32 v1, v4;
	_ =	sdelay $0x1  }
0xaf: {  	v3 =	vadd.s32 v1, v3;
	_ =	sdelay $0x1  }
0xb0: {  	s1 =	rddreg [dreg:$0x17]  }
0xb1: {  	[tilespmem:s1], [sflag:$0x3] =	stream.indirect_vreg.gather [hbm4b:s3+s2], $0x80, v4, vm0, $0xb8;
	[tilespmem:$0x19200] =	vst v63  }
0xb2: {  	s31 =	rddreg [dreg:$0x18]  }
0xb3: {  	[tilespmem:s31], [sflag:$0x3] =	stream.indirect_vreg.gather [hbm4b:s3+s2], $0x80, v3, vm0, $0xb8;
	[tilespmem:$0x19200] =	vst v63  }
0xb4: {  	v3 =	vld [tilespmem:$0xC0];
	_ =	sdelay $0x4  }
0xb5: {  	v51 =	vshll.u32 v3, $0x1  }
0xb6: {  	v3 =	vand.u32 $0x7, v3;
	v4 =	vand.u32 $0xFFFFFFF0, v51  }
0xb7: {  	v3 =	vor.u32 v3, v4  }
0xb8: {  	v4 =	vperm.xlane v3, v0;
	_ =	sdelay $0x1  }
0xb9: {  	v3 =	vperm.xlane v3, v2;
	v4 =	vadd.s32 v1, v4;
	_ =	sdelay $0x1  }
0xba: {  	v3 =	vadd.s32 v1, v3;
	_ =	sdelay $0x1  }
0xbb: {  	s1 =	rddreg [dreg:$0x19]  }
0xbc: {  	[tilespmem:s1], [sflag:$0x3] =	stream.indirect_vreg.gather [hbm4b:s3+s2], $0x80, v4, vm0, $0xb8;
	[tilespmem:$0x19200] =	vst v63  }
0xbd: {  	s31 =	rddreg [dreg:$0x1a]  }
0xbe: {  	[tilespmem:s31], [sflag:$0x3] =	stream.indirect_vreg.gather [hbm4b:s3+s2], $0x80, v3, vm0, $0xb8;
	[tilespmem:$0x19200] =	vst v63  }
0xbf: {  	v3 =	vld [tilespmem:$0xD0];
	_ =	sdelay $0x4  }
0xc0: {  	v52 =	vshll.u32 v3, $0x1  }
0xc1: {  	v3 =	vand.u32 $0x7, v3;
	v4 =	vand.u32 $0xFFFFFFF0, v52  }
0xc2: {  	v3 =	vor.u32 v3, v4  }
0xc3: {  	v4 =	vperm.xlane v3, v0;
	_ =	sdelay $0x1  }
0xc4: {  	v3 =	vperm.xlane v3, v2;
	v4 =	vadd.s32 v1, v4;
	_ =	sdelay $0x1  }
0xc5: {  	v3 =	vadd.s32 v1, v3;
	_ =	sdelay $0x1  }
0xc6: {  	s1 =	rddreg [dreg:$0x1b]  }
0xc7: {  	[tilespmem:s1], [sflag:$0x3] =	stream.indirect_vreg.gather [hbm4b:s3+s2], $0x80, v4, vm0, $0xb8;
	[tilespmem:$0x19200] =	vst v63  }
0xc8: {  	s31 =	rddreg [dreg:$0x1c]  }
0xc9: {  	[tilespmem:s31], [sflag:$0x3] =	stream.indirect_vreg.gather [hbm4b:s3+s2], $0x80, v3, vm0, $0xb8;
	[tilespmem:$0x19200] =	vst v63  }
0xca: {  	v3 =	vld [tilespmem:$0xE0];
	_ =	sdelay $0x4  }
0xcb: {  	v53 =	vshll.u32 v3, $0x1  }
0xcc: {  	v3 =	vand.u32 $0x7, v3;
	v4 =	vand.u32 $0xFFFFFFF0, v53  }
0xcd: {  	v3 =	vor.u32 v3, v4  }
0xce: {  	v4 =	vperm.xlane v3, v0;
	_ =	sdelay $0x1  }
0xcf: {  	v3 =	vperm.xlane v3, v2;
	v4 =	vadd.s32 v1, v4;
	_ =	sdelay $0x1  }
0xd0: {  	v3 =	vadd.s32 v1, v3;
	_ =	sdelay $0x1  }
0xd1: {  	s1 =	rddreg [dreg:$0x1d]  }
0xd2: {  	[tilespmem:s1], [sflag:$0x3] =	stream.indirect_vreg.gather [hbm4b:s3+s2], $0x80, v4, vm0, $0xb8;
	[tilespmem:$0x19200] =	vst v63  }
0xd3: {  	s31 =	rddreg [dreg:$0x1e]  }
0xd4: {  	[tilespmem:s31], [sflag:$0x3] =	stream.indirect_vreg.gather [hbm4b:s3+s2], $0x80, v3, vm0, $0xb8;
	[tilespmem:$0x19200] =	vst v63  }
0xd5: {  	v3 =	vld [tilespmem:$0xF0];
	_ =	sdelay $0x4  }
0xd6: {  	v54 =	vshll.u32 v3, $0x1  }
0xd7: {  	v3 =	vand.u32 $0x7, v3;
	v4 =	vand.u32 $0xFFFFFFF0, v54  }
0xd8: {  	v3 =	vor.u32 v3, v4  }
0xd9: {  	v4 =	vperm.xlane v3, v0;
	_ =	sdelay $0x1  }
0xda: {  	v3 =	vperm.xlane v3, v2;
	v4 =	vadd.s32 v1, v4;
	_ =	sdelay $0x1  }
0xdb: {  	v3 =	vadd.s32 v1, v3;
	_ =	sdelay $0x2  }
0xdc: {  	[tilespmem:s10], [sflag:$0x4] =	stream.indirect_vreg.gather [hbm4b:s3+s2], $0x80, v4, vm0, $0xb8;
	[tilespmem:$0x19200] =	vst v63  }
0xdd: {  	s31 =	rddreg [dreg:$0x1f]  }
0xde: {  	[tilespmem:s31], [sflag:$0x4] =	stream.indirect_vreg.gather [hbm4b:s3+s2], $0x80, v3, vm0, $0xb8;
	[tilespmem:$0x19200] =	vst v63  }
0xdf: {  	v3 =	vld [tilespmem:$0x100];
	_ =	sdelay $0x4  }
0xe0: {  	v55 =	vshll.u32 v3, $0x1  }
0xe1: {  	v3 =	vand.u32 $0x7, v3;
	v4 =	vand.u32 $0xFFFFFFF0, v55  }
0xe2: {  	v3 =	vor.u32 v3, v4  }
0xe3: {  	v4 =	vperm.xlane v3, v0;
	_ =	sdelay $0x1  }
0xe4: {  	v3 =	vperm.xlane v3, v2;
	v4 =	vadd.s32 v1, v4;
	_ =	sdelay $0x1  }
0xe5: {  	s1 =	sld [smem:$0x7F7];
	v3 =	vadd.s32 v1, v3;
	_ =	sdelay $0x1  }
0xe6: {  	s31 =	sld [smem:$0x7F8]  }
0xe7: {  	[tilespmem:s1], [sflag:$0x4] =	stream.indirect_vreg.gather [hbm4b:s3+s2], $0x80, v4, vm0, $0xb8;
	[tilespmem:$0x19200] =	vst v63  }
0xe8: {  	_ = 	snop  }
0xe9: {  	[tilespmem:s31], [sflag:$0x4] =	stream.indirect_vreg.gather [hbm4b:s3+s2], $0x80, v3, vm0, $0xb8;
	[tilespmem:$0x19200] =	vst v63  }
0xea: {  	v3 =	vld [tilespmem:$0x110];
	_ =	sdelay $0x4  }
0xeb: {  	v56 =	vshll.u32 v3, $0x1  }
0xec: {  	v3 =	vand.u32 $0x7, v3;
	v4 =	vand.u32 $0xFFFFFFF0, v56  }
0xed: {  	v3 =	vor.u32 v3, v4  }
0xee: {  	v4 =	vperm.xlane v3, v0;
	_ =	sdelay $0x1  }
0xef: {  	v3 =	vperm.xlane v3, v2;
	v4 =	vadd.s32 v1, v4;
	_ =	sdelay $0x1  }
0xf0: {  	s1 =	sld [smem:$0x7F9];
	v3 =	vadd.s32 v1, v3;
	_ =	sdelay $0x1  }
0xf1: {  	s31 =	sld [smem:$0x7FA]  }
0xf2: {  	[tilespmem:s1], [sflag:$0x4] =	stream.indirect_vreg.gather [hbm4b:s3+s2], $0x80, v4, vm0, $0xb8;
	[tilespmem:$0x19200] =	vst v63  }
0xf3: {  	_ = 	snop  }
0xf4: {  	[tilespmem:s31], [sflag:$0x4] =	stream.indirect_vreg.gather [hbm4b:s3+s2], $0x80, v3, vm0, $0xb8;
	[tilespmem:$0x19200] =	vst v63  }
0xf5: {  	v3 =	vld [tilespmem:$0x120];
	_ =	sdelay $0x4  }
0xf6: {  	v57 =	vshll.u32 v3, $0x1  }
0xf7: {  	v3 =	vand.u32 $0x7, v3;
	v4 =	vand.u32 $0xFFFFFFF0, v57  }
0xf8: {  	v3 =	vor.u32 v3, v4  }
0xf9: {  	v4 =	vperm.xlane v3, v0;
	_ =	sdelay $0x1  }
0xfa: {  	v3 =	vperm.xlane v3, v2;
	v4 =	vadd.s32 v1, v4;
	_ =	sdelay $0x1  }
0xfb: {  	s1 =	sld [smem:$0x7FB];
	v3 =	vadd.s32 v1, v3;
	_ =	sdelay $0x1  }
0xfc: {  	s31 =	sld [smem:$0x7FC]  }
0xfd: {  	[tilespmem:s1], [sflag:$0x4] =	stream.indirect_vreg.gather [hbm4b:s3+s2], $0x80, v4, vm0, $0xb8;
	[tilespmem:$0x19200] =	vst v63  }
0xfe: {  	_ = 	snop  }
0xff: {  	[tilespmem:s31], [sflag:$0x4] =	stream.indirect_vreg.gather [hbm4b:s3+s2], $0x80, v3, vm0, $0xb8;
	[tilespmem:$0x19200] =	vst v63  }
0x100: {  	v3 =	vld [tilespmem:$0x130];
	_ =	sdelay $0x4  }
0x101: {  	v58 =	vshll.u32 v3, $0x1  }
0x102: {  	v3 =	vand.u32 $0x7, v3;
	v4 =	vand.u32 $0xFFFFFFF0, v58  }
0x103: {  	v3 =	vor.u32 v3, v4  }
0x104: {  	v4 =	vperm.xlane v3, v0;
	_ =	sdelay $0x1  }
0x105: {  	v3 =	vperm.xlane v3, v2;
	v4 =	vadd.s32 v1, v4;
	_ =	sdelay $0x1  }
0x106: {  	s31 =	sld [smem:$0x7FD];
	v3 =	vadd.s32 v1, v3;
	_ =	sdelay $0x2  }
0x107: {  	[tilespmem:s31], [sflag:$0x4] =	stream.indirect_vreg.gather [hbm4b:s3+s2], $0x80, v4, vm0, $0xb8;
	[tilespmem:$0x19200] =	vst v63  }
0x108: {  	_ = 	snop  }
0x109: {  	[tilespmem:s11], [sflag:$0x4] =	stream.indirect_vreg.gather [hbm4b:s3+s2], $0x80, v3, vm0, $0xb8;
	[tilespmem:$0x19200] =	vst v63  }
0x10a: {  	v3 =	vld [tilespmem:$0x140];
	_ =	sdelay $0x4  }
0x10b: {  	v59 =	vshll.u32 v3, $0x1  }
0x10c: {  	v3 =	vand.u32 $0x7, v3;
	v4 =	vand.u32 $0xFFFFFFF0, v59  }
0x10d: {  	v3 =	vor.u32 v3, v4  }
0x10e: {  	v4 =	vperm.xlane v3, v0;
	_ =	sdelay $0x1  }
0x10f: {  	v3 =	vperm.xlane v3, v2;
	v4 =	vadd.s32 v1, v4;
	_ =	sdelay $0x1  }
0x110: {  	v3 =	vadd.s32 v1, v3;
	_ =	sdelay $0x2  }
0x111: {  	[tilespmem:s12], [sflag:$0x5] =	stream.indirect_vreg.gather [hbm4b:s3+s2], $0x80, v4, vm0, $0xb8;
	[tilespmem:$0x19200] =	vst v63  }
0x112: {  	_ = 	snop  }
0x113: {  	[tilespmem:s13], [sflag:$0x5] =	stream.indirect_vreg.gather [hbm4b:s3+s2], $0x80, v3, vm0, $0xb8;
	[tilespmem:$0x19200] =	vst v63  }
0x114: {  	v3 =	vld [tilespmem:$0x150];
	_ =	sdelay $0x4  }
0x115: {  	v60 =	vshll.u32 v3, $0x1  }
0x116: {  	v3 =	vand.u32 $0x7, v3;
	v4 =	vand.u32 $0xFFFFFFF0, v60  }
0x117: {  	v3 =	vor.u32 v3, v4  }
0x118: {  	v4 =	vperm.xlane v3, v0;
	_ =	sdelay $0x1  }
0x119: {  	v3 =	vperm.xlane v3, v2;
	v4 =	vadd.s32 v1, v4;
	_ =	sdelay $0x1  }
0x11a: {  	v3 =	vadd.s32 v1, v3;
	_ =	sdelay $0x2  }
0x11b: {  	[tilespmem:s14], [sflag:$0x5] =	stream.indirect_vreg.gather [hbm4b:s3+s2], $0x80, v4, vm0, $0xb8;
	[tilespmem:$0x19200] =	vst v63  }
0x11c: {  	_ = 	snop  }
0x11d: {  	[tilespmem:s15], [sflag:$0x5] =	stream.indirect_vreg.gather [hbm4b:s3+s2], $0x80, v3, vm0, $0xb8;
	[tilespmem:$0x19200] =	vst v63  }
0x11e: {  	v3 =	vld [tilespmem:$0x160];
	_ =	sdelay $0x4  }
0x11f: {  	v61 =	vshll.u32 v3, $0x1  }
0x120: {  	v3 =	vand.u32 $0x7, v3;
	v4 =	vand.u32 $0xFFFFFFF0, v61  }
0x121: {  	v3 =	vor.u32 v3, v4  }
0x122: {  	v4 =	vperm.xlane v3, v0;
	_ =	sdelay $0x1  }
0x123: {  	v3 =	vperm.xlane v3, v2;
	v4 =	vadd.s32 v1, v4;
	_ =	sdelay $0x1  }
0x124: {  	v3 =	vadd.s32 v1, v3;
	_ =	sdelay $0x2  }
0x125: {  	[tilespmem:s16], [sflag:$0x5] =	stream.indirect_vreg.gather [hbm4b:s3+s2], $0x80, v4, vm0, $0xb8;
	[tilespmem:$0x19200] =	vst v63  }
0x126: {  	_ = 	snop  }
0x127: {  	[tilespmem:s17], [sflag:$0x5] =	stream.indirect_vreg.gather [hbm4b:s3+s2], $0x80, v3, vm0, $0xb8;
	[tilespmem:$0x19200] =	vst v63  }
0x128: {  	v3 =	vld [tilespmem:$0x170];
	_ =	sdelay $0x4  }
0x129: {  	v62 =	vshll.u32 v3, $0x1  }
0x12a: {  	v3 =	vand.u32 $0x7, v3;
	v4 =	vand.u32 $0xFFFFFFF0, v62  }
0x12b: {  	v3 =	vor.u32 v3, v4  }
0x12c: {  	v4 =	vperm.xlane v3, v0;
	_ =	sdelay $0x1  }
0x12d: {  	v3 =	vperm.xlane v3, v2;
	v4 =	vadd.s32 v1, v4;
	_ =	sdelay $0x1  }
0x12e: {  	v3 =	vadd.s32 v1, v3;
	_ =	sdelay $0x2  }
0x12f: {  	[tilespmem:s18], [sflag:$0x5] =	stream.indirect_vreg.gather [hbm4b:s3+s2], $0x80, v4, vm0, $0xb8;
	[tilespmem:$0x19200] =	vst v63  }
0x130: {  	_ = 	snop  }
0x131: {  	[tilespmem:s19], [sflag:$0x5] =	stream.indirect_vreg.gather [hbm4b:s3+s2], $0x80, v3, vm0, $0xb8;
	[tilespmem:$0x19200] =	vst v63  }
0x132: {  	v3 =	vld [tilespmem:$0x180];
	_ =	sdelay $0x4  }
0x133: {  	v63 =	vshll.u32 v3, $0x1  }
0x134: {  	v3 =	vand.u32 $0x7, v3;
	v4 =	vand.u32 $0xFFFFFFF0, v63  }
0x135: {  	v3 =	vor.u32 v3, v4  }
0x136: {  	v4 =	vperm.xlane v3, v0;
	_ =	sdelay $0x1  }
0x137: {  	v3 =	vperm.xlane v3, v2;
	v4 =	vadd.s32 v1, v4;
	_ =	sdelay $0x1  }
0x138: {  	v3 =	vadd.s32 v1, v3;
	_ =	sdelay $0x2  }
0x139: {  	[tilespmem:s20], [sflag:$0x5] =	stream.indirect_vreg.gather [hbm4b:s3+s2], $0x80, v4, vm0, $0xb8;
	[tilespmem:$0x19200] =	vst v63  }
0x13a: {  	_ = 	snop  }
0x13b: {  	[tilespmem:s21], [sflag:$0x5] =	stream.indirect_vreg.gather [hbm4b:s3+s2], $0x80, v3, vm0, $0xb8;
	[tilespmem:$0x19200] =	vst v63  }
0x13c: {  	_ =	swait.ge [sflag:s22], $0x5000  }
0x13d: {  	s31 =	rddreg [dreg:$0x3];
	[sflag:s22] =	ssyncset.done $0x0  }
0x13e: {  	[sflag:s22] =	ssyncadd.s32 $0xFFFFB000;
	s1 =	sadd.s32 s30, s31  }
0x13f: {  	[hbm4b:s1+s2] =	stream.linear.scatter [tilespmem:s7], [sflag:$0x6], $0x5000, $0x38;
	[tilespmem:$0x19200] =	vst v63  }
0x140: {  	_ =	swait.ge [sflag:s6], $0x5000  }
0x141: {  	[sflag:s6] =	ssyncset.done $0x0  }
0x142: {  	[sflag:s6] =	ssyncadd.s32 $0xFFFFB000  }
0x143: {  	_ =	swait.ge [sflag:s23], $0x5000  }
0x144: {  	[sflag:s23] =	ssyncset.done $0x0  }
0x145: {  	s31 =	sadd.s32 $0xA00, s1;
	[sflag:s23] =	ssyncadd.s32 $0xFFFFB000  }
0x146: {  	[hbm4b:s31+s2] =	stream.linear.scatter [tilespmem:s8], [sflag:$0x6], $0x5000, $0x38;
	[tilespmem:$0x19200] =	vst v63  }
0x147: {  	_ =	swait.ge [sflag:s6], $0x5000  }
0x148: {  	[sflag:s6] =	ssyncset.done $0x0  }
0x149: {  	[sflag:s6] =	ssyncadd.s32 $0xFFFFB000  }
0x14a: {  	_ =	swait.ge [sflag:s24], $0x5000  }
0x14b: {  	[sflag:s24] =	ssyncset.done $0x0  }
0x14c: {  	s31 =	sadd.s32 $0x1400, s1;
	[sflag:s24] =	ssyncadd.s32 $0xFFFFB000  }
0x14d: {  	[hbm4b:s31+s2] =	stream.linear.scatter [tilespmem:s9], [sflag:$0x6], $0x5000, $0x38;
	[tilespmem:$0x19200] =	vst v63  }
0x14e: {  	_ =	swait.ge [sflag:s6], $0x5000  }
0x14f: {  	[sflag:s6] =	ssyncset.done $0x0  }
0x150: {  	[sflag:s6] =	ssyncadd.s32 $0xFFFFB000  }
0x151: {  	_ =	swait.ge [sflag:s25], $0x5000  }
0x152: {  	[sflag:s25] =	ssyncset.done $0x0  }
0x153: {  	s31 =	sadd.s32 $0x1E00, s1;
	[sflag:s25] =	ssyncadd.s32 $0xFFFFB000  }
0x154: {  	[hbm4b:s31+s2] =	stream.linear.scatter [tilespmem:s10], [sflag:$0x6], $0x5000, $0x38;
	[tilespmem:$0x19200] =	vst v63  }
0x155: {  	_ =	swait.ge [sflag:s6], $0x5000  }
0x156: {  	[sflag:s6] =	ssyncset.done $0x0  }
0x157: {  	[sflag:s6] =	ssyncadd.s32 $0xFFFFB000  }
0x158: {  	_ =	swait.ge [sflag:s26], $0x5000  }
0x159: {  	p0 =	sne.s32 s30, $0x4B000;
	[sflag:s26] =	ssyncset.done $0x0  }
.Ltmp0:
0x15a: {  	s1 =	sadd.s32 $0x2800, s1;
	[sflag:s26] =	ssyncadd.s32 $0xFFFFB000;
	(pc) =	sbr.rel @p0 .LBB2_2-.Ltmp0, $4  }
0x15b: {  	[hbm4b:s1+s2] =	stream.linear.scatter [tilespmem:s12], [sflag:$0x6], $0x5000, $0x38;
	[tilespmem:$0x19200] =	vst v63  }
0x15c: {  	_ =	swait.ge [sflag:s6], $0x5000  }
0x15d: {  	[sflag:s6] =	ssyncset.done $0x0  }
0x15e: {  	s29 =	sadd.s32 $0x32, s29;
	s30 =	sadd.s32 $0x3200, s30;
	[sflag:s6] =	ssyncadd.s32 $0xFFFFB000  }
0x15f: {  	s28 =	sadd.s32 $0x1, s28  }
0x160: {  	p0 =	sne.s32 s28, s4  }
.Ltmp1:
0x161: {  	_ = 	snop;
	(pc) =	sbr.rel @p0 .LBB2_1-.Ltmp1, $1  }
0x162: {  	_ =	sdelay $0x3  }
0x163: {  	_ =	sfence.sel $0x180000  }
0x164: {  	[bflag:$0x0] =	sbarrier.arrive $0xFFFF  }
0x165: {  	_ =	strace $0x9000004A  }
0x166: {  	[bflag:$0x2] =	sbarrier.arrive $0xFFFF  }
0x167: {  	p0 =	sne.s32 s0, $0x0;
	s0 =	rddreg [dreg:$0x2]  }
0x168: {  	s0 =	sadd.s32 @!p0 $0x100000, s0  }
0x169: {  	[sflag:s0] =	ssyncadd.tile.s32 @!p0 $0x1;
	_ =	shalt  }
.Lfunc_end2:
_tile_overlayer_lowered:
.L_overlay_start_2:
0x16a: {  	(tag) =	ssettag $0x2  }
0x16b: {  	s0 =	rddreg [dreg:$0x0];
	s2 =	stileid.u32  }
0x16c: {  	s1 =	rddreg [dreg:$0x1];
	p0 =	sne.s32 s2, $0x0  }
0x16d: {  	s3 =	rddreg [dreg:$0x2];
	[bflag:$0x3] =	sbarrier.arrive $0xFFFF;
	s2 =	simm.s32 @!p0 $0x1C06  }
0x16e: {  	[timem:s3], [sflag:s2] =	dma.local @!p0 [hbm:s0], s1  }
0x16f: {  	s0 =	simm.s32 @!p0 $0x6  }
0x170: {  	_ =	swait.ge @!p0 [sflag:s0], s1  }
0x171: {  	s1 =	ssub.s32 @!p0 $0x0, s1;
	[sflag:s0] =	ssyncset.done @!p0 $0x0  }
0x172: {  	[sflag:s0] =	ssyncadd.s32 @!p0 s1  }
0x173: {  	[bflag:$0x3] =	sbarrier.arrive $0xFFFF  }
0x174: {  	_ =	shalt  }

// kernel: scatter_offload_async_start.1
scs
__scs_entry_jumppad:
0x0: {  	(pc) =	sbr.rel $0x88, $3  }
0x1: {  	(tag) =	ssettag $0x0;
	lr =	simm.s32 $0x1  }
0x2: {  	[smem:$0x3F8A] =	sst lr;
	_ =	strace $0xD0000000  }
0x3: {  	_ = 	snop  }
0x4: {  	_ = 	snop  }
0x5: {  	_ = 	snop  }
0x6: {  	_ = 	snop  }
0x7: {  	_ = 	snop  }
__scs_overlays_trampoline_lowered:
0x8: {  	[smem:$0x3F99] =	sst s0  }
0x9: {  	[smem:$0x3F9A] =	sst s1  }
0xa: {  	[smem:$0x3F9B] =	sst s2  }
0xb: {  	[smem:$0x3F9C] =	sst s3  }
0xc: {  	[smem:$0x3F9D] =	sst s4  }
0xd: {  	[smem:$0x3F9E] =	sst s5  }
0xe: {  	[smem:$0x3F9F] =	sst s6  }
0xf: {  	[smem:$0x3FA0] =	sst s7  }
0x10: {  	[smem:$0x3FA1] =	sst s8  }
0x11: {  	[smem:$0x3FA2] =	sst s9;
	s0 =	simm.s32 @!p0 $0x0  }
0x12: {  	s1 =	sld [smem:$0x3F88];
	s0 =	simm.s32 @p0 $0x1  }
0x13: {  	[smem:$0x3FA3] =	sst s0;
	s0 =	simm.s32 @!p1 $0x0  }
0x14: {  	s2 =	sld [smem:$0x3F87];
	s0 =	simm.s32 @p1 $0x1  }
0x15: {  	[smem:$0x3FA4] =	sst s0;
	s0 =	simm.s32 @!p2 $0x0  }
0x16: {  	s3 =	sld [smem:$0x3FDB];
	s0 =	simm.s32 @p2 $0x1  }
0x17: {  	s4 =	simm.s32 $0x1BF5;
	[smem:$0x3FA6] =	sst s0  }
0x18: {  	s0 =	sld [smem:$0x3F89];
	_ =	swait.ge [sflag:s4], $0x0  }
0x19: {  	s7 =	sld [smem:$0x3F8A]  }
0x1a: {  	s8 =	sadd.s32 $0xFFFFE003, lr  }
0x1b: {  	s9 =	sadd.s32 $0xFFFFFEF7, lr;
	s5 =	simm.s32 $0xFFFFFFFF;
	p2 =	slt.u32 s8, $0xFFFFF086  }
0x1c: {  	p1 =	slt.u32 s9, $0xF7A;
	s5 =	simm.s32 @!p2 $0x0  }
0x1d: {  	s5 =	simm.s32 @p1 $0x1;
	p0 =	seq.s32 s7, s2  }
0x1e: {  	s7 =	smul.u32 @!p0 $0xF7A, s2;
	p2 =	seq.s32 @!p0 s5, $0x0  }
0x1f: {  	s9 =	smul.u32 $0xF7A, s1;
	s8 =	simm.s32 @!p0 $0x1BF5;
	p2 =	por !p2, p0  }
0x20: {  	[sflag:s8] =	ssyncset.s32 @!p0 $0xFFFFF086;
	s6 =	sadd.s32 @!p0 s3, s7;
	s7 =	simm.s32 @!p0 $0x108  }
0x21: {  	s3 =	sadd.s32 s3, s9;
	s6 =	sadd.s32 @!p0 $0x88, s6;
	s7 =	simm.s32 @p2 $0x1082  }
0x22: {  	[simem:s7], [sflag:s8] =	dma.local @!p0 [hbm:s6], $0xF7A  }
0x23: {  	s9 =	sor.u32 $0xD0000000, s2;
	s6 =	simm.s32 $0x108;
	_ =	swait.ge @!p0 [sflag:s8], $0x0  }
0x24: {  	s3 =	sadd.s32 $0x88, s3;
	s6 =	simm.s32 @!p1 $0x1082;
	[sflag:s4] =	ssyncset.s32 $0xFFFFF086  }
0x25: {  	[simem:s6], [sflag:s4] =	dma.local [hbm:s3], $0xF7A  }
0x26: {  	[smem:$0x3F8A] =	sst s1;
	(tag) =	ssettag s2;
	_ =	strace s9  }
0x27: {  	s1 =	sld [smem:$0x3F9A]  }
0x28: {  	s2 =	sld [smem:$0x3F9B]  }
0x29: {  	s4 =	sld [smem:$0x3F9D]  }
0x2a: {  	p0 =	seq.s32 s5, $0x0;
	s5 =	sld [smem:$0x3F9E]  }
0x2b: {  	s6 =	sld [smem:$0x3F9F]  }
0x2c: {  	s7 =	sld [smem:$0x3FA0]  }
0x2d: {  	s3 =	simm.s32 $0x108;
	s8 =	sld [smem:$0x3FA1]  }
0x2e: {  	s3 =	simm.s32 @!p0 $0x1082;
	s9 =	sld [smem:$0x3FA2]  }
0x2f: {  	lr =	sadd.s32 s0, s3;
	s0 =	sld [smem:$0x3F99]  }
0x30: {  	s3 =	sld [smem:$0x3F9C]  }
0x31: {  	[smem:$0x3FA5] =	sst s10  }
0x32: {  	s10 =	sld [smem:$0x3FA3];
	_ =	sdelay $0x3  }
0x33: {  	p0 =	seq.s32 s10, $0x1;
	s10 =	sld [smem:$0x3FA5];
	_ =	sdelay $0x3  }
0x34: {  	[smem:$0x3FA5] =	sst s10  }
0x35: {  	s10 =	sld [smem:$0x3FA4];
	_ =	sdelay $0x3  }
0x36: {  	p1 =	seq.s32 s10, $0x1;
	s10 =	sld [smem:$0x3FA5];
	_ =	sdelay $0x3  }
0x37: {  	[smem:$0x3FA5] =	sst s10  }
0x38: {  	s10 =	sld [smem:$0x3FA6]  }
0x39: {  	_ = 	snop;
	(pc) =	sbr.ind lr, $3  }
0x3a: {  	_ = 	snop  }
0x3b: {  	_ = 	snop  }
0x3c: {  	p2 =	seq.s32 s10, $0x1;
	s10 =	sld [smem:$0x3FA5]  }
0x3d: {  	_ =	shalt  }
0x3e: {  	_ =	shalt  }
0x3f: {  	_ =	shalt  }
0x40: {  	_ =	shalt  }
0x41: {  	_ =	shalt  }
0x42: {  	_ =	shalt  }
0x43: {  	_ =	shalt  }
0x44: {  	_ =	shalt  }
0x45: {  	_ =	shalt  }
0x46: {  	_ =	shalt  }
0x47: {  	_ =	shalt  }
0x48: {  	_ =	shalt  }
0x49: {  	_ =	shalt  }
0x4a: {  	_ =	shalt  }
0x4b: {  	_ =	shalt  }
0x4c: {  	_ =	shalt  }
0x4d: {  	_ =	shalt  }
0x4e: {  	_ =	shalt  }
0x4f: {  	_ =	shalt  }
0x50: {  	_ =	shalt  }
0x51: {  	_ =	shalt  }
0x52: {  	_ =	shalt  }
0x53: {  	_ =	shalt  }
0x54: {  	_ =	shalt  }
0x55: {  	_ =	shalt  }
0x56: {  	_ =	shalt  }
0x57: {  	_ =	shalt  }
0x58: {  	_ =	shalt  }
0x59: {  	_ =	shalt  }
0x5a: {  	_ =	shalt  }
0x5b: {  	_ =	shalt  }
0x5c: {  	_ =	shalt  }
0x5d: {  	_ =	shalt  }
0x5e: {  	_ =	shalt  }
0x5f: {  	_ =	shalt  }
0x60: {  	_ =	shalt  }
0x61: {  	_ =	shalt  }
0x62: {  	_ =	shalt  }
0x63: {  	_ =	shalt  }
0x64: {  	_ =	shalt  }
0x65: {  	_ =	shalt  }
0x66: {  	_ =	shalt  }
0x67: {  	_ =	shalt  }
0x68: {  	_ =	shalt  }
0x69: {  	_ =	shalt  }
0x6a: {  	_ =	shalt  }
0x6b: {  	_ =	shalt  }
0x6c: {  	_ =	shalt  }
0x6d: {  	_ =	shalt  }
0x6e: {  	_ =	shalt  }
0x6f: {  	_ =	shalt  }
0x70: {  	_ =	shalt  }
0x71: {  	_ =	shalt  }
0x72: {  	_ =	shalt  }
0x73: {  	_ =	shalt  }
0x74: {  	_ =	shalt  }
0x75: {  	_ =	shalt  }
0x76: {  	_ =	shalt  }
0x77: {  	_ =	shalt  }
0x78: {  	_ =	shalt  }
0x79: {  	_ =	shalt  }
0x7a: {  	_ =	shalt  }
0x7b: {  	_ =	shalt  }
0x7c: {  	_ =	shalt  }
0x7d: {  	_ =	shalt  }
0x7e: {  	_ =	shalt  }
0x7f: {  	_ =	shalt  }
0x80: {  	_ =	shalt  }
0x81: {  	_ =	shalt  }
0x82: {  	_ =	shalt  }
0x83: {  	_ =	shalt  }
0x84: {  	_ =	shalt  }
0x85: {  	_ =	shalt  }
0x86: {  	_ =	shalt  }
0x87: {  	_ =	shalt  }
.Lfunc_end0:
.L_simem_size_0:
called_computation.1_lowered:
.L_overlay_start_0:
0x88: {  	s2 =	sld [smem:$0x3FD9]  }
0x89: {  	s3 =	sld [smem:$0x3FFE];
	_ =	sdelay $0x1  }
0x8a: {  	s1 =	srdreg.scid  }
0x8b: {  	s0 =	sand.u32 $0x1, s1  }
0x8c: {  	s15 =	sshll.u32 s0, $0xA;
	s2 =	sadd.s32 s3, s2  }
0x8d: {  	s2 =	sadd.s32 s2, s15  }
0x8e: {  	[smem:$0x3FB1] =	sst s2  }
0x8f: {  	_ = 	snop  }
0x90: {  	(tm) =	ssettm $0x1  }
0x91: {  	s16 =	sld [smem:$0x3FFB];
	_ =	sdelay $0x3  }
0x92: {  	_ =	strace s16  }
0x93: {  	s2 =	sld [smem:$0x3FFC];
	_ =	sdelay $0x3  }
0x94: {  	_ =	strace s2  }
0x95: {  	s2 =	sld [smem:$0x3FFD];
	_ =	sdelay $0x3  }
0x96: {  	_ =	strace s2  }
0x97: {  	_ =	strace $0x8FFFFFFF  }
0x98: {  	s17 =	sld [smem:$0x3FDB];
	_ =	sdelay $0x1  }
0x99: {  	s18 =	simm.s32 $_scs_section_size  }
0x9a: {  	s4 =	simm.s32 $_size__tile_overlayer_lowered;
	s5 =	simm.s32 $_tile_overlayer_lowered  }
0x9b: {  	s21 =	simm.s32 $0x1BFF;
	s20 =	sshll.u32 s5, $0x1;
	s2 =	sadd.s32 s18, s17  }
0x9c: {  	s6 =	simm.s32 $0x0;
	s19 =	sshll.u32 s4, $0x1;
	s4 =	sadd.s32 s20, s2  }
0x9d: {  	[timem:s6], [sflag:s21] =	dma.local [hbm:s4], s19  }
0x9e: {  	_ =	swait.ge [sflag:s21], s19  }
0x9f: {  	s3 =	ssub.s32 $0x0, s19;
	[sflag:s21] =	ssyncset.done $0x0  }
0xa0: {  	[sflag:s21] =	ssyncadd.s32 s3;
	_ =	sdelay $0x1  }
0xa1: {  	s22 =	simm.s32 $0x1B8B  }
0xa2: {  	_ =	swait.ge [sflag:s22], $0x1  }
0xa3: {  	[sflag:s22] =	ssyncset.done $0x0  }
0xa4: {  	s23 =	sld [smem:$0x3FFE];
	[sflag:s22] =	ssyncadd.s32 $0xFFFFFFFF  }
0xa5: {  	s25 =	simm.s32 $0x1B8E;
	s24 =	sld [smem:$0x0]  }
0xa6: {  	s26 =	simm.s32 $execute0_lowered;
	[smem:$0x3FD2] =	sst s25  }
0xa7: {  	s5 =	sshll.u32 s26, $0x1;
	_ =	strace $0x8000004F;
	[dreg:$0x1] =	wrdreg $0xFFFFFFFF  }
0xa8: {  	s28 =	simm.s32 $_size_execute0_lowered;
	s2 =	sadd.s32 s2, s5;
	[dreg:$0x0] =	wrdreg $0x0  }
0xa9: {  	s5 =	sshll.u32 s28, $0x1;
	[dreg:$0x2] =	wrdreg s2  }
0xaa: {  	[dreg:$0x3] =	wrdreg s5  }
0xab: {  	[dreg:$0x4] =	wrdreg $0xC0  }
0xac: {  	_ =	task [dreg:s6], $0x5FFFF  }
0xad: {  	[dreg:$0x1] =	wrdreg $0xFFFFFFFF  }
0xae: {  	[dreg:$0x0] =	wrdreg $0x60  }
0xaf: {  	[dreg:$0x2] =	wrdreg s23  }
0xb0: {  	[dreg:$0x3] =	wrdreg s1  }
0xb1: {  	[dreg:$0x4] =	wrdreg s24  }
0xb2: {  	[dreg:$0x5] =	wrdreg $0x9  }
0xb3: {  	_ =	task.clear_ibuf [dreg:s6], $0x6FFFF;
	_ =	strace $0x9000004F  }
0xb4: {  	s29 =	simm.s32 $0x9;
	_ =	strace $0x80000051  }
0xb5: {  	_ =	swait.ge [sflag:s29], $0x1  }
0xb6: {  	[sflag:s29] =	ssyncadd.s32 $0xFFFFFFFF  }
0xb7: {  	_ =	strace $0x90000051  }
0xb8: {  	_ =	sfence  }
0xb9: {  	s30 =	sld [smem:$0x0];
	_ =	sdelay $0x2  }
0xba: {  	s31 =	sshll.u32 s1, $0xD;
	s1 =	sshrl.u32 s1, $0x2  }
0xbb: {  	s3 =	sand.u32 $0x4000, s31;
	s1 =	sadd.s32 s1, s30  }
0xbc: {  	s0 =	sor.u32 s3, s0;
	s1 =	sshll.u32 s1, $0x11  }
0xbd: {  	s0 =	sor.u32 s1, s0  }
0xbe: {  	s0 =	sadd.s32 $0x8F2B, s0  }
0xbf: {  	[sflag:s0] =	ssyncadd.remote.s32 $0x1  }
0xc0: {  	_ =	sfence.sel $0xFFFF  }
0xc1: {  	[dreg:$0x0] =	wrdreg $0xFFFFFFFF;
	(pc) =	sbr.abs _section_cstart, $3  }
0xc2: {  	[dreg:$0x1] =	wrdreg $0xFFFFFFFF  }
0xc3: {  	_ =	task.clear_ibuf [dreg:s6], $0x2FFFF;
	_ =	strace $0x9FFFFFFF  }
0xc4: {  	(tm) =	ssettm $0x7FFFFFFF  }
0xc5: {  	_ =	shalt  }
tec
execute0_lowered:
.L_overlay_start_1:
0x0: {  	(tag) =	ssettag $0x1  }
0x1: {  	s2 =	rddreg [dreg:$0x0]  }
0x2: {  	s3 =	rddreg [dreg:$0x1];
	_ =	strace $0x80000050;
	s0 =	simm.s32 $0x1  }
0x3: {  	v0 =	vimm.s32 $0x0;
	[sflag:s0] =	ssyncpa.u1 $0x0;
	s0 =	simm.s32 $0x108  }
0x4: {  	[tilespmem:s0+$0x70] =	vst v0  }
0x5: {  	[tilespmem:s0+$0x60] =	vst v0  }
0x6: {  	[tilespmem:s0+$0x50] =	vst v0  }
0x7: {  	[tilespmem:s0+$0x40] =	vst v0  }
0x8: {  	[tilespmem:s0+$0x30] =	vst v0  }
0x9: {  	s1 =	sadd.s32 $0x3200, s2;
	s15 =	sadd.s32 $0x27E000, s2;
	s6 =	sadd.s32 $0xC56400, s2;
	[tilespmem:s0+$0x20] =	vst v0  }
0xa: {  	s14 =	sadd.s32 $0x287E00, s2;
	s5 =	sand.u32 $0x1, s3;
	s3 =	simm.s32 $0x40;
	[tilespmem:s0+$0x10] =	vst v0  }
.LBB2_1:
0xb: {  	s3 =	sadd.s32 $0x40, s3;
	[tilespmem:s0+$0x0] =	vst v0;
	s0 =	sadd.s32 $0x80, s0  }
0xc: {  	p0 =	slt.u32 s3, $0x3C40;
	[tilespmem:s0+$0x70] =	vst v0  }
0xd: {  	[tilespmem:s0+$0x60] =	vst v0  }
.Ltmp0:
0xe: {  	[tilespmem:s0+$0x50] =	vst v0;
	(pc) =	sbr.rel @p0 .LBB2_1-.Ltmp0, $4  }
0xf: {  	[tilespmem:s0+$0x40] =	vst v0  }
0x10: {  	[tilespmem:s0+$0x30] =	vst v0  }
0x11: {  	[tilespmem:s0+$0x20] =	vst v0  }
0x12: {  	[tilespmem:s0+$0x10] =	vst v0  }
0x13: {  	s9 =	stileid.u32  }
0x14: {  	s2 =	smul.u32 $0x29, s9  }
0x15: {  	s3 =	smin.u32 s9, $0xB  }
0x16: {  	s2 =	sadd.s32 s3, s2  }
0x17: {  	p0 =	slt.u32 s9, $0xB;
	s7 =	smul.u32 $0xF0, s2;
	s2 =	simm.s32 $0x2760  }
0x18: {  	s2 =	simm.s32 @!p0 $0x2670  }
0x19: {  	s2 =	sadd.s32 s2, s7  }
0x1a: {  	s8 =	smin.u32 s2, $0x27100  }
0x1b: {  	s2 =	ssub.s32 s8, s7  }
0x1c: {  	p0 =	sgt.s32 s2, $0x0  }
0x1d: {  	s29 =	simm.s32 $0x2;
	s10 =	simm.s32 $0x9;
	s2 =	simm.s32 @!p0 $0x0  }
0x1e: {  	s4 =	simm.s32 $0xA;
	s11 =	simm.s32 $0xB;
	s28 =	smulhi.u32 $0x88888889, s2  }
0x1f: {  	[dreg:$0x4] =	wrdreg s5;
	s31 =	smul.u32 $0x4E20, s5;
	s12 =	simm.s32 $0x1  }
0x20: {  	s22 =	simm.s32 $0x0;
	s18 =	simm.s32 $0xC;
	s30 =	sshrl.u32 s28, $0x7  }
0x21: {  	s20 =	simm.s32 $0x0;
	s21 =	simm.s32 $0x0;
	s3 =	smul.u32 $0xF0, s30  }
.Ltmp1:
0x22: {  	[tilespmem:s0+$0x0] =	vst v0;
	v0 =	vimm.s32 $0xFFFFFFFF;
	[sflag:s29] =	ssyncpa.u1 $0x0;
	s16 =	sshll.u32 s9, $0x8;
	(pc) =	sbr.rel .LBB2_3-.Ltmp1, $4  }
0x23: {  	[tilespmem:$0xF208] =	vst v0;
	[sflag:s10] =	ssyncpa.u1 $0x0;
	p0 =	sne.s32 s2, s3;
	s2 =	simm.s32 $0x1  }
0x24: {  	s14 =	sadd.s32 s31, s14;
	[sflag:s4] =	ssyncpa.u1 $0x0;
	s2 =	simm.s32 @!p0 $0x0  }
0x25: {  	s15 =	sadd.s32 s31, s15;
	[sflag:s11] =	ssyncpa.u1 $0x0;
	s13 =	sadd.s32 s2, s30  }
0x26: {  	v0 =	vlaneseq.u32;
	s19 =	smov.u32 s7;
	p0 =	por $0x0, $0x0;
	s17 =	sadd.s32 $0x1, s13  }
.LBB2_18:
0x27: {  	s0 =	sshrl.u32 s31, $0x2  }
.LBB2_20:
0x28: {  	_ =	swait.ge [sflag:s18], s0  }
0x29: {  	s31 =	ssub.s32 $0x0, s0;
	v1 =	vmov s24;
	vm0 =	veq.s32 v0, $0x0;
	[sflag:s18] =	ssyncset.done $0x0  }
0x2a: {  	vm15 =	veq.s32 v0, $0x2;
	v1 =	vsel vm0, s30, v1;
	[sflag:s18] =	ssyncadd.s32 s31  }
0x2b: {  	v1 =	vsel vm15, s22, v1;
	[sflag:s18] =	ssyncpa.u1 $0x1  }
0x2c: {  	[tilespmem:$0xF208] =	vst v1  }
.LBB2_21:
0x2d: {  	s0 =	sadd.s32 $0xF0, s19  }
0x2e: {  	s2 =	smov.u32 s7;
	p1 =	slt.s32 s0, s8  }
0x2f: {  	s2 =	smov.u32 @p1 s0;
	p1 =	sne.s32 s21, s17  }
.Ltmp2:
0x30: {  	_ = 	snop;
	(pc) =	sbr.rel @!p1 .LBB2_22-.Ltmp2, $3  }
0x31: {  	_ =	sdelay $0x1  }
0x32: {  	s22 =	smov.u32 s20;
	s31 =	sadd.s32 $0x1, s21;
	s20 =	smov.u32 s19  }
0x33: {  	p0 =	por !p0, !p0;
	s21 =	smov.u32 s31;
	s19 =	smov.u32 s2  }
.LBB2_3:
0x34: {  	p1 =	sge.u32 s21, s13  }
0x35: {  	s0 =	smulhi.u32 @!p1 $0xAAAAAAAB, s21  }
0x36: {  	s2 =	smov.u32 s19;
	p2 =	sgt.s32 @!p1 s19, $0x27010  }
0x37: {  	s3 =	sshra.s32 @!p1 s19, $0x1F;
	p2 =	por !p2, p1;
	s0 =	sshrl.u32 @!p1 s0, $0x1  }
0x38: {  	s3 =	sand.u32 @!p1 s3, s19;
	s2 =	simm.s32 @p2 $0x27010;
	s0 =	smul.u32 @!p1 $0x3, s0  }
0x39: {  	s2 =	ssub.s32 @!p1 s2, s3  }
0x3a: {  	s2 =	sadd.s32 @!p1 $0xFFFD8FF0, s2;
	s0 =	ssub.s32 @!p1 s21, s0  }
0x3b: {  	s3 =	sshll.u32 @!p1 s2, $0x2;
	p2 =	sgt.s32 @!p1 s2, $0xEF;
	s0 =	smul.u32 @!p1 $0x3C0, s0  }
0x3c: {  	s4 =	sand.u32 @!p1 $0x7, s19;
	s2 =	ssub.s32 @!p1 $0x3C0, s3;
	p2 =	por !p2, p1  }
0x3d: {  	s3 =	sshrl.u32 @!p1 s19, $0x3;
	s2 =	sshrl.u32 @!p1 s2, $0x2;
	s0 =	sshrl.u32 @!p1 s0, $0x2  }
0x3e: {  	s3 =	sadd.s32 @!p1 s3, s14;
	s2 =	simm.s32 @!p2 $0x0;
	s0 =	sadd.s32 @!p1 $0x10248, s0  }
0x3f: {  	[tilespmem:s0], [sflag:$0xA] =	stream.linear.gather @!p1 [hbm4b:s3+s4], s2, $0x38;
	[tilespmem:$0x1F6F8] =	vst v63  }
0x40: {  	s0 =	sadd.s32 $0xFFFFFFFF, s21  }
0x41: {  	p1 =	sge.u32 s0, s13  }
0x42: {  	p2 =	sgt.s32 @!p1 s20, $0x27010  }
0x43: {  	s2 =	smov.u32 s20;
	s3 =	sshra.s32 @!p1 s20, $0x1F;
	p2 =	por !p2, p1  }
0x44: {  	s3 =	sand.u32 @!p1 s3, s20;
	s2 =	simm.s32 @p2 $0x27010  }
0x45: {  	s2 =	ssub.s32 @!p1 s2, s3  }
0x46: {  	s2 =	sadd.s32 @!p1 $0xFFFD8FF0, s2  }
0x47: {  	s4 =	sand.u32 @!p1 $0x1, s0;
	s3 =	sshll.u32 @!p1 s2, $0x2  }
0x48: {  	p2 =	sgt.s32 @!p1 s2, $0xEF;
	s2 =	ssub.s32 @!p1 $0x3C0, s3;
	s3 =	smulhi.u32 @!p1 $0xAAAAAAAB, s0  }
0x49: {  	s23 =	smul.u32 @!p1 $0x3C0, s4;
	p2 =	por !p2, p1;
	s2 =	sshrl.u32 @!p1 s2, $0x2  }
0x4a: {  	s5 =	simm.s32 @!p1 $0xA;
	s2 =	simm.s32 @!p2 $0x0;
	s3 =	sshrl.u32 @!p1 s3, $0x1  }
0x4b: {  	s23 =	sshrl.u32 @!p1 s23, $0x2;
	_ =	swait.ge @!p1 [sflag:s5], s2;
	s3 =	smul.u32 @!p1 $0x3, s3  }
0x4c: {  	s23 =	sadd.s32 @!p1 $0x10518, s23;
	s24 =	ssub.s32 @!p1 $0x0, s2;
	[sflag:s5] =	ssyncset.done @!p1 $0x0  }
0x4d: {  	[sflag:s5] =	ssyncadd.s32 @!p1 s24;
	s5 =	sshrl.u32 @!p1 s20, $0x3;
	s0 =	ssub.s32 @!p1 s0, s3  }
0x4e: {  	s24 =	sand.u32 @!p1 $0x7, s20;
	s5 =	sadd.s32 @!p1 s5, s15;
	s0 =	smul.u32 @!p1 $0x3C0, s0  }
0x4f: {  	[tilespmem:s23], [sflag:$0xB] =	stream.linear.gather @!p1 [hbm4b:s5+s24], s2, $0x38;
	[tilespmem:$0x1F6F8] =	vst v63  }
0x50: {  	s3 =	ssub.s32 @!p1 $0x27100, s20;
	s2 =	smul.u32 @!p1 $0x1E000, s4  }
0x51: {  	p2 =	slt.s32 @!p1 s3, $0xF0  }
0x52: {  	p2 =	por !p2, p1;
	s0 =	sshrl.u32 @!p1 s0, $0x2;
	s2 =	sshrl.u32 @!p1 s2, $0x2  }
0x53: {  	s3 =	simm.s32 @p2 $0xF0;
	s0 =	sadd.s32 @!p1 $0x10248, s0;
	s2 =	sor.u32 @!p1 $0x106F8, s2  }
0x54: {  	[tilespmem:s2], [sflag:$0x9] =	stream.indirect.gather @!p1 [hbm4b:s6+s3], $0x80, s0, s3, $0xb8;
	[tilespmem:$0x1F6F8] =	vst v63  }
0x55: {  	p1 =	slt.u32 s21, $0x2  }
.Ltmp3:
0x56: {  	_ = 	snop;
	(pc) =	sbr.rel @p1 .LBB2_21-.Ltmp3, $1  }
0x57: {  	_ =	sdelay $0x3  }
0x58: {  	p1 =	sgt.s32 s22, $0x27010  }
0x59: {  	s0 =	smov.u32 s22;
	s2 =	sshra.s32 s22, $0x1F;
	s3 =	ssub.s32 $0x27100, s22  }
0x5a: {  	s0 =	simm.s32 @!p1 $0x27010;
	s2 =	sand.u32 s2, s22;
	p1 =	slt.s32 s3, $0xF0  }
0x5b: {  	s0 =	ssub.s32 s0, s2;
	s3 =	simm.s32 @!p1 $0xF0  }
0x5c: {  	s0 =	sadd.s32 $0xFFFD8FF0, s0;
	s25 =	sshll.u32 s3, $0x7  }
0x5d: {  	s26 =	sshll.u32 s0, $0x2;
	s2 =	sand.u32 $0x3FFFFF80, s25  }
0x5e: {  	p1 =	sgt.s32 s0, $0xEF;
	s29 =	ssub.s32 $0x3C0, s26;
	_ =	swait.ge [sflag:s10], s2  }
0x5f: {  	s2 =	ssub.s32 $0x0, s2;
	[sflag:s10] =	ssyncset.done $0x0;
	s0 =	sshrl.u32 s29, $0x2  }
0x60: {  	[sflag:s10] =	ssyncadd.s32 s2;
	s0 =	simm.s32 @p1 $0x0  }
0x61: {  	_ =	swait.ge [sflag:s11], s0  }
0x62: {  	s0 =	ssub.s32 $0x0, s0;
	[sflag:s11] =	ssyncset.done $0x0  }
0x63: {  	[sflag:s11] =	ssyncadd.s32 s0  }
0x64: {  	v1 =	vld [tilespmem:$0xF208];
	_ =	sdelay $0x4  }
0x65: {  	(v2sf) =	vpush v1, $0x0  }
0x66: {  	(v2sf) =	vpush v1, $0x1  }
0x67: {  	(v2sf) =	vpush v1, $0x2;
	_ =	sdelay $0x3  }
0x68: {  	s0 =	sadd.s32 $0xF0, s22  }
0x69: {  	s2 =	ssub.s32 $0x4E200, s22;
	p1 =	slt.s32 s8, s0  }
0x6a: {  	s0 =	smov.u32 @p1 s8;
	p1 =	sgt.s32 s2, $0x0  }
0x6b: {  	s26 =	ssub.s32 s0, s22;
	s2 =	simm.s32 @!p1 $0x0  }
0x6c: {  	p1 =	slt.s32 s2, s26  }
0x6d: {  	s26 =	smov.u32 @p1 s2  }
0x6e: {  	s25 =	simm.s32 $0x1;
	p1 =	slt.s32 s26, $0x1  }
.Ltmp4:
0x6f: {  	s25 =	simm.s32 @!p0 $0x0;
	(pc) =	sbr.rel @p1 .LBB2_8-.Ltmp4, $4  }
0x70: {  	s31 =	smul.u32 $0x3C0, s25  }
0x71: {  	s28 =	spop (v2sf)  }
0x72: {  	s0 =	sshrl.u32 s31, $0x2;
	s30 =	spop (v2sf)  }
0x73: {  	s23 =	sadd.s32 $0x10518, s0;
	s22 =	spop (v2sf)  }
0x74: {  	s0 =	smin.u32 s26, $0x10  }
0x75: {  	v1 =	vmov s0  }
0x76: {  	p2 =	sgt.s32 s26, $0x10;
	vm1 =	vgt.u32 v1, v0  }
.Ltmp5:
0x77: {  	_ = 	snop;
	(pc) =	sbr.rel @!p2 .LBB2_7-.Ltmp5, $2  }
0x78: {  	_ =	sdelay $0x2  }
0x79: {  	s4 =	simm.s32 $0x10;
	s24 =	sadd.s32 $0xFFFFFFF0, s26;
	s0 =	smov.u32 s23;
	vm0 =	vmmov vm1  }
.LBB2_6:
0x7a: {  	s2 =	smin.u32 s24, $0x10;
	s4 =	sadd.s32 $0x10, s4;
	v1 =	vld.msk [tilespmem:s0+$0x0 ss:$0x1], vm1  }
0x7b: {  	v2 =	vmov s2;
	p2 =	slt.s32 s4, s26  }
0x7c: {  	vm1 =	vgt.u32 v2, v0  }
.Ltmp6:
0x7d: {  	(pc) =	sbr.rel @p2 .LBB2_6-.Ltmp6, $3  }
0x7e: {  	_ =	sdelay $0x1  }
0x7f: {  	v1 =	vshll.u32 v1, $0x4  }
0x80: {  	s24 =	sadd.s32 $0xFFFFFFF0, s24;
	[tilespmem:s0+$0x0] =	vst.msk vm0, v1;
	s0 =	sadd.s32 $0x10, s0;
	vm0 =	vmmov vm1  }
.LBB2_7:
0x81: {  	_ =	sdelay $0x4  }
0x82: {  	v1 =	vld.msk [tilespmem:s0+$0x0 ss:$0x1], vm1;
	_ =	sdelay $0x4  }
0x83: {  	v1 =	vshll.u32 v1, $0x4  }
0x84: {  	[tilespmem:s0+$0x0] =	vst.msk vm0, v1  }
.LBB2_8:
0x85: {  	s0 =	sand.u32 $0x1, s21  }
0x86: {  	s0 =	smul.u32 $0xF0, s0  }
0x87: {  	p2 =	sne.s32 s30, $0xFFFFFFFF  }
0x88: {  	v1 =	vld.msk @!p2 [tilespmem:s0+$0x10518], $0x1;
	_ =	sdelay $0x4  }
0x89: {  	(v2sf) =	vpush @!p2 v1, $0x0;
	_ =	sdelay $0xc  }
.Ltmp7:
0x8a: {  	_ = 	snop;
	(pc) =	sbr.rel @p1 .LBB2_19-.Ltmp7, $4  }
0x8b: {  	_ = 	snop  }
0x8c: {  	s29 =	spop @!p2 (v2sf)  }
0x8d: {  	s22 =	simm.s32 @!p2 $0x0;
	s24 =	smov.u32 s29  }
0x8e: {  	[sflag:s18] =	ssyncpa.u1 $0x0;
	s29 =	smov.u32 @p2 s28;
	s24 =	smov.u32 @p2 s30  }
0x8f: {  	v1 =	vld.msk [tilespmem:s23+$0x0], $0x1;
	_ =	sdelay $0x4  }
0x90: {  	(v2sf) =	vpush v1, $0x0;
	_ =	sdelay $0xe  }
0x91: {  	s2 =	smul.u32 $0x1E000, s25;
	s0 =	spop (v2sf)  }
0x92: {  	s26 =	ssub.s32 $0x0, s26;
	p1 =	seq.s32 s29, s0  }
0x93: {  	s30 =	sadd.s32 $0x1, s26;
	s2 =	sshrl.u32 s2, $0x2;
	p2 =	sgt.s32 @!p1 s29, $0x0  }
0x94: {  	s25 =	sor.u32 $0x10738, s2;
	s2 =	smov.u32 s29;
	p2 =	por !p2, p1  }
0x95: {  	s2 =	simm.s32 @p2 $0x0;
	p2 =	seq.s32 s30, $0x0  }
.Ltmp8:
0x96: {  	_ = 	snop;
	(pc) =	sbr.rel @p2 .LBB2_11-.Ltmp8, $4  }
0x97: {  	_ = 	snop  }
0x98: {  	s28 =	simm.s32 $0x0;
	s31 =	sadd.s32 $0x1, s23;
	s2 =	smin.u32 @!p1 s2, $0x270FF0  }
0x99: {  	s4 =	simm.s32 @!p1 $0x1;
	s5 =	simm.s32 @!p1 $0x7988;
	s3 =	sand.u32 @!p1 $0x3FFFF8, s2  }
0x9a: {  	s4 =	smov.u32 @p1 s28;
	s2 =	sand.u32 @!p1 $0x7, s2;
	s3 =	sadd.s32 @!p1 s1, s3  }
.LBB2_10:
0x9b: {  	s9 =	smov.u32 s4  }
0x9c: {  	[tilespmem:s5], [sflag:$0x2] =	stream.linear.gather @!p1 [hbm4b:s3+s2], $0x80, $0x38;
	[tilespmem:$0x1F6F8] =	vst v63  }
0x9d: {  	s30 =	sadd.s32 $0x1, s30;
	s2 =	smov.u32 s0;
	v1 =	vld.msk [tilespmem:s31+$0x0], $0x1  }
0x9e: {  	p2 =	seq.s32 s30, $0x0;
	_ =	sdelay $0x3  }
0x9f: {  	(v2sf) =	vpush v1, $0x0;
	_ =	sdelay $0xe  }
0xa0: {  	s0 =	spop (v2sf)  }
0xa1: {  	p1 =	seq.s32 s2, s0  }
0xa2: {  	p3 =	sgt.s32 @!p1 s2, $0x0;
	s3 =	sshll.u32 @!p1 s4, $0x9;
	s4 =	sadd.s32 @!p1 $0x1, s4  }
.Ltmp9:
0xa3: {  	p3 =	por !p3, p1;
	s3 =	sshra.s32 @!p1 s3, $0x2;
	(pc) =	sbr.rel @!p2 .LBB2_10-.Ltmp9, $4  }
0xa4: {  	s4 =	smov.u32 @p1 s9;
	s2 =	simm.s32 @p3 $0x0;
	s5 =	sadd.s32 @!p1 $0x7988, s3  }
0xa5: {  	s2 =	smin.u32 @!p1 s2, $0x270FF0  }
0xa6: {  	s3 =	sand.u32 @!p1 $0x3FFFF8, s2;
	s2 =	sand.u32 @!p1 $0x7, s2  }
0xa7: {  	s31 =	sadd.s32 $0x1, s31;
	s3 =	sadd.s32 @!p1 s1, s3  }
.LBB2_11:
0xa8: {  	[tilespmem:s5], [sflag:$0x2] =	stream.linear.gather @!p1 [hbm4b:s3+s2], $0x80, $0x38;
	[tilespmem:$0x1F6F8] =	vst v63  }
.Ltmp10:
0xa9: {  	s0 =	sshll.u32 s4, $0x7;
	(pc) =	sbr.rel .LBB2_12-.Ltmp10, $4  }
0xaa: {  	s30 =	simm.s32 $0x2;
	s0 =	sand.u32 $0x3FFFFF80, s0  }
0xab: {  	_ =	swait.ge [sflag:s30], s0  }
0xac: {  	s0 =	ssub.s32 $0x0, s0;
	[sflag:s30] =	ssyncset.done $0x0  }
0xad: {  	s31 =	simm.s32 $0x0;
	[sflag:s30] =	ssyncadd.s32 s0  }
.LBB2_13:
0xae: {  	v1 =	vld [tilespmem:s25+$0xFFFFFFC0];
	_ =	sdelay $0x3  }
0xaf: {  	s0 =	sshra.s32 s0, $0x2  }
0xb0: {  	[tilespmem:s0+$0x108] =	vst.add.f32.msk $0xffff, v1  }
0xb1: {  	v1 =	vld [tilespmem:s25+$0xFFFFFFD0];
	_ =	sdelay $0x4  }
0xb2: {  	[tilespmem:s0+$0x118] =	vst.add.f32.msk $0xffff, v1  }
0xb3: {  	v1 =	vld [tilespmem:s25+$0xFFFFFFE0];
	_ =	sdelay $0x4  }
0xb4: {  	[tilespmem:s0+$0x128] =	vst.add.f32.msk $0xffff, v1  }
0xb5: {  	v1 =	vld [tilespmem:s25+$0xFFFFFFF0];
	_ =	sdelay $0x4  }
0xb6: {  	[tilespmem:s0+$0x138] =	vst.add.f32.msk $0xffff, v1  }
0xb7: {  	v1 =	vld [tilespmem:s25+$0x0];
	_ =	sdelay $0x4  }
0xb8: {  	[tilespmem:s0+$0x148] =	vst.add.f32.msk $0xffff, v1  }
0xb9: {  	v1 =	vld [tilespmem:s25+$0x10];
	_ =	sdelay $0x4  }
0xba: {  	[tilespmem:s0+$0x158] =	vst.add.f32.msk $0xffff, v1  }
0xbb: {  	v1 =	vld [tilespmem:s25+$0x20];
	_ =	sdelay $0x4  }
0xbc: {  	[tilespmem:s0+$0x168] =	vst.add.f32.msk $0xffff, v1  }
0xbd: {  	v1 =	vld [tilespmem:s25+$0x30];
	_ =	sdelay $0x4  }
0xbe: {  	[tilespmem:s0+$0x178] =	vst.add.f32.msk $0xffff, v1  }
.LBB2_17:
0xbf: {  	s26 =	sadd.s32 $0x1, s26  }
0xc0: {  	p1 =	seq.s32 s26, $0x0  }
.Ltmp11:
0xc1: {  	_ = 	snop;
	(pc) =	sbr.rel @p1 .LBB2_18-.Ltmp11, $2  }
0xc2: {  	_ =	sdelay $0x2  }
0xc3: {  	s23 =	sadd.s32 $0x1, s23;
	s25 =	sadd.s32 $0x80, s25;
	s29 =	smov.u32 s30  }
.LBB2_12:
0xc4: {  	v1 =	vld.msk [tilespmem:s23+$0x0], $0x1;
	_ =	sdelay $0x4  }
0xc5: {  	(v2sf) =	vpush v1, $0x0;
	_ =	sdelay $0xe  }
0xc6: {  	s30 =	spop (v2sf)  }
0xc7: {  	p1 =	sne.s32 s29, s30  }
.Ltmp12:
0xc8: {  	_ = 	snop;
	(pc) =	sbr.rel @!p1 .LBB2_13-.Ltmp12, $2  }
0xc9: {  	_ =	sdelay $0x2  }
0xca: {  	s0 =	sshll.u32 s22, $0x9  }
0xcb: {  	p1 =	seq.s32 s29, s24  }
.Ltmp13:
0xcc: {  	_ = 	snop;
	(pc) =	sbr.rel @!p1 .LBB2_15-.Ltmp13, $1  }
0xcd: {  	_ =	sdelay $0x3  }
0xce: {  	s0 =	sshra.s32 s0, $0x2  }
.Ltmp14:
0xcf: {  	s0 =	sadd.s32 $0x108, s0;
	(pc) =	sbr.rel .LBB2_16-.Ltmp14, $4  }
0xd0: {  	[spmem:s16] =	stream.linear.scatter [tilespmem:s0], [sflag:$0x1], $0x80, $0x38;
	[tilespmem:$0x1F6F8] =	vst v63  }
0xd1: {  	_ =	swait.ge [sflag:s12], $0x80  }
0xd2: {  	[sflag:s12] =	ssyncset.done $0x0  }
0xd3: {  	[sflag:s12] =	ssyncadd.s32 $0xFFFFFF80  }
.LBB2_15:
0xd4: {  	s2 =	sshll.u32 s28, $0x9  }
0xd5: {  	s2 =	sshra.s32 s2, $0x2  }
0xd6: {  	v1 =	vld [tilespmem:s2+$0x7988];
	_ =	sdelay $0x3  }
0xd7: {  	s0 =	sshra.s32 s0, $0x2  }
0xd8: {  	[tilespmem:s0+$0x108] =	vst.add.f32.msk $0xffff, v1  }
0xd9: {  	v1 =	vld [tilespmem:s2+$0x7998];
	_ =	sdelay $0x4  }
0xda: {  	[tilespmem:s0+$0x118] =	vst.add.f32.msk $0xffff, v1  }
0xdb: {  	v1 =	vld [tilespmem:s2+$0x79A8];
	_ =	sdelay $0x4  }
0xdc: {  	[tilespmem:s0+$0x128] =	vst.add.f32.msk $0xffff, v1  }
0xdd: {  	v1 =	vld [tilespmem:s2+$0x79B8];
	_ =	sdelay $0x4  }
0xde: {  	[tilespmem:s0+$0x138] =	vst.add.f32.msk $0xffff, v1  }
0xdf: {  	v1 =	vld [tilespmem:s2+$0x79C8];
	_ =	sdelay $0x4  }
0xe0: {  	[tilespmem:s0+$0x148] =	vst.add.f32.msk $0xffff, v1  }
0xe1: {  	v1 =	vld [tilespmem:s2+$0x79D8];
	_ =	sdelay $0x4  }
0xe2: {  	[tilespmem:s0+$0x158] =	vst.add.f32.msk $0xffff, v1  }
0xe3: {  	v1 =	vld [tilespmem:s2+$0x79E8];
	_ =	sdelay $0x4  }
0xe4: {  	[tilespmem:s0+$0x168] =	vst.add.f32.msk $0xffff, v1  }
0xe5: {  	v1 =	vld [tilespmem:s2+$0x79F8];
	_ =	sdelay $0x2  }
0xe6: {  	p1 =	sgt.u32 s29, $0x270FF0  }
0xe7: {  	s2 =	sand.u32 @!p1 $0x3FFFF8, s29  }
0xe8: {  	s3 =	sadd.s32 $0x108, s0;
	[tilespmem:s0+$0x178] =	vst.add.f32.msk $0xffff, v1;
	s0 =	sadd.s32 @!p1 s1, s2;
	s2 =	sand.u32 @!p1 $0x7, s29  }
0xe9: {  	[hbm4b:s0+s2] =	stream.linear.scatter @!p1 [tilespmem:s3], [sflag:$0xC], $0x80, $0x38;
	[tilespmem:$0x1F6F8] =	vst v63  }
0xea: {  	s0 =	simm.s32 $0x0  }
0xeb: {  	s0 =	simm.s32 @!p1 $0x200  }
0xec: {  	s31 =	sadd.s32 s0, s31  }
.LBB2_16:
0xed: {  	s0 =	sadd.s32 $0x1, s22  }
0xee: {  	s2 =	smulhi.u32 $0x88888889, s0;
	_ =	sdelay $0x1  }
0xef: {  	v1 =	vld [tilespmem:s25+$0xFFFFFFC0];
	s2 =	sshrl.u32 s2, $0x7  }
0xf0: {  	s2 =	smul.u32 $0xF0, s2;
	_ =	sdelay $0x1  }
0xf1: {  	s22 =	ssub.s32 s0, s2  }
0xf2: {  	s0 =	sshll.u32 s22, $0x7  }
0xf3: {  	[tilespmem:s0+$0x108] =	vst v1  }
0xf4: {  	v1 =	vld [tilespmem:s25+$0xFFFFFFD0];
	_ =	sdelay $0x4  }
0xf5: {  	[tilespmem:s0+$0x118] =	vst v1  }
0xf6: {  	v1 =	vld [tilespmem:s25+$0xFFFFFFE0];
	_ =	sdelay $0x4  }
0xf7: {  	[tilespmem:s0+$0x128] =	vst v1  }
0xf8: {  	v1 =	vld [tilespmem:s25+$0xFFFFFFF0];
	_ =	sdelay $0x4  }
0xf9: {  	[tilespmem:s0+$0x138] =	vst v1  }
0xfa: {  	v1 =	vld [tilespmem:s25+$0x0];
	_ =	sdelay $0x4  }
0xfb: {  	[tilespmem:s0+$0x148] =	vst v1  }
0xfc: {  	v1 =	vld [tilespmem:s25+$0x10];
	_ =	sdelay $0x4  }
0xfd: {  	[tilespmem:s0+$0x158] =	vst v1  }
0xfe: {  	v1 =	vld [tilespmem:s25+$0x20];
	_ =	sdelay $0x4  }
0xff: {  	[tilespmem:s0+$0x168] =	vst v1  }
0x100: {  	v1 =	vld [tilespmem:s25+$0x30]  }
.Ltmp15:
0x101: {  	_ = 	snop;
	(pc) =	sbr.rel .LBB2_17-.Ltmp15, $2  }
0x102: {  	_ =	sdelay $0x2  }
0x103: {  	s28 =	sadd.s32 $0x1, s28;
	[tilespmem:s0+$0x178] =	vst v1  }
.LBB2_19:
.Ltmp16:
0x104: {  	(pc) =	sbr.rel .LBB2_20-.Ltmp16, $4  }
0x105: {  	_ = 	snop  }
0x106: {  	s0 =	simm.s32 $0x2  }
0x107: {  	_ =	swait.ge [sflag:s0], $0x0  }
0x108: {  	s30 =	smov.u32 s29;
	[sflag:s0] =	ssyncset.done $0x0;
	s0 =	simm.s32 $0x0  }
.LBB2_22:
0x109: {  	_ =	sfence.sel $0x180000  }
0x10a: {  	s0 =	simm.s32 $0x9;
	[bflag:$0x0] =	sbarrier.arrive $0xFFFF  }
0x10b: {  	s24 =	simm.s32 $0xA;
	[sflag:s0] =	ssyncpa.u1 $0x1  }
0x10c: {  	s25 =	simm.s32 $0xB;
	[sflag:s24] =	ssyncpa.u1 $0x1  }
0x10d: {  	s26 =	simm.s32 $0x2;
	[sflag:s25] =	ssyncpa.u1 $0x1  }
0x10e: {  	[sflag:s26] =	ssyncpa.u1 $0x1  }
0x10f: {  	v0 =	vld [tilespmem:$0xF208];
	_ =	sdelay $0x4  }
0x110: {  	(v2sf) =	vpush v0, $0x0  }
0x111: {  	(v2sf) =	vpush v0, $0x1;
	_ =	sdelay $0x1  }
0x112: {  	(v2sf) =	vpush v0, $0x2;
	_ =	sdelay $0xb  }
0x113: {  	s0 =	spop (v2sf)  }
0x114: {  	s2 =	spop (v2sf)  }
0x115: {  	s3 =	smov.u32 s0;
	p0 =	sne.s32 s0, s2  }
0x116: {  	s4 =	spop (v2sf);
	s3 =	simm.s32 @!p0 $0xFFFFFFFF  }
0x117: {  	v2 =	vimm.s32 $0x1;
	v3 =	vlaneseq.u32;
	p0 =	seq.s32 s4, $0xFFFFFFFF;
	v1 =	vmov s3  }
0x118: {  	s16 =	stileid.u32;
	v0 =	vperm.xlane v0, v2;
	p1 =	sne.s32 @!p0 s0, s2;
	v1 =	vperm.xlane v1, v3  }
0x119: {  	vm0 =	vcmask $0x3F04;
	s6 =	simm.s32 $0xF208;
	s0 =	simm.s32 @!p0 $0x1;
	p1 =	por !p1, p0  }
0x11a: {  	s3 =	sshll.u32 s16, $0x1;
	s2 =	sshll.u32 @!p0 s4, $0x9;
	s0 =	simm.s32 @p1 $0x0;
	v0 =	vsel vm0, v1, v0  }
0x11b: {  	s5 =	sor.u32 $0x1000, s3;
	s2 =	sshra.s32 @!p0 s2, $0x2;
	s0 =	sor.u32 @!p0 s0, s3;
	[tilespmem:$0xF208] =	vst v0  }
0x11c: {  	[spmem:s5] =	stream.linear.scatter [tilespmem:s6], [sflag:$0x1], $0x2, $0x38;
	[tilespmem:$0x1F6F8] =	vst v63  }
0x11d: {  	s2 =	sadd.s32 @!p0 $0x108, s2;
	s0 =	sshll.u32 @!p0 s0, $0x7  }
0x11e: {  	[spmem:s0] =	stream.linear.scatter @!p0 [tilespmem:s2], [sflag:$0x1], $0x80, $0x38;
	[tilespmem:$0x1F6F8] =	vst v63  }
0x11f: {  	s0 =	simm.s32 @!p0 $0x82  }
0x120: {  	s28 =	simm.s32 $0x1;
	s0 =	simm.s32 @p0 $0x2  }
0x121: {  	_ =	swait.ge [sflag:s28], s0  }
0x122: {  	s0 =	ssub.s32 $0x0, s0;
	[sflag:s28] =	ssyncset.done $0x0  }
0x123: {  	p0 =	sne.s32 s16, $0x0;
	[sflag:s28] =	ssyncadd.s32 s0  }
.Ltmp17:
0x124: {  	_ =	sfence.stream.spmem;
	(pc) =	sbr.rel @p0 .LBB2_39-.Ltmp17, $4  }
0x125: {  	s29 =	simm.s32 $0x3;
	[bflag:$0x0] =	sbarrier.arrive $0xFFFF  }
0x126: {  	s30 =	simm.s32 $0x4;
	[sflag:s29] =	ssyncpa.u1 $0x1  }
0x127: {  	s31 =	simm.s32 $0x3C;
	[sflag:s30] =	ssyncpa.u1 $0x1  }
0x128: {  	s15 =	rddreg [dreg:$0x4];
	[sflag:s31] =	ssyncpa.u1 $0x1  }
0x129: {  	_ =	sfence.stream.spmem;
	s0 =	simm.s32 $0x5  }
0x12a: {  	s2 =	simm.s32 $0x1000;
	s3 =	simm.s32 $0xF218;
	[sflag:s0] =	ssyncpa.u1 $0x0  }
0x12b: {  	[tilespmem:s3], [sflag:$0x5] =	stream.linear.gather [spmem:s2], $0x20, $0x38;
	[tilespmem:$0x1F6F8] =	vst v63  }
0x12c: {  	s26 =	simm.s32 $0x0;
	s28 =	simm.s32 $0xF238  }
0x12d: {  	[tilespmem:s28], [sflag:$0x5] =	stream.linear.gather [spmem:s26], $0x1000, $0x38;
	[tilespmem:$0x1F6F8] =	vst v63  }
0x12e: {  	_ =	swait.ge [sflag:s0], $0x1020  }
0x12f: {  	[sflag:s0] =	ssyncset.done $0x0  }
0x130: {  	s29 =	simm.s32 $0x0;
	[sflag:s0] =	ssyncadd.s32 $0xFFFFEFE0  }
0x131: {  	v0 =	vld.msk [tilespmem:s29+$0xF218], $0x1;
	_ =	sdelay $0x1  }
0x132: {  	s30 =	simm.s32 $0x1  }
0x133: {  	v1 =	vld.msk [tilespmem:s30+$0xF218], $0x1;
	_ =	sdelay $0x1  }
0x134: {  	(v2sf) =	vpush v0, $0x0;
	_ =	sdelay $0x2  }
0x135: {  	(v2sf) =	vpush v1, $0x0;
	_ =	sdelay $0x2  }
0x136: {  	s31 =	simm.s32 $0x2  }
0x137: {  	v0 =	vld.msk [tilespmem:s31+$0xF218], $0x1;
	_ =	sdelay $0x2  }
0x138: {  	s4 =	simm.s32 $0xFFFFFFFF;
	s5 =	simm.s32 $0xFFFFFFFF;
	s0 =	simm.s32 $0xC  }
.LBB2_24:
0x139: {  	s2 =	smov.u32 s5;
	s3 =	smov.u32 s4  }
0x13a: {  	s4 =	sshra.s32 s0, $0x2;
	p1 =	sne.s32 s0, $0x7C;
	s0 =	sadd.s32 $0x4, s0;
	(v2sf) =	vpush v0, $0x0  }
0x13b: {  	v0 =	vld.msk [tilespmem:s4+$0xF218], $0x1  }
.Ltmp18:
0x13c: {  	(pc) =	sbr.rel @p1 .LBB2_24-.Ltmp18, $4  }
0x13d: {  	s5 =	spop (v2sf)  }
0x13e: {  	p2 =	sne.s32 s3, $0xFFFFFFFF;
	s4 =	smov.u32 s5  }
0x13f: {  	p3 =	seq.s32 s5, $0xFFFFFFFF;
	s4 =	smov.u32 @p2 s3  }
0x140: {  	s5 =	smov.u32 @p3 s2;
	s4 =	smov.u32 @p3 s3  }
0x141: {  	(v2sf) =	vpush v0, $0x0;
	_ =	sdelay $0x8  }
0x142: {  	s0 =	spop (v2sf)  }
0x143: {  	p1 =	sne.s32 s4, $0xFFFFFFFF;
	s2 =	smov.u32 s0  }
0x144: {  	s9 =	simm.s32 $0x6;
	p2 =	seq.s32 s0, $0xFFFFFFFF;
	s2 =	smov.u32 @p1 s4  }
0x145: {  	s6 =	simm.s32 $0x0;
	s2 =	smov.u32 @p2 s4;
	s3 =	spop (v2sf)  }
0x146: {  	s0 =	smov.u32 @p2 s5;
	p1 =	sne.s32 s2, $0xFFFFFFFF;
	s4 =	smov.u32 s3  }
.Ltmp19:
0x147: {  	p2 =	seq.s32 s3, $0xFFFFFFFF;
	s4 =	smov.u32 @p1 s2;
	(pc) =	sbr.rel .LBB2_26-.Ltmp19, $4  }
0x148: {  	s10 =	simm.s32 $0xF188;
	s4 =	smov.u32 @p2 s2;
	s7 =	spop (v2sf)  }
0x149: {  	s11 =	simm.s32 $0x0;
	p1 =	sne.s32 s4, $0xFFFFFFFF;
	s8 =	smov.u32 s7  }
0x14a: {  	s3 =	smov.u32 @p2 s0;
	p2 =	seq.s32 s7, $0xFFFFFFFF;
	s8 =	smov.u32 @p1 s4  }
0x14b: {  	[sflag:s9] =	ssyncpa.u1 $0x0;
	s7 =	smov.u32 @p2 s3;
	s8 =	smov.u32 @p2 s4  }
.LBB2_32:
0x14c: {  	p1 =	sgt.u32 s12, $0x270FF0  }
0x14d: {  	p2 =	seq.s32 @!p1 s12, s8  }
0x14e: {  	p1 =	por p1, p2  }
0x14f: {  	p2 =	sne.s32 @!p1 s12, s7  }
0x150: {  	p1 =	por p1, !p2  }
0x151: {  	s0 =	sshll.u32 @p1 s11, $0x9  }
0x152: {  	s0 =	sand.u32 @!p1 $0x3FFFF8, s12  }
0x153: {  	s2 =	sand.u32 @!p1 $0x7, s12;
	s0 =	sadd.s32 @!p1 s1, s0  }
0x154: {  	[tilespmem:s10], [sflag:$0x6] =	stream.linear.gather @!p1 [hbm4b:s0+s2], $0x80, $0x38;
	[tilespmem:$0x1F6F8] =	vst v63  }
0x155: {  	_ =	swait.ge @!p1 [sflag:s9], $0x80  }
0x156: {  	[sflag:s9] =	ssyncset.done @!p1 $0x0  }
0x157: {  	[sflag:s9] =	ssyncadd.s32 @!p1 $0xFFFFFF80  }
0x158: {  	v1 =	vld @!p1 [tilespmem:$0xF188];
	_ =	sdelay $0x2  }
0x159: {  	s0 =	sshll.u32 @!p1 s11, $0x9  }
0x15a: {  	s2 =	sshrl.u32 @!p1 s0, $0x2  }
0x15b: {  	[tilespmem:s2+$0xF238] =	vst.add.f32.msk @!p1 $0xffff, v1  }
0x15c: {  	v1 =	vld @!p1 [tilespmem:$0xF198];
	_ =	sdelay $0x4  }
0x15d: {  	[tilespmem:s2+$0xF248] =	vst.add.f32.msk @!p1 $0xffff, v1  }
0x15e: {  	v1 =	vld @!p1 [tilespmem:$0xF1A8];
	_ =	sdelay $0x4  }
0x15f: {  	[tilespmem:s2+$0xF258] =	vst.add.f32.msk @!p1 $0xffff, v1  }
0x160: {  	v1 =	vld @!p1 [tilespmem:$0xF1B8];
	_ =	sdelay $0x4  }
0x161: {  	[tilespmem:s2+$0xF268] =	vst.add.f32.msk @!p1 $0xffff, v1  }
0x162: {  	v1 =	vld @!p1 [tilespmem:$0xF1C8];
	_ =	sdelay $0x4  }
0x163: {  	[tilespmem:s2+$0xF278] =	vst.add.f32.msk @!p1 $0xffff, v1  }
0x164: {  	v1 =	vld @!p1 [tilespmem:$0xF1D8];
	_ =	sdelay $0x4  }
0x165: {  	[tilespmem:s2+$0xF288] =	vst.add.f32.msk @!p1 $0xffff, v1  }
0x166: {  	v1 =	vld @!p1 [tilespmem:$0xF1E8];
	_ =	sdelay $0x4  }
0x167: {  	[tilespmem:s2+$0xF298] =	vst.add.f32.msk @!p1 $0xffff, v1  }
0x168: {  	v1 =	vld @!p1 [tilespmem:$0xF1F8];
	_ =	sdelay $0x4  }
0x169: {  	[tilespmem:s2+$0xF2A8] =	vst.add.f32.msk @!p1 $0xffff, v1  }
0x16a: {  	s0 =	sshrl.u32 s0, $0x2;
	[tilespmem:s6+$0xF218] =	vst.msk $0x1, v0  }
0x16b: {  	v0 =	vld [tilespmem:s0+$0xF238];
	_ =	sdelay $0x2  }
0x16c: {  	s31 =	sshll.u32 s6, $0x9  }
0x16d: {  	s2 =	sshra.s32 s31, $0x2  }
0x16e: {  	[tilespmem:s2+$0xF238] =	vst v0  }
0x16f: {  	v0 =	vld [tilespmem:s0+$0xF248];
	_ =	sdelay $0x4  }
0x170: {  	[tilespmem:s2+$0xF248] =	vst v0  }
0x171: {  	v0 =	vld [tilespmem:s0+$0xF258];
	_ =	sdelay $0x4  }
0x172: {  	[tilespmem:s2+$0xF258] =	vst v0  }
0x173: {  	v0 =	vld [tilespmem:s0+$0xF268];
	_ =	sdelay $0x4  }
0x174: {  	[tilespmem:s2+$0xF268] =	vst v0  }
0x175: {  	v0 =	vld [tilespmem:s0+$0xF278];
	_ =	sdelay $0x4  }
0x176: {  	[tilespmem:s2+$0xF278] =	vst v0  }
0x177: {  	v0 =	vld [tilespmem:s0+$0xF288];
	_ =	sdelay $0x4  }
0x178: {  	[tilespmem:s2+$0xF288] =	vst v0  }
0x179: {  	v0 =	vld [tilespmem:s0+$0xF298];
	_ =	sdelay $0x4  }
0x17a: {  	[tilespmem:s2+$0xF298] =	vst v0  }
0x17b: {  	v0 =	vld [tilespmem:s0+$0xF2A8];
	_ =	sdelay $0x4  }
0x17c: {  	s6 =	sadd.s32 $0x1, s6;
	[tilespmem:s2+$0xF2A8] =	vst v0  }
.LBB2_33:
0x17d: {  	s11 =	sadd.s32 $0x1, s11  }
0x17e: {  	p1 =	sne.s32 s11, $0x20  }
.Ltmp20:
0x17f: {  	_ = 	snop;
	(pc) =	sbr.rel @!p1 .LBB2_34-.Ltmp20, $1  }
0x180: {  	_ =	sdelay $0x3  }
.LBB2_26:
0x181: {  	v0 =	vld.msk [tilespmem:s11+$0xF218], $0x1;
	_ =	sdelay $0x4  }
0x182: {  	(v2sf) =	vpush v0, $0x0;
	_ =	sdelay $0xe  }
0x183: {  	s12 =	spop (v2sf)  }
0x184: {  	p1 =	seq.s32 s12, $0xFFFFFFFF  }
.Ltmp21:
0x185: {  	_ = 	snop;
	(pc) =	sbr.rel @p1 .LBB2_33-.Ltmp21, $1  }
0x186: {  	_ =	sdelay $0x3  }
0x187: {  	p1 =	slt.s32 s6, $0x1  }
.Ltmp22:
0x188: {  	_ = 	snop;
	(pc) =	sbr.rel @p1 .LBB2_32-.Ltmp22, $1  }
0x189: {  	_ =	sdelay $0x3  }
0x18a: {  	s13 =	simm.s32 $0xF218;
	p1 =	por $0x0, $0x0  }
0x18b: {  	v1 =	vld.msk @!p1 [tilespmem:s13+$0x0], $0x1;
	_ =	sdelay $0x4  }
0x18c: {  	(v2sf) =	vpush @!p1 v1, $0x0;
	_ =	sdelay $0xd  }
0x18d: {  	p3 =	sne.s32 s6, $0x1  }
.Ltmp23:
0x18e: {  	s0 =	spop @!p1 (v2sf);
	(pc) =	sbr.rel @!p3 .LBB2_30-.Ltmp23, $4  }
0x18f: {  	p2 =	seq.s32 @!p1 s12, s0  }
0x190: {  	s14 =	simm.s32 $0x0;
	p2 =	por !p2, p1  }
0x191: {  	s2 =	simm.s32 $0xFFFFFFFF;
	s14 =	simm.s32 @p2 $0xFFFFFFFF  }
0x192: {  	s0 =	simm.s32 $0x1;
	s14 =	smov.u32 @p1 s2  }
.LBB2_29:
0x193: {  	s2 =	smov.u32 s14;
	p1 =	sne.s32 s14, $0xFFFFFFFF  }
0x194: {  	s13 =	sadd.s32 $0x1, s13;
	s14 =	smov.u32 s0;
	s0 =	sadd.s32 $0x1, s0  }
0x195: {  	p2 =	sne.s32 s6, s0;
	v1 =	vld.msk @!p1 [tilespmem:s13+$0x0], $0x1;
	_ =	sdelay $0x4  }
0x196: {  	(v2sf) =	vpush @!p1 v1, $0x0;
	_ =	sdelay $0xe  }
.Ltmp24:
0x197: {  	s3 =	spop @!p1 (v2sf);
	(pc) =	sbr.rel @p2 .LBB2_29-.Ltmp24, $4  }
0x198: {  	p3 =	seq.s32 @!p1 s12, s3  }
0x199: {  	p3 =	por !p3, p1  }
0x19a: {  	s14 =	simm.s32 @p3 $0xFFFFFFFF  }
0x19b: {  	s14 =	smov.u32 @p1 s2  }
.LBB2_30:
0x19c: {  	p1 =	seq.s32 s14, $0xFFFFFFFF  }
.Ltmp25:
0x19d: {  	_ = 	snop;
	(pc) =	sbr.rel @p1 .LBB2_32-.Ltmp25, $1  }
0x19e: {  	_ =	sdelay $0x3  }
0x19f: {  	s0 =	sshll.u32 s11, $0x7  }
0x1a0: {  	s0 =	sand.u32 $0x3FFFFF80, s0  }
0x1a1: {  	v0 =	vld [tilespmem:s0+$0xF238];
	_ =	sdelay $0x2  }
0x1a2: {  	s2 =	sshll.u32 s14, $0x9  }
0x1a3: {  	s2 =	sshra.s32 s2, $0x2  }
0x1a4: {  	[tilespmem:s2+$0xF238] =	vst.add.f32.msk $0xffff, v0  }
0x1a5: {  	v0 =	vld [tilespmem:s0+$0xF248];
	_ =	sdelay $0x4  }
0x1a6: {  	[tilespmem:s2+$0xF248] =	vst.add.f32.msk $0xffff, v0  }
0x1a7: {  	v0 =	vld [tilespmem:s0+$0xF258];
	_ =	sdelay $0x4  }
0x1a8: {  	[tilespmem:s2+$0xF258] =	vst.add.f32.msk $0xffff, v0  }
0x1a9: {  	v0 =	vld [tilespmem:s0+$0xF268];
	_ =	sdelay $0x4  }
0x1aa: {  	[tilespmem:s2+$0xF268] =	vst.add.f32.msk $0xffff, v0  }
0x1ab: {  	v0 =	vld [tilespmem:s0+$0xF278];
	_ =	sdelay $0x4  }
0x1ac: {  	[tilespmem:s2+$0xF278] =	vst.add.f32.msk $0xffff, v0  }
0x1ad: {  	v0 =	vld [tilespmem:s0+$0xF288];
	_ =	sdelay $0x4  }
0x1ae: {  	[tilespmem:s2+$0xF288] =	vst.add.f32.msk $0xffff, v0  }
0x1af: {  	v0 =	vld [tilespmem:s0+$0xF298];
	_ =	sdelay $0x4  }
0x1b0: {  	[tilespmem:s2+$0xF298] =	vst.add.f32.msk $0xffff, v0  }
0x1b1: {  	v0 =	vld [tilespmem:s0+$0xF2A8]  }
.Ltmp26:
0x1b2: {  	_ = 	snop;
	(pc) =	sbr.rel .LBB2_33-.Ltmp26, $2  }
0x1b3: {  	_ =	sdelay $0x2  }
0x1b4: {  	[tilespmem:s2+$0xF2A8] =	vst.add.f32.msk $0xffff, v0  }
.LBB2_34:
0x1b5: {  	s0 =	simm.s32 $0x6;
	p1 =	seq.s32 s6, $0x0  }
0x1b6: {  	[sflag:s0] =	ssyncpa.u1 $0x1;
	v0 =	vimm.s32 @p1 $0xFFFFFFFF  }
0x1b7: {  	s9 =	sadd.s32 $0xFFFFFFFF, s6;
	[tilespmem:$0x10238] =	vst @p1 v0  }
0x1b8: {  	v0 =	vld.msk @!p1 [tilespmem:s9+$0xF218], $0x1;
	_ =	sdelay $0x1  }
0x1b9: {  	v1 =	vld.msk @!p1 [tilespmem:$0xF218], $0x1;
	_ =	sdelay $0x2  }
0x1ba: {  	p2 =	seq.s32 @!p1 s9, $0x0;
	v0 =	vbroadcast @!p1 v0, $0x0  }
0x1bb: {  	vm0 =	vmmov @!p1 $0x1;
	p2 =	por !p2, p1  }
0x1bc: {  	v1 =	vnsel @!p1 vm0, $0xFFFFFFFF, v1;
	vm0 =	vcmask @!p1 $0x308;
	v0 =	vpsel !p2, $0xFFFFFFFF, v0  }
0x1bd: {  	p2 =	sne.s32 @!p1 s8, s7;
	v0 =	vsel @!p1 vm0, v1, v0  }
0x1be: {  	s0 =	simm.s32 @!p1 $0xF238;
	s2 =	simm.s32 @!p1 $0x0;
	p3 =	por !p2, p1;
	[tilespmem:$0x10238] =	vst @!p1 v0  }
0x1bf: {  	[spmem:s2] =	stream.linear.scatter @!p1 [tilespmem:s0], [sflag:$0x1], $0x80, $0x38;
	[tilespmem:$0x1F6F8] =	vst v63  }
0x1c0: {  	s0 =	sshll.u32 @!p3 s9, $0x9  }
0x1c1: {  	s0 =	sshra.s32 @!p3 s0, $0x2  }
0x1c2: {  	s2 =	simm.s32 @!p3 $0x80;
	s0 =	sadd.s32 @!p3 $0xF238, s0  }
0x1c3: {  	[spmem:s2] =	stream.linear.scatter @!p3 [tilespmem:s0], [sflag:$0x1], $0x80, $0x38;
	[tilespmem:$0x1F6F8] =	vst v63  }
0x1c4: {  	s0 =	simm.s32 @!p3 $0x1  }
0x1c5: {  	_ =	swait.ge @!p3 [sflag:s0], $0x100  }
0x1c6: {  	p1 =	por p2, p1;
	[sflag:s0] =	ssyncset.done @!p3 $0x0  }
0x1c7: {  	[sflag:s0] =	ssyncadd.s32 @!p3 $0xFFFFFF00;
	s0 =	simm.s32 @!p1 $0x1  }
0x1c8: {  	_ =	swait.ge @!p1 [sflag:s0], $0x80  }
0x1c9: {  	s29 =	simm.s32 $0x10238;
	[sflag:s0] =	ssyncset.done @!p1 $0x0  }
0x1ca: {  	s30 =	simm.s32 $0x1000;
	s31 =	simm.s32 $0x1;
	[sflag:s0] =	ssyncadd.s32 @!p1 $0xFFFFFF80  }
0x1cb: {  	[spmem:s30] =	stream.linear.scatter [tilespmem:s29], [sflag:$0x1], $0x10, $0x38;
	[tilespmem:$0x1F6F8] =	vst v63  }
0x1cc: {  	_ =	swait.ge [sflag:s31], $0x10  }
0x1cd: {  	[sflag:s31] =	ssyncset.done $0x0  }
0x1ce: {  	p1 =	seq.s32 s15, $0x0;
	s8 =	rddreg [dreg:$0x1];
	[sflag:s31] =	ssyncadd.s32 $0xFFFFFFF0  }
0x1cf: {  	s2 =	sshll.u32 @p1 s8, $0xE;
	s7 =	rddreg [dreg:$0x2]  }
0x1d0: {  	s0 =	sadd.s32 @p1 $0x15C3C, s2;
	s2 =	sshll.u32 @p1 s7, $0x11  }
0x1d1: {  	_ =	sfence.stream.spmem;
	s0 =	sor.u32 @p1 s2, s0  }
0x1d2: {  	[sflag:s0] =	ssyncadd.remote.s32 @p1 $0x1;
	s0 =	simm.s32 @p1 $0x4  }
0x1d3: {  	s3 =	simm.s32 @!p1 $0x3C;
	s2 =	sand.u32 $0xFFFFFFFE, s8;
	_ =	swait.ge @p1 [sflag:s0], $0x22  }
0x1d4: {  	s4 =	simm.s32 @!p1 $0x0;
	s2 =	sadd.s32 @!p1 $0x4, s2;
	[sflag:s0] =	ssyncset.done @p1 $0x0  }
0x1d5: {  	s5 =	simm.s32 @!p1 $0x100;
	[sflag:s0] =	ssyncadd.s32 @p1 $0xFFFFFFDE;
	s0 =	sshll.u32 @!p1 s2, $0x1A  }
0x1d6: {  	s2 =	sshll.u32 @!p1 s2, $0xD;
	s0 =	sor.u32 @!p1 s0, s7;
	_ =	swait.eq @!p1 [sflag:s3], $0x1  }
0x1d7: {  	s2 =	sor.u32 @!p1 $0x1C04, s2;
	s3 =	simm.s32 @!p1 $0x1C03;
	s0 =	sor.u32 @!p1 $0x80004000, s0  }
0x1d8: {  	[spmem:s5], [sflag:s2] =	dma.general @!p1 [spmem:s4], [sflag:s3], length:$0x20, [dreg:$0x0], stride_count:$0x0, ici_dest:s0, dma_misc:DstOpCode:WRITE  }
0x1d9: {  	p2 =	slt.s32 s9, $0x2;
	s4 =	simm.s32 @!p1 $0x200;
	s5 =	simm.s32 @!p1 $0x202  }
0x1da: {  	[spmem:s5], [sflag:s2] =	dma.general @!p1 [spmem:s4], [sflag:s3], length:$0x2, [dreg:$0x0], stride_count:$0x0, ici_dest:s0, dma_misc:DstOpCode:WRITE  }
.Ltmp27:
0x1db: {  	s0 =	simm.s32 @!p1 $0x3;
	(pc) =	sbr.rel @p2 .LBB2_38-.Ltmp27, $4  }
0x1dc: {  	s2 =	sshll.u32 @!p1 s8, $0xE;
	_ =	swait.ge @!p1 [sflag:s0], $0x22  }
0x1dd: {  	s3 =	sshll.u32 @!p1 s7, $0x11;
	s2 =	sadd.s32 @!p1 $0x11C3C, s2;
	[sflag:s0] =	ssyncset.done @!p1 $0x0  }
0x1de: {  	[sflag:s0] =	ssyncadd.s32 @!p1 $0xFFFFFFDE;
	s0 =	sor.u32 @!p1 s3, s2  }
0x1df: {  	[sflag:s0] =	ssyncadd.remote.s32 @!p1 $0xFFFFFFFF;
	s0 =	simm.s32 $0x0  }
0x1e0: {  	s0 =	simm.s32 $0xF219  }
0x1e1: {  	v0 =	vld.msk [tilespmem:s0+$0x0], $0x1;
	_ =	sdelay $0x4  }
0x1e2: {  	(v2sf) =	vpush v0, $0x0;
	_ =	sdelay $0xb  }
0x1e3: {  	s31 =	sadd.s32 $0xFFFFFFFE, s6  }
0x1e4: {  	s0 =	sadd.s32 $0xFFFFFFFF, s31  }
0x1e5: {  	p2 =	sne.s32 s0, $0x0  }
.Ltmp28:
0x1e6: {  	s2 =	spop (v2sf);
	(pc) =	sbr.rel @!p2 .LBB2_37-.Ltmp28, $4  }
0x1e7: {  	s4 =	simm.s32 $0xF2B8;
	s7 =	simm.s32 $0x0;
	p1 =	sgt.u32 s2, $0x270FF0  }
0x1e8: {  	s5 =	simm.s32 $0x0;
	s6 =	simm.s32 $0xF21A;
	s3 =	sand.u32 @!p1 $0x3FFFF8, s2  }
0x1e9: {  	s2 =	sand.u32 @!p1 $0x7, s2;
	s7 =	simm.s32 @!p1 $0x200;
	s3 =	sadd.s32 @!p1 s1, s3  }
0x1ea: {  	[hbm4b:s3+s2] =	stream.linear.scatter @!p1 [tilespmem:s4], [sflag:$0x5], $0x80, $0x38;
	[tilespmem:$0x1F6F8] =	vst v63  }
.LBB2_36:
0x1eb: {  	v0 =	vld.msk [tilespmem:s6+$0x0], $0x1;
	s0 =	sadd.s32 $0xFFFFFFFF, s0;
	s5 =	sadd.s32 s5, s7  }
0x1ec: {  	p1 =	sne.s32 s0, $0x0;
	_ =	sdelay $0x3  }
0x1ed: {  	(v2sf) =	vpush v0, $0x0;
	_ =	sdelay $0xe  }
.Ltmp29:
0x1ee: {  	s2 =	spop (v2sf);
	(pc) =	sbr.rel @p1 .LBB2_36-.Ltmp29, $4  }
0x1ef: {  	s7 =	simm.s32 $0x0;
	p2 =	sgt.u32 s2, $0x270FF0  }
0x1f0: {  	s4 =	sadd.s32 $0x80, s4;
	s7 =	simm.s32 @!p2 $0x200;
	s3 =	sand.u32 @!p2 $0x3FFFF8, s2  }
0x1f1: {  	s6 =	sadd.s32 $0x1, s6;
	s2 =	sand.u32 @!p2 $0x7, s2;
	s3 =	sadd.s32 @!p2 s1, s3  }
0x1f2: {  	[hbm4b:s3+s2] =	stream.linear.scatter @!p2 [tilespmem:s4], [sflag:$0x5], $0x80, $0x38;
	[tilespmem:$0x1F6F8] =	vst v63  }
.LBB2_37:
0x1f3: {  	s0 =	sadd.s32 s5, s7  }
0x1f4: {  	s0 =	sshrl.u32 s0, $0x2  }
.LBB2_38:
0x1f5: {  	s2 =	simm.s32 $0x5  }
0x1f6: {  	_ =	swait.ge [sflag:s2], s0  }
0x1f7: {  	s31 =	ssub.s32 $0x0, s0;
	[sflag:s2] =	ssyncset.done $0x0  }
0x1f8: {  	[sflag:s2] =	ssyncadd.s32 s31  }
0x1f9: {  	[sflag:s2] =	ssyncpa.u1 $0x1  }
.LBB2_39:
0x1fa: {  	s0 =	sor.u32 s15, s16  }
0x1fb: {  	p1 =	sne.s32 s0, $0x0  }
.Ltmp30:
0x1fc: {  	_ = 	snop;
	(pc) =	sbr.rel @p1 .LBB2_54-.Ltmp30, $3  }
0x1fd: {  	_ =	sdelay $0x1  }
0x1fe: {  	[bflag:$0x0] =	sbarrier.arrive $0xFFFF  }
0x1ff: {  	_ =	sfence  }
0x200: {  	s0 =	simm.s32 $0x7  }
0x201: {  	s2 =	simm.s32 $0x1000;
	s3 =	simm.s32 $0xF218;
	[sflag:s0] =	ssyncpa.u1 $0x0  }
0x202: {  	[tilespmem:s3], [sflag:$0x7] =	stream.linear.gather [spmem:s2], $0x20, $0x38;
	[tilespmem:$0x1F6F8] =	vst v63  }
0x203: {  	s30 =	simm.s32 $0xF238;
	s2 =	simm.s32 $0x0  }
0x204: {  	[tilespmem:s30], [sflag:$0x7] =	stream.linear.gather [spmem:s2], $0x1000, $0x38;
	[tilespmem:$0x1F6F8] =	vst v63  }
.Ltmp31:
0x205: {  	_ = 	snop;
	(pc) =	sbr.rel .LBB2_41-.Ltmp31, $4  }
0x206: {  	_ =	swait.ge [sflag:s0], $0x1020  }
0x207: {  	[sflag:s0] =	ssyncset.done $0x0  }
0x208: {  	s31 =	simm.s32 $0x8;
	[sflag:s0] =	ssyncadd.s32 $0xFFFFEFE0  }
0x209: {  	s3 =	simm.s32 $0x0;
	[sflag:s31] =	ssyncpa.u1 $0x0  }
.LBB2_47:
0x20a: {  	p1 =	slt.u32 s4, $0x270FF1  }
0x20b: {  	s0 =	sand.u32 @p1 $0x3FFFF8, s4  }
0x20c: {  	s4 =	sand.u32 @p1 $0x7, s4;
	s5 =	simm.s32 @p1 $0xF188;
	s0 =	sadd.s32 @p1 s1, s0  }
0x20d: {  	[tilespmem:s5], [sflag:$0x8] =	stream.linear.gather @p1 [hbm4b:s0+s4], $0x80, $0x38;
	[tilespmem:$0x1F6F8] =	vst v63  }
0x20e: {  	s0 =	simm.s32 @p1 $0x8  }
0x20f: {  	_ =	swait.ge @p1 [sflag:s0], $0x80  }
0x210: {  	[sflag:s0] =	ssyncset.done @p1 $0x0  }
0x211: {  	[sflag:s0] =	ssyncadd.s32 @p1 $0xFFFFFF80  }
0x212: {  	v1 =	vld @p1 [tilespmem:$0xF188];
	_ =	sdelay $0x2  }
0x213: {  	s0 =	sshll.u32 @p1 s3, $0x9  }
0x214: {  	s4 =	sshrl.u32 @p1 s0, $0x2  }
0x215: {  	[tilespmem:s4+$0xF238] =	vst.add.f32.msk @p1 $0xffff, v1  }
0x216: {  	v1 =	vld @p1 [tilespmem:$0xF198];
	_ =	sdelay $0x4  }
0x217: {  	[tilespmem:s4+$0xF248] =	vst.add.f32.msk @p1 $0xffff, v1  }
0x218: {  	v1 =	vld @p1 [tilespmem:$0xF1A8];
	_ =	sdelay $0x4  }
0x219: {  	[tilespmem:s4+$0xF258] =	vst.add.f32.msk @p1 $0xffff, v1  }
0x21a: {  	v1 =	vld @p1 [tilespmem:$0xF1B8];
	_ =	sdelay $0x4  }
0x21b: {  	[tilespmem:s4+$0xF268] =	vst.add.f32.msk @p1 $0xffff, v1  }
0x21c: {  	v1 =	vld @p1 [tilespmem:$0xF1C8];
	_ =	sdelay $0x4  }
0x21d: {  	[tilespmem:s4+$0xF278] =	vst.add.f32.msk @p1 $0xffff, v1  }
0x21e: {  	v1 =	vld @p1 [tilespmem:$0xF1D8];
	_ =	sdelay $0x4  }
0x21f: {  	[tilespmem:s4+$0xF288] =	vst.add.f32.msk @p1 $0xffff, v1  }
0x220: {  	v1 =	vld @p1 [tilespmem:$0xF1E8];
	_ =	sdelay $0x4  }
0x221: {  	[tilespmem:s4+$0xF298] =	vst.add.f32.msk @p1 $0xffff, v1  }
0x222: {  	v1 =	vld @p1 [tilespmem:$0xF1F8];
	_ =	sdelay $0x3  }
0x223: {  	s5 =	sshll.u32 @!p1 s3, $0x9  }
0x224: {  	s5 =	smov.u32 @p1 s0;
	[tilespmem:s4+$0xF2A8] =	vst.add.f32.msk @p1 $0xffff, v1  }
0x225: {  	s0 =	sshrl.u32 s5, $0x2;
	[tilespmem:s2+$0xF218] =	vst.msk $0x1, v0  }
0x226: {  	v0 =	vld [tilespmem:s0+$0xF238];
	_ =	sdelay $0x2  }
0x227: {  	s31 =	sshll.u32 s2, $0x9  }
0x228: {  	s4 =	sshra.s32 s31, $0x2  }
0x229: {  	[tilespmem:s4+$0xF238] =	vst v0  }
0x22a: {  	v0 =	vld [tilespmem:s0+$0xF248];
	_ =	sdelay $0x4  }
0x22b: {  	[tilespmem:s4+$0xF248] =	vst v0  }
0x22c: {  	v0 =	vld [tilespmem:s0+$0xF258];
	_ =	sdelay $0x4  }
0x22d: {  	[tilespmem:s4+$0xF258] =	vst v0  }
0x22e: {  	v0 =	vld [tilespmem:s0+$0xF268];
	_ =	sdelay $0x4  }
0x22f: {  	[tilespmem:s4+$0xF268] =	vst v0  }
0x230: {  	v0 =	vld [tilespmem:s0+$0xF278];
	_ =	sdelay $0x4  }
0x231: {  	[tilespmem:s4+$0xF278] =	vst v0  }
0x232: {  	v0 =	vld [tilespmem:s0+$0xF288];
	_ =	sdelay $0x4  }
0x233: {  	[tilespmem:s4+$0xF288] =	vst v0  }
0x234: {  	v0 =	vld [tilespmem:s0+$0xF298];
	_ =	sdelay $0x4  }
0x235: {  	[tilespmem:s4+$0xF298] =	vst v0  }
0x236: {  	v0 =	vld [tilespmem:s0+$0xF2A8];
	_ =	sdelay $0x4  }
0x237: {  	s2 =	sadd.s32 $0x1, s2;
	[tilespmem:s4+$0xF2A8] =	vst v0  }
.LBB2_48:
0x238: {  	s3 =	sadd.s32 $0x1, s3  }
0x239: {  	p1 =	sne.s32 s3, $0x20  }
.Ltmp32:
0x23a: {  	_ = 	snop;
	(pc) =	sbr.rel @!p1 .LBB2_49-.Ltmp32, $1  }
0x23b: {  	_ =	sdelay $0x3  }
.LBB2_41:
0x23c: {  	v0 =	vld.msk [tilespmem:s3+$0xF218], $0x1;
	_ =	sdelay $0x4  }
0x23d: {  	(v2sf) =	vpush v0, $0x0;
	_ =	sdelay $0xe  }
0x23e: {  	s4 =	spop (v2sf)  }
0x23f: {  	p1 =	seq.s32 s4, $0xFFFFFFFF  }
.Ltmp33:
0x240: {  	_ = 	snop;
	(pc) =	sbr.rel @p1 .LBB2_48-.Ltmp33, $1  }
0x241: {  	_ =	sdelay $0x3  }
0x242: {  	p1 =	slt.s32 s2, $0x1  }
.Ltmp34:
0x243: {  	_ = 	snop;
	(pc) =	sbr.rel @p1 .LBB2_47-.Ltmp34, $1  }
0x244: {  	_ =	sdelay $0x3  }
0x245: {  	s5 =	simm.s32 $0xF218;
	p1 =	por $0x0, $0x0  }
0x246: {  	v1 =	vld.msk @!p1 [tilespmem:s5+$0x0], $0x1;
	_ =	sdelay $0x4  }
0x247: {  	(v2sf) =	vpush @!p1 v1, $0x0;
	_ =	sdelay $0xd  }
0x248: {  	p3 =	sne.s32 s2, $0x1  }
.Ltmp35:
0x249: {  	s0 =	spop @!p1 (v2sf);
	(pc) =	sbr.rel @!p3 .LBB2_45-.Ltmp35, $4  }
0x24a: {  	p2 =	seq.s32 @!p1 s4, s0  }
0x24b: {  	s6 =	simm.s32 $0x0;
	p2 =	por !p2, p1  }
0x24c: {  	s7 =	simm.s32 $0xFFFFFFFF;
	s6 =	simm.s32 @p2 $0xFFFFFFFF  }
0x24d: {  	s0 =	simm.s32 $0x1;
	s6 =	smov.u32 @p1 s7  }
.LBB2_44:
0x24e: {  	s7 =	smov.u32 s6;
	p1 =	sne.s32 s6, $0xFFFFFFFF  }
0x24f: {  	s5 =	sadd.s32 $0x1, s5;
	s6 =	smov.u32 s0;
	s0 =	sadd.s32 $0x1, s0  }
0x250: {  	p2 =	sne.s32 s2, s0;
	v1 =	vld.msk @!p1 [tilespmem:s5+$0x0], $0x1;
	_ =	sdelay $0x4  }
0x251: {  	(v2sf) =	vpush @!p1 v1, $0x0;
	_ =	sdelay $0xe  }
.Ltmp36:
0x252: {  	s8 =	spop @!p1 (v2sf);
	(pc) =	sbr.rel @p2 .LBB2_44-.Ltmp36, $4  }
0x253: {  	p3 =	seq.s32 @!p1 s4, s8  }
0x254: {  	p3 =	por !p3, p1  }
0x255: {  	s6 =	simm.s32 @p3 $0xFFFFFFFF  }
0x256: {  	s6 =	smov.u32 @p1 s7  }
.LBB2_45:
0x257: {  	p1 =	seq.s32 s6, $0xFFFFFFFF  }
.Ltmp37:
0x258: {  	_ = 	snop;
	(pc) =	sbr.rel @p1 .LBB2_47-.Ltmp37, $1  }
0x259: {  	_ =	sdelay $0x3  }
0x25a: {  	s0 =	sshll.u32 s3, $0x7  }
0x25b: {  	s0 =	sand.u32 $0x3FFFFF80, s0  }
0x25c: {  	v0 =	vld [tilespmem:s0+$0xF238];
	_ =	sdelay $0x2  }
0x25d: {  	s4 =	sshll.u32 s6, $0x9  }
0x25e: {  	s4 =	sshra.s32 s4, $0x2  }
0x25f: {  	[tilespmem:s4+$0xF238] =	vst.add.f32.msk $0xffff, v0  }
0x260: {  	v0 =	vld [tilespmem:s0+$0xF248];
	_ =	sdelay $0x4  }
0x261: {  	[tilespmem:s4+$0xF248] =	vst.add.f32.msk $0xffff, v0  }
0x262: {  	v0 =	vld [tilespmem:s0+$0xF258];
	_ =	sdelay $0x4  }
0x263: {  	[tilespmem:s4+$0xF258] =	vst.add.f32.msk $0xffff, v0  }
0x264: {  	v0 =	vld [tilespmem:s0+$0xF268];
	_ =	sdelay $0x4  }
0x265: {  	[tilespmem:s4+$0xF268] =	vst.add.f32.msk $0xffff, v0  }
0x266: {  	v0 =	vld [tilespmem:s0+$0xF278];
	_ =	sdelay $0x4  }
0x267: {  	[tilespmem:s4+$0xF278] =	vst.add.f32.msk $0xffff, v0  }
0x268: {  	v0 =	vld [tilespmem:s0+$0xF288];
	_ =	sdelay $0x4  }
0x269: {  	[tilespmem:s4+$0xF288] =	vst.add.f32.msk $0xffff, v0  }
0x26a: {  	v0 =	vld [tilespmem:s0+$0xF298];
	_ =	sdelay $0x4  }
0x26b: {  	[tilespmem:s4+$0xF298] =	vst.add.f32.msk $0xffff, v0  }
0x26c: {  	v0 =	vld [tilespmem:s0+$0xF2A8]  }
.Ltmp38:
0x26d: {  	_ = 	snop;
	(pc) =	sbr.rel .LBB2_48-.Ltmp38, $2  }
0x26e: {  	_ =	sdelay $0x2  }
0x26f: {  	[tilespmem:s4+$0xF2A8] =	vst.add.f32.msk $0xffff, v0  }
.LBB2_49:
0x270: {  	p1 =	slt.s32 s2, $0x1  }
.Ltmp39:
0x271: {  	_ = 	snop;
	(pc) =	sbr.rel @p1 .LBB2_53-.Ltmp39, $3  }
0x272: {  	_ =	sdelay $0x1  }
0x273: {  	s0 =	simm.s32 $0x8  }
0x274: {  	s3 =	simm.s32 $0x0;
	[sflag:s0] =	ssyncpa.u1 $0x1  }
0x275: {  	s0 =	simm.s32 $0xF218  }
0x276: {  	v0 =	vld.msk [tilespmem:s0+$0x0], $0x1;
	_ =	sdelay $0x4  }
0x277: {  	(v2sf) =	vpush v0, $0x0;
	_ =	sdelay $0xe  }
0x278: {  	s0 =	sadd.s32 $0xFFFFFFFF, s2;
	s5 =	spop (v2sf)  }
0x279: {  	p2 =	sne.s32 s0, $0x0;
	p1 =	sgt.u32 s5, $0x270FF0  }
.Ltmp40:
0x27a: {  	s6 =	sand.u32 @!p1 $0x3FFFF8, s5;
	(pc) =	sbr.rel @!p2 .LBB2_52-.Ltmp40, $4  }
0x27b: {  	s4 =	simm.s32 $0xF238;
	s5 =	sand.u32 @!p1 $0x7, s5;
	s2 =	sadd.s32 @!p1 s1, s6  }
0x27c: {  	[hbm4b:s2+s5] =	stream.linear.scatter @!p1 [tilespmem:s4], [sflag:$0x7], $0x80, $0x38;
	[tilespmem:$0x1F6F8] =	vst v63  }
0x27d: {  	s5 =	simm.s32 $0x0  }
0x27e: {  	s2 =	simm.s32 $0xF219;
	s5 =	simm.s32 @!p1 $0x200  }
.LBB2_51:
0x27f: {  	v0 =	vld.msk [tilespmem:s2+$0x0], $0x1;
	s0 =	sadd.s32 $0xFFFFFFFF, s0;
	s3 =	sadd.s32 s3, s5  }
0x280: {  	p1 =	sne.s32 s0, $0x0;
	_ =	sdelay $0x3  }
0x281: {  	(v2sf) =	vpush v0, $0x0;
	_ =	sdelay $0xe  }
.Ltmp41:
0x282: {  	s6 =	spop (v2sf);
	(pc) =	sbr.rel @p1 .LBB2_51-.Ltmp41, $4  }
0x283: {  	s5 =	simm.s32 $0x0;
	p2 =	sgt.u32 s6, $0x270FF0  }
0x284: {  	s4 =	sadd.s32 $0x80, s4;
	s5 =	simm.s32 @!p2 $0x200;
	s7 =	sand.u32 @!p2 $0x3FFFF8, s6  }
0x285: {  	s2 =	sadd.s32 $0x1, s2;
	s6 =	sand.u32 @!p2 $0x7, s6;
	s7 =	sadd.s32 @!p2 s1, s7  }
0x286: {  	[hbm4b:s7+s6] =	stream.linear.scatter @!p2 [tilespmem:s4], [sflag:$0x7], $0x80, $0x38;
	[tilespmem:$0x1F6F8] =	vst v63  }
.LBB2_52:
0x287: {  	s0 =	sadd.s32 s3, s5  }
0x288: {  	s3 =	sshrl.u32 s0, $0x2  }
.LBB2_53:
0x289: {  	s0 =	simm.s32 $0x7  }
0x28a: {  	_ =	swait.ge [sflag:s0], s3  }
0x28b: {  	s1 =	ssub.s32 $0x0, s3;
	[sflag:s0] =	ssyncset.done $0x0  }
0x28c: {  	[sflag:s0] =	ssyncadd.s32 s1  }
0x28d: {  	[sflag:s0] =	ssyncpa.u1 $0x1  }
.LBB2_54:
0x28e: {  	_ =	sfence;
	s0 =	simm.s32 $0x1  }
0x28f: {  	[sflag:s0] =	ssyncpa.u1 $0x1  }
0x290: {  	_ =	strace $0x90000050  }
0x291: {  	[bflag:$0x2] =	sbarrier.arrive $0xFFFF  }
0x292: {  	s0 =	rddreg [dreg:$0x3]  }
0x293: {  	s0 =	sadd.s32 @!p0 $0x100000, s0  }
0x294: {  	[sflag:s0] =	ssyncadd.tile.s32 @!p0 $0x1;
	_ =	shalt  }
.Lfunc_end2:
_tile_overlayer_lowered:
.L_overlay_start_2:
0x295: {  	(tag) =	ssettag $0x2  }
0x296: {  	s0 =	rddreg [dreg:$0x0];
	s2 =	stileid.u32  }
0x297: {  	s1 =	rddreg [dreg:$0x1];
	p0 =	sne.s32 s2, $0x0  }
0x298: {  	s3 =	rddreg [dreg:$0x2];
	[bflag:$0x3] =	sbarrier.arrive $0xFFFF;
	s2 =	simm.s32 @!p0 $0x1C01  }
0x299: {  	[timem:s3], [sflag:s2] =	dma.local @!p0 [hbm:s0], s1  }
0x29a: {  	s0 =	simm.s32 @!p0 $0x1  }
0x29b: {  	_ =	swait.ge @!p0 [sflag:s0], s1  }
0x29c: {  	s1 =	ssub.s32 @!p0 $0x0, s1;
	[sflag:s0] =	ssyncset.done @!p0 $0x0  }
0x29d: {  	[sflag:s0] =	ssyncadd.s32 @!p0 s1  }
0x29e: {  	[bflag:$0x3] =	sbarrier.arrive $0xFFFF  }
0x29f: {  	_ =	shalt  }

// kernel: scatter_offload_async_start
scs
__scs_entry_jumppad:
0x0: {  	(pc) =	sbr.rel $0x88, $3  }
0x1: {  	(tag) =	ssettag $0x0;
	lr =	simm.s32 $0x1  }
0x2: {  	[smem:$0x3F8A] =	sst lr;
	_ =	strace $0xD0000000  }
0x3: {  	_ = 	snop  }
0x4: {  	_ = 	snop  }
0x5: {  	_ = 	snop  }
0x6: {  	_ = 	snop  }
0x7: {  	_ = 	snop  }
__scs_overlays_trampoline_lowered:
0x8: {  	[smem:$0x3F99] =	sst s0  }
0x9: {  	[smem:$0x3F9A] =	sst s1  }
0xa: {  	[smem:$0x3F9B] =	sst s2  }
0xb: {  	[smem:$0x3F9C] =	sst s3  }
0xc: {  	[smem:$0x3F9D] =	sst s4  }
0xd: {  	[smem:$0x3F9E] =	sst s5  }
0xe: {  	[smem:$0x3F9F] =	sst s6  }
0xf: {  	[smem:$0x3FA0] =	sst s7  }
0x10: {  	[smem:$0x3FA1] =	sst s8  }
0x11: {  	[smem:$0x3FA2] =	sst s9;
	s0 =	simm.s32 @!p0 $0x0  }
0x12: {  	s1 =	sld [smem:$0x3F88];
	s0 =	simm.s32 @p0 $0x1  }
0x13: {  	[smem:$0x3FA3] =	sst s0;
	s0 =	simm.s32 @!p1 $0x0  }
0x14: {  	s2 =	sld [smem:$0x3F87];
	s0 =	simm.s32 @p1 $0x1  }
0x15: {  	[smem:$0x3FA4] =	sst s0;
	s0 =	simm.s32 @!p2 $0x0  }
0x16: {  	s3 =	sld [smem:$0x3FDB];
	s0 =	simm.s32 @p2 $0x1  }
0x17: {  	s4 =	simm.s32 $0x1BF5;
	[smem:$0x3FA6] =	sst s0  }
0x18: {  	s0 =	sld [smem:$0x3F89];
	_ =	swait.ge [sflag:s4], $0x0  }
0x19: {  	s7 =	sld [smem:$0x3F8A]  }
0x1a: {  	s8 =	sadd.s32 $0xFFFFE003, lr  }
0x1b: {  	s9 =	sadd.s32 $0xFFFFFEF7, lr;
	s5 =	simm.s32 $0xFFFFFFFF;
	p2 =	slt.u32 s8, $0xFFFFF086  }
0x1c: {  	p1 =	slt.u32 s9, $0xF7A;
	s5 =	simm.s32 @!p2 $0x0  }
0x1d: {  	s5 =	simm.s32 @p1 $0x1;
	p0 =	seq.s32 s7, s2  }
0x1e: {  	s7 =	smul.u32 @!p0 $0xF7A, s2;
	p2 =	seq.s32 @!p0 s5, $0x0  }
0x1f: {  	s9 =	smul.u32 $0xF7A, s1;
	s8 =	simm.s32 @!p0 $0x1BF5;
	p2 =	por !p2, p0  }
0x20: {  	[sflag:s8] =	ssyncset.s32 @!p0 $0xFFFFF086;
	s6 =	sadd.s32 @!p0 s3, s7;
	s7 =	simm.s32 @!p0 $0x108  }
0x21: {  	s3 =	sadd.s32 s3, s9;
	s6 =	sadd.s32 @!p0 $0x88, s6;
	s7 =	simm.s32 @p2 $0x1082  }
0x22: {  	[simem:s7], [sflag:s8] =	dma.local @!p0 [hbm:s6], $0xF7A  }
0x23: {  	s9 =	sor.u32 $0xD0000000, s2;
	s6 =	simm.s32 $0x108;
	_ =	swait.ge @!p0 [sflag:s8], $0x0  }
0x24: {  	s3 =	sadd.s32 $0x88, s3;
	s6 =	simm.s32 @!p1 $0x1082;
	[sflag:s4] =	ssyncset.s32 $0xFFFFF086  }
0x25: {  	[simem:s6], [sflag:s4] =	dma.local [hbm:s3], $0xF7A  }
0x26: {  	[smem:$0x3F8A] =	sst s1;
	(tag) =	ssettag s2;
	_ =	strace s9  }
0x27: {  	s1 =	sld [smem:$0x3F9A]  }
0x28: {  	s2 =	sld [smem:$0x3F9B]  }
0x29: {  	s4 =	sld [smem:$0x3F9D]  }
0x2a: {  	p0 =	seq.s32 s5, $0x0;
	s5 =	sld [smem:$0x3F9E]  }
0x2b: {  	s6 =	sld [smem:$0x3F9F]  }
0x2c: {  	s7 =	sld [smem:$0x3FA0]  }
0x2d: {  	s3 =	simm.s32 $0x108;
	s8 =	sld [smem:$0x3FA1]  }
0x2e: {  	s3 =	simm.s32 @!p0 $0x1082;
	s9 =	sld [smem:$0x3FA2]  }
0x2f: {  	lr =	sadd.s32 s0, s3;
	s0 =	sld [smem:$0x3F99]  }
0x30: {  	s3 =	sld [smem:$0x3F9C]  }
0x31: {  	[smem:$0x3FA5] =	sst s10  }
0x32: {  	s10 =	sld [smem:$0x3FA3];
	_ =	sdelay $0x3  }
0x33: {  	p0 =	seq.s32 s10, $0x1;
	s10 =	sld [smem:$0x3FA5];
	_ =	sdelay $0x3  }
0x34: {  	[smem:$0x3FA5] =	sst s10  }
0x35: {  	s10 =	sld [smem:$0x3FA4];
	_ =	sdelay $0x3  }
0x36: {  	p1 =	seq.s32 s10, $0x1;
	s10 =	sld [smem:$0x3FA5];
	_ =	sdelay $0x3  }
0x37: {  	[smem:$0x3FA5] =	sst s10  }
0x38: {  	s10 =	sld [smem:$0x3FA6]  }
0x39: {  	_ = 	snop;
	(pc) =	sbr.ind lr, $3  }
0x3a: {  	_ = 	snop  }
0x3b: {  	_ = 	snop  }
0x3c: {  	p2 =	seq.s32 s10, $0x1;
	s10 =	sld [smem:$0x3FA5]  }
0x3d: {  	_ =	shalt  }
0x3e: {  	_ =	shalt  }
0x3f: {  	_ =	shalt  }
0x40: {  	_ =	shalt  }
0x41: {  	_ =	shalt  }
0x42: {  	_ =	shalt  }
0x43: {  	_ =	shalt  }
0x44: {  	_ =	shalt  }
0x45: {  	_ =	shalt  }
0x46: {  	_ =	shalt  }
0x47: {  	_ =	shalt  }
0x48: {  	_ =	shalt  }
0x49: {  	_ =	shalt  }
0x4a: {  	_ =	shalt  }
0x4b: {  	_ =	shalt  }
0x4c: {  	_ =	shalt  }
0x4d: {  	_ =	shalt  }
0x4e: {  	_ =	shalt  }
0x4f: {  	_ =	shalt  }
0x50: {  	_ =	shalt  }
0x51: {  	_ =	shalt  }
0x52: {  	_ =	shalt  }
0x53: {  	_ =	shalt  }
0x54: {  	_ =	shalt  }
0x55: {  	_ =	shalt  }
0x56: {  	_ =	shalt  }
0x57: {  	_ =	shalt  }
0x58: {  	_ =	shalt  }
0x59: {  	_ =	shalt  }
0x5a: {  	_ =	shalt  }
0x5b: {  	_ =	shalt  }
0x5c: {  	_ =	shalt  }
0x5d: {  	_ =	shalt  }
0x5e: {  	_ =	shalt  }
0x5f: {  	_ =	shalt  }
0x60: {  	_ =	shalt  }
0x61: {  	_ =	shalt  }
0x62: {  	_ =	shalt  }
0x63: {  	_ =	shalt  }
0x64: {  	_ =	shalt  }
0x65: {  	_ =	shalt  }
0x66: {  	_ =	shalt  }
0x67: {  	_ =	shalt  }
0x68: {  	_ =	shalt  }
0x69: {  	_ =	shalt  }
0x6a: {  	_ =	shalt  }
0x6b: {  	_ =	shalt  }
0x6c: {  	_ =	shalt  }
0x6d: {  	_ =	shalt  }
0x6e: {  	_ =	shalt  }
0x6f: {  	_ =	shalt  }
0x70: {  	_ =	shalt  }
0x71: {  	_ =	shalt  }
0x72: {  	_ =	shalt  }
0x73: {  	_ =	shalt  }
0x74: {  	_ =	shalt  }
0x75: {  	_ =	shalt  }
0x76: {  	_ =	shalt  }
0x77: {  	_ =	shalt  }
0x78: {  	_ =	shalt  }
0x79: {  	_ =	shalt  }
0x7a: {  	_ =	shalt  }
0x7b: {  	_ =	shalt  }
0x7c: {  	_ =	shalt  }
0x7d: {  	_ =	shalt  }
0x7e: {  	_ =	shalt  }
0x7f: {  	_ =	shalt  }
0x80: {  	_ =	shalt  }
0x81: {  	_ =	shalt  }
0x82: {  	_ =	shalt  }
0x83: {  	_ =	shalt  }
0x84: {  	_ =	shalt  }
0x85: {  	_ =	shalt  }
0x86: {  	_ =	shalt  }
0x87: {  	_ =	shalt  }
.Lfunc_end0:
.L_simem_size_0:
called_computation_lowered:
.L_overlay_start_0:
0x88: {  	s2 =	sld [smem:$0x3FD9]  }
0x89: {  	s3 =	sld [smem:$0x3FFE];
	_ =	sdelay $0x1  }
0x8a: {  	s1 =	srdreg.scid  }
0x8b: {  	s0 =	sand.u32 $0x1, s1  }
0x8c: {  	s16 =	sshll.u32 s0, $0xA;
	s2 =	sadd.s32 s3, s2  }
0x8d: {  	s2 =	sadd.s32 s2, s16  }
0x8e: {  	[smem:$0x3FB1] =	sst s2  }
0x8f: {  	_ = 	snop  }
0x90: {  	s2 =	sld [smem:$0x3FD0];
	(tm) =	ssettm $0x1  }
0x91: {  	s17 =	sld [smem:$0x3FFB];
	_ =	sdelay $0x3  }
0x92: {  	_ =	strace s17  }
0x93: {  	s3 =	sld [smem:$0x3FFC];
	_ =	sdelay $0x3  }
0x94: {  	_ =	strace s3  }
0x95: {  	s3 =	sld [smem:$0x3FFD];
	_ =	sdelay $0x3  }
0x96: {  	_ =	strace s3  }
0x97: {  	_ =	strace $0x8FFFFFFF  }
0x98: {  	s18 =	sld [smem:$0x3FDB];
	_ =	sdelay $0x1  }
0x99: {  	s4 =	simm.s32 $_scs_section_size  }
0x9a: {  	s5 =	simm.s32 $_size__tile_overlayer_lowered;
	s6 =	simm.s32 $_tile_overlayer_lowered  }
0x9b: {  	s21 =	simm.s32 $0x1BFF;
	s20 =	sshll.u32 s6, $0x1;
	s3 =	sadd.s32 s4, s18  }
0x9c: {  	s7 =	simm.s32 $0x0;
	s19 =	sshll.u32 s5, $0x1;
	s5 =	sadd.s32 s20, s3  }
0x9d: {  	[timem:s7], [sflag:s21] =	dma.local [hbm:s5], s19  }
0x9e: {  	_ =	swait.ge [sflag:s21], s19  }
0x9f: {  	s4 =	ssub.s32 $0x0, s19;
	[sflag:s21] =	ssyncset.done $0x0  }
0xa0: {  	[sflag:s21] =	ssyncadd.s32 s4;
	_ =	sdelay $0x1  }
0xa1: {  	s22 =	simm.s32 $0x1B8B  }
0xa2: {  	_ =	swait.ge [sflag:s22], $0x1  }
0xa3: {  	[sflag:s22] =	ssyncset.done $0x0  }
0xa4: {  	s23 =	sld [smem:$0x3FFE];
	[sflag:s22] =	ssyncadd.s32 $0xFFFFFFFF  }
0xa5: {  	s25 =	simm.s32 $0x1B8E;
	s24 =	sld [smem:$0x0]  }
0xa6: {  	s26 =	simm.s32 $execute0_lowered;
	[smem:$0x3FD2] =	sst s25  }
0xa7: {  	s6 =	sshll.u32 s26, $0x1;
	_ =	strace $0x8000004C;
	[dreg:$0x1] =	wrdreg $0xFFFFFFFF  }
0xa8: {  	s28 =	simm.s32 $_size_execute0_lowered;
	s3 =	sadd.s32 s3, s6;
	[dreg:$0x0] =	wrdreg $0x0  }
0xa9: {  	s6 =	sshll.u32 s28, $0x1;
	[dreg:$0x2] =	wrdreg s3  }
0xaa: {  	[dreg:$0x3] =	wrdreg s6  }
0xab: {  	[dreg:$0x4] =	wrdreg $0xC0  }
0xac: {  	_ =	task [dreg:s7], $0x5FFFF  }
0xad: {  	[dreg:$0x1] =	wrdreg $0xFFFFFFFF  }
0xae: {  	[dreg:$0x0] =	wrdreg $0x60  }
0xaf: {  	[dreg:$0x2] =	wrdreg s2  }
0xb0: {  	[dreg:$0x3] =	wrdreg s23  }
0xb1: {  	[dreg:$0x4] =	wrdreg s1  }
0xb2: {  	[dreg:$0x5] =	wrdreg s24  }
0xb3: {  	[dreg:$0x6] =	wrdreg $0x9  }
0xb4: {  	_ =	task.clear_ibuf [dreg:s7], $0x7FFFF;
	_ =	strace $0x9000004C  }
0xb5: {  	s29 =	simm.s32 $0x9;
	_ =	strace $0x8000004E  }
0xb6: {  	_ =	swait.ge [sflag:s29], $0x1  }
0xb7: {  	[sflag:s29] =	ssyncadd.s32 $0xFFFFFFFF  }
0xb8: {  	_ =	strace $0x9000004E  }
0xb9: {  	_ =	sfence  }
0xba: {  	s30 =	sld [smem:$0x0];
	_ =	sdelay $0x2  }
0xbb: {  	s31 =	sshll.u32 s1, $0xD;
	s1 =	sshrl.u32 s1, $0x2  }
0xbc: {  	s3 =	sand.u32 $0x4000, s31;
	s1 =	sadd.s32 s1, s30  }
0xbd: {  	s0 =	sor.u32 s3, s0;
	s1 =	sshll.u32 s1, $0x11  }
0xbe: {  	s0 =	sor.u32 s1, s0  }
0xbf: {  	s0 =	sadd.s32 $0x8F2B, s0  }
0xc0: {  	[sflag:s0] =	ssyncadd.remote.s32 $0x1  }
0xc1: {  	_ =	sfence.sel $0xFFFF  }
0xc2: {  	[dreg:$0x0] =	wrdreg $0xFFFFFFFF;
	(pc) =	sbr.abs _section_cstart, $3  }
0xc3: {  	[dreg:$0x1] =	wrdreg $0xFFFFFFFF  }
0xc4: {  	_ =	task.clear_ibuf [dreg:s7], $0x2FFFF;
	_ =	strace $0x9FFFFFFF  }
0xc5: {  	(tm) =	ssettm $0x7FFFFFFF  }
tec
execute0_lowered:
.L_overlay_start_1:
0x0: {  	(tag) =	ssettag $0x1  }
0x1: {  	s1 =	rddreg [dreg:$0x0]  }
0x2: {  	s11 =	rddreg [dreg:$0x1]  }
0x3: {  	s3 =	rddreg [dreg:$0x2];
	_ =	strace $0x8000004D;
	s12 =	simm.s32 $0x1  }
0x4: {  	v0 =	vimm.s32 $0x0;
	[sflag:s12] =	ssyncpa.u1 $0x0  }
0x5: {  	[tilespmem:$0x28] =	vst v0  }
0x6: {  	[tilespmem:$0x38] =	vst v0  }
0x7: {  	[tilespmem:$0x48] =	vst v0  }
0x8: {  	[tilespmem:$0x58] =	vst v0  }
0x9: {  	[tilespmem:$0x68] =	vst v0  }
0xa: {  	[tilespmem:$0x78] =	vst v0  }
0xb: {  	[tilespmem:$0x88] =	vst v0  }
0xc: {  	[tilespmem:$0x98] =	vst v0  }
0xd: {  	[tilespmem:$0xA8] =	vst v0  }
0xe: {  	[tilespmem:$0xB8] =	vst v0  }
0xf: {  	[tilespmem:$0xC8] =	vst v0  }
0x10: {  	[tilespmem:$0xD8] =	vst v0  }
0x11: {  	[tilespmem:$0xE8] =	vst v0  }
0x12: {  	[tilespmem:$0xF8] =	vst v0  }
0x13: {  	[tilespmem:$0x108] =	vst v0  }
0x14: {  	[tilespmem:$0x118] =	vst v0  }
0x15: {  	[tilespmem:$0x128] =	vst v0  }
0x16: {  	[tilespmem:$0x138] =	vst v0  }
0x17: {  	[tilespmem:$0x148] =	vst v0  }
0x18: {  	[tilespmem:$0x158] =	vst v0  }
0x19: {  	[tilespmem:$0x168] =	vst v0  }
0x1a: {  	[tilespmem:$0x178] =	vst v0  }
0x1b: {  	[tilespmem:$0x188] =	vst v0  }
0x1c: {  	[tilespmem:$0x198] =	vst v0  }
0x1d: {  	[tilespmem:$0x1A8] =	vst v0  }
0x1e: {  	[tilespmem:$0x1B8] =	vst v0  }
0x1f: {  	[tilespmem:$0x1C8] =	vst v0  }
0x20: {  	[tilespmem:$0x1D8] =	vst v0  }
0x21: {  	[tilespmem:$0x1E8] =	vst v0  }
0x22: {  	[tilespmem:$0x1F8] =	vst v0  }
0x23: {  	[tilespmem:$0x208] =	vst v0  }
0x24: {  	[tilespmem:$0x218] =	vst v0  }
0x25: {  	[tilespmem:$0x228] =	vst v0  }
0x26: {  	[tilespmem:$0x238] =	vst v0  }
0x27: {  	[tilespmem:$0x248] =	vst v0  }
0x28: {  	[tilespmem:$0x258] =	vst v0  }
0x29: {  	[tilespmem:$0x268] =	vst v0  }
0x2a: {  	[tilespmem:$0x278] =	vst v0  }
0x2b: {  	[tilespmem:$0x288] =	vst v0  }
0x2c: {  	[tilespmem:$0x298] =	vst v0  }
0x2d: {  	[tilespmem:$0x2A8] =	vst v0  }
0x2e: {  	[tilespmem:$0x2B8] =	vst v0  }
0x2f: {  	[tilespmem:$0x2C8] =	vst v0  }
0x30: {  	[tilespmem:$0x2D8] =	vst v0  }
0x31: {  	[tilespmem:$0x2E8] =	vst v0  }
0x32: {  	[tilespmem:$0x2F8] =	vst v0  }
0x33: {  	[tilespmem:$0x308] =	vst v0  }
0x34: {  	[tilespmem:$0x318] =	vst v0  }
0x35: {  	[tilespmem:$0x328] =	vst v0  }
0x36: {  	[tilespmem:$0x338] =	vst v0  }
0x37: {  	[tilespmem:$0x348] =	vst v0  }
0x38: {  	[tilespmem:$0x358] =	vst v0  }
0x39: {  	[tilespmem:$0x368] =	vst v0  }
0x3a: {  	[tilespmem:$0x378] =	vst v0  }
0x3b: {  	[tilespmem:$0x388] =	vst v0  }
0x3c: {  	[tilespmem:$0x398] =	vst v0  }
0x3d: {  	[tilespmem:$0x3A8] =	vst v0  }
0x3e: {  	[tilespmem:$0x3B8] =	vst v0  }
0x3f: {  	[tilespmem:$0x3C8] =	vst v0  }
0x40: {  	[tilespmem:$0x3D8] =	vst v0  }
0x41: {  	[tilespmem:$0x3E8] =	vst v0  }
0x42: {  	[tilespmem:$0x3F8] =	vst v0  }
0x43: {  	[tilespmem:$0x408] =	vst v0  }
0x44: {  	[tilespmem:$0x418] =	vst v0  }
0x45: {  	[tilespmem:$0x428] =	vst v0  }
0x46: {  	[tilespmem:$0x438] =	vst v0  }
0x47: {  	[tilespmem:$0x448] =	vst v0  }
0x48: {  	[tilespmem:$0x458] =	vst v0  }
0x49: {  	[tilespmem:$0x468] =	vst v0  }
0x4a: {  	[tilespmem:$0x478] =	vst v0  }
0x4b: {  	[tilespmem:$0x488] =	vst v0  }
0x4c: {  	[tilespmem:$0x498] =	vst v0  }
0x4d: {  	[tilespmem:$0x4A8] =	vst v0  }
0x4e: {  	[tilespmem:$0x4B8] =	vst v0  }
0x4f: {  	[tilespmem:$0x4C8] =	vst v0  }
0x50: {  	[tilespmem:$0x4D8] =	vst v0  }
0x51: {  	[tilespmem:$0x4E8] =	vst v0  }
0x52: {  	[tilespmem:$0x4F8] =	vst v0  }
0x53: {  	[tilespmem:$0x508] =	vst v0  }
0x54: {  	[tilespmem:$0x518] =	vst v0  }
0x55: {  	[tilespmem:$0x528] =	vst v0  }
0x56: {  	[tilespmem:$0x538] =	vst v0  }
0x57: {  	[tilespmem:$0x548] =	vst v0  }
0x58: {  	[tilespmem:$0x558] =	vst v0  }
0x59: {  	[tilespmem:$0x568] =	vst v0  }
0x5a: {  	[tilespmem:$0x578] =	vst v0  }
0x5b: {  	[tilespmem:$0x588] =	vst v0  }
0x5c: {  	[tilespmem:$0x598] =	vst v0  }
0x5d: {  	[tilespmem:$0x5A8] =	vst v0  }
0x5e: {  	[tilespmem:$0x5B8] =	vst v0  }
0x5f: {  	[tilespmem:$0x5C8] =	vst v0  }
0x60: {  	[tilespmem:$0x5D8] =	vst v0  }
0x61: {  	[tilespmem:$0x5E8] =	vst v0  }
0x62: {  	[tilespmem:$0x5F8] =	vst v0  }
0x63: {  	[tilespmem:$0x608] =	vst v0  }
0x64: {  	[tilespmem:$0x618] =	vst v0  }
0x65: {  	[tilespmem:$0x628] =	vst v0  }
0x66: {  	[tilespmem:$0x638] =	vst v0  }
0x67: {  	[tilespmem:$0x648] =	vst v0  }
0x68: {  	[tilespmem:$0x658] =	vst v0  }
0x69: {  	[tilespmem:$0x668] =	vst v0  }
0x6a: {  	[tilespmem:$0x678] =	vst v0  }
0x6b: {  	[tilespmem:$0x688] =	vst v0  }
0x6c: {  	[tilespmem:$0x698] =	vst v0  }
0x6d: {  	[tilespmem:$0x6A8] =	vst v0  }
0x6e: {  	[tilespmem:$0x6B8] =	vst v0  }
0x6f: {  	[tilespmem:$0x6C8] =	vst v0  }
0x70: {  	[tilespmem:$0x6D8] =	vst v0  }
0x71: {  	[tilespmem:$0x6E8] =	vst v0  }
0x72: {  	[tilespmem:$0x6F8] =	vst v0  }
0x73: {  	[tilespmem:$0x708] =	vst v0  }
0x74: {  	[tilespmem:$0x718] =	vst v0  }
0x75: {  	[tilespmem:$0x728] =	vst v0  }
0x76: {  	[tilespmem:$0x738] =	vst v0  }
0x77: {  	[tilespmem:$0x748] =	vst v0  }
0x78: {  	[tilespmem:$0x758] =	vst v0  }
0x79: {  	[tilespmem:$0x768] =	vst v0  }
0x7a: {  	[tilespmem:$0x778] =	vst v0  }
0x7b: {  	[tilespmem:$0x788] =	vst v0  }
0x7c: {  	[tilespmem:$0x798] =	vst v0  }
0x7d: {  	[tilespmem:$0x7A8] =	vst v0  }
0x7e: {  	[tilespmem:$0x7B8] =	vst v0  }
0x7f: {  	[tilespmem:$0x7C8] =	vst v0  }
0x80: {  	[tilespmem:$0x7D8] =	vst v0  }
0x81: {  	[tilespmem:$0x7E8] =	vst v0  }
0x82: {  	[tilespmem:$0x7F8] =	vst v0  }
0x83: {  	[tilespmem:$0x808] =	vst v0  }
0x84: {  	[tilespmem:$0x818] =	vst v0  }
0x85: {  	[tilespmem:$0x828] =	vst v0  }
0x86: {  	[tilespmem:$0x838] =	vst v0  }
0x87: {  	[tilespmem:$0x848] =	vst v0  }
0x88: {  	[tilespmem:$0x858] =	vst v0  }
0x89: {  	[tilespmem:$0x868] =	vst v0  }
0x8a: {  	[tilespmem:$0x878] =	vst v0  }
0x8b: {  	[tilespmem:$0x888] =	vst v0  }
0x8c: {  	[tilespmem:$0x898] =	vst v0  }
0x8d: {  	[tilespmem:$0x8A8] =	vst v0  }
0x8e: {  	[tilespmem:$0x8B8] =	vst v0  }
0x8f: {  	[tilespmem:$0x8C8] =	vst v0  }
0x90: {  	[tilespmem:$0x8D8] =	vst v0  }
0x91: {  	[tilespmem:$0x8E8] =	vst v0  }
0x92: {  	[tilespmem:$0x8F8] =	vst v0  }
0x93: {  	[tilespmem:$0x908] =	vst v0  }
0x94: {  	[tilespmem:$0x918] =	vst v0  }
0x95: {  	[tilespmem:$0x928] =	vst v0  }
0x96: {  	[tilespmem:$0x938] =	vst v0  }
0x97: {  	[tilespmem:$0x948] =	vst v0  }
0x98: {  	[tilespmem:$0x958] =	vst v0  }
0x99: {  	[tilespmem:$0x968] =	vst v0  }
0x9a: {  	[tilespmem:$0x978] =	vst v0  }
0x9b: {  	[tilespmem:$0x988] =	vst v0  }
0x9c: {  	[tilespmem:$0x998] =	vst v0  }
0x9d: {  	[tilespmem:$0x9A8] =	vst v0  }
0x9e: {  	[tilespmem:$0x9B8] =	vst v0  }
0x9f: {  	[tilespmem:$0x9C8] =	vst v0  }
0xa0: {  	[tilespmem:$0x9D8] =	vst v0  }
0xa1: {  	[tilespmem:$0x9E8] =	vst v0  }
0xa2: {  	[tilespmem:$0x9F8] =	vst v0  }
0xa3: {  	[tilespmem:$0xA08] =	vst v0  }
0xa4: {  	[tilespmem:$0xA18] =	vst v0  }
0xa5: {  	[tilespmem:$0xA28] =	vst v0  }
0xa6: {  	[tilespmem:$0xA38] =	vst v0  }
0xa7: {  	[tilespmem:$0xA48] =	vst v0  }
0xa8: {  	[tilespmem:$0xA58] =	vst v0  }
0xa9: {  	[tilespmem:$0xA68] =	vst v0  }
0xaa: {  	[tilespmem:$0xA78] =	vst v0  }
0xab: {  	[tilespmem:$0xA88] =	vst v0  }
0xac: {  	[tilespmem:$0xA98] =	vst v0  }
0xad: {  	[tilespmem:$0xAA8] =	vst v0  }
0xae: {  	[tilespmem:$0xAB8] =	vst v0  }
0xaf: {  	[tilespmem:$0xAC8] =	vst v0  }
0xb0: {  	[tilespmem:$0xAD8] =	vst v0  }
0xb1: {  	[tilespmem:$0xAE8] =	vst v0  }
0xb2: {  	[tilespmem:$0xAF8] =	vst v0  }
0xb3: {  	[tilespmem:$0xB08] =	vst v0  }
0xb4: {  	[tilespmem:$0xB18] =	vst v0  }
0xb5: {  	[tilespmem:$0xB28] =	vst v0  }
0xb6: {  	[tilespmem:$0xB38] =	vst v0  }
0xb7: {  	[tilespmem:$0xB48] =	vst v0  }
0xb8: {  	[tilespmem:$0xB58] =	vst v0  }
0xb9: {  	[tilespmem:$0xB68] =	vst v0  }
0xba: {  	[tilespmem:$0xB78] =	vst v0  }
0xbb: {  	[tilespmem:$0xB88] =	vst v0  }
0xbc: {  	[tilespmem:$0xB98] =	vst v0  }
0xbd: {  	[tilespmem:$0xBA8] =	vst v0  }
0xbe: {  	[tilespmem:$0xBB8] =	vst v0  }
0xbf: {  	[tilespmem:$0xBC8] =	vst v0  }
0xc0: {  	[tilespmem:$0xBD8] =	vst v0  }
0xc1: {  	[tilespmem:$0xBE8] =	vst v0  }
0xc2: {  	[tilespmem:$0xBF8] =	vst v0  }
0xc3: {  	[tilespmem:$0xC08] =	vst v0  }
0xc4: {  	[tilespmem:$0xC18] =	vst v0  }
0xc5: {  	[tilespmem:$0xC28] =	vst v0  }
0xc6: {  	[tilespmem:$0xC38] =	vst v0  }
0xc7: {  	[tilespmem:$0xC48] =	vst v0  }
0xc8: {  	[tilespmem:$0xC58] =	vst v0  }
0xc9: {  	[tilespmem:$0xC68] =	vst v0  }
0xca: {  	[tilespmem:$0xC78] =	vst v0  }
0xcb: {  	[tilespmem:$0xC88] =	vst v0  }
0xcc: {  	[tilespmem:$0xC98] =	vst v0  }
0xcd: {  	[tilespmem:$0xCA8] =	vst v0  }
0xce: {  	[tilespmem:$0xCB8] =	vst v0  }
0xcf: {  	[tilespmem:$0xCC8] =	vst v0  }
0xd0: {  	[tilespmem:$0xCD8] =	vst v0  }
0xd1: {  	[tilespmem:$0xCE8] =	vst v0  }
0xd2: {  	[tilespmem:$0xCF8] =	vst v0  }
0xd3: {  	[tilespmem:$0xD08] =	vst v0  }
0xd4: {  	[tilespmem:$0xD18] =	vst v0  }
0xd5: {  	[tilespmem:$0xD28] =	vst v0  }
0xd6: {  	[tilespmem:$0xD38] =	vst v0  }
0xd7: {  	[tilespmem:$0xD48] =	vst v0  }
0xd8: {  	[tilespmem:$0xD58] =	vst v0  }
0xd9: {  	[tilespmem:$0xD68] =	vst v0  }
0xda: {  	[tilespmem:$0xD78] =	vst v0  }
0xdb: {  	[tilespmem:$0xD88] =	vst v0  }
0xdc: {  	[tilespmem:$0xD98] =	vst v0  }
0xdd: {  	[tilespmem:$0xDA8] =	vst v0  }
0xde: {  	[tilespmem:$0xDB8] =	vst v0  }
0xdf: {  	[tilespmem:$0xDC8] =	vst v0  }
0xe0: {  	[tilespmem:$0xDD8] =	vst v0  }
0xe1: {  	[tilespmem:$0xDE8] =	vst v0  }
0xe2: {  	[tilespmem:$0xDF8] =	vst v0  }
0xe3: {  	[tilespmem:$0xE08] =	vst v0  }
0xe4: {  	[tilespmem:$0xE18] =	vst v0  }
0xe5: {  	[tilespmem:$0xE28] =	vst v0  }
0xe6: {  	[tilespmem:$0xE38] =	vst v0  }
0xe7: {  	[tilespmem:$0xE48] =	vst v0  }
0xe8: {  	[tilespmem:$0xE58] =	vst v0  }
0xe9: {  	[tilespmem:$0xE68] =	vst v0  }
0xea: {  	[tilespmem:$0xE78] =	vst v0  }
0xeb: {  	[tilespmem:$0xE88] =	vst v0  }
0xec: {  	[tilespmem:$0xE98] =	vst v0  }
0xed: {  	[tilespmem:$0xEA8] =	vst v0  }
0xee: {  	[tilespmem:$0xEB8] =	vst v0  }
0xef: {  	[tilespmem:$0xEC8] =	vst v0  }
0xf0: {  	[tilespmem:$0xED8] =	vst v0  }
0xf1: {  	[tilespmem:$0xEE8] =	vst v0  }
0xf2: {  	[tilespmem:$0xEF8] =	vst v0  }
0xf3: {  	[tilespmem:$0xF08] =	vst v0  }
0xf4: {  	[tilespmem:$0xF18] =	vst v0  }
0xf5: {  	[tilespmem:$0xF28] =	vst v0  }
0xf6: {  	[tilespmem:$0xF38] =	vst v0  }
0xf7: {  	[tilespmem:$0xF48] =	vst v0  }
0xf8: {  	[tilespmem:$0xF58] =	vst v0  }
0xf9: {  	[tilespmem:$0xF68] =	vst v0  }
0xfa: {  	[tilespmem:$0xF78] =	vst v0  }
0xfb: {  	[tilespmem:$0xF88] =	vst v0  }
0xfc: {  	[tilespmem:$0xF98] =	vst v0  }
0xfd: {  	[tilespmem:$0xFA8] =	vst v0  }
0xfe: {  	[tilespmem:$0xFB8] =	vst v0  }
0xff: {  	[tilespmem:$0xFC8] =	vst v0  }
0x100: {  	[tilespmem:$0xFD8] =	vst v0  }
0x101: {  	[tilespmem:$0xFE8] =	vst v0  }
0x102: {  	[tilespmem:$0xFF8] =	vst v0  }
0x103: {  	[tilespmem:$0x1028] =	vst v0  }
0x104: {  	[tilespmem:$0x10E8] =	vst v0  }
0x105: {  	[tilespmem:$0x1068] =	vst v0  }
0x106: {  	[tilespmem:$0x1058] =	vst v0  }
0x107: {  	[tilespmem:$0x1B28] =	vst v0  }
0x108: {  	[tilespmem:$0x1B18] =	vst v0  }
0x109: {  	[tilespmem:$0x1B08] =	vst v0  }
0x10a: {  	[tilespmem:$0x1AF8] =	vst v0  }
0x10b: {  	[tilespmem:$0x1AE8] =	vst v0  }
0x10c: {  	[tilespmem:$0x1AD8] =	vst v0  }
0x10d: {  	[tilespmem:$0x1AC8] =	vst v0  }
0x10e: {  	[tilespmem:$0x1AB8] =	vst v0  }
0x10f: {  	[tilespmem:$0x1AA8] =	vst v0  }
0x110: {  	[tilespmem:$0x1A98] =	vst v0  }
0x111: {  	[tilespmem:$0x1A88] =	vst v0  }
0x112: {  	[tilespmem:$0x1A78] =	vst v0  }
0x113: {  	[tilespmem:$0x1A68] =	vst v0  }
0x114: {  	[tilespmem:$0x1A58] =	vst v0  }
0x115: {  	[tilespmem:$0x1A48] =	vst v0  }
0x116: {  	[tilespmem:$0x1A38] =	vst v0  }
0x117: {  	[tilespmem:$0x1A28] =	vst v0  }
0x118: {  	[tilespmem:$0x1A18] =	vst v0  }
0x119: {  	[tilespmem:$0x1A08] =	vst v0  }
0x11a: {  	[tilespmem:$0x19F8] =	vst v0  }
0x11b: {  	[tilespmem:$0x19E8] =	vst v0  }
0x11c: {  	[tilespmem:$0x19D8] =	vst v0  }
0x11d: {  	[tilespmem:$0x19C8] =	vst v0  }
0x11e: {  	[tilespmem:$0x19B8] =	vst v0  }
0x11f: {  	[tilespmem:$0x19A8] =	vst v0  }
0x120: {  	[tilespmem:$0x1998] =	vst v0  }
0x121: {  	[tilespmem:$0x1988] =	vst v0  }
0x122: {  	[tilespmem:$0x1978] =	vst v0  }
0x123: {  	[tilespmem:$0x1968] =	vst v0  }
0x124: {  	[tilespmem:$0x1958] =	vst v0  }
0x125: {  	[tilespmem:$0x1948] =	vst v0  }
0x126: {  	[tilespmem:$0x1938] =	vst v0  }
0x127: {  	[tilespmem:$0x1928] =	vst v0  }
0x128: {  	[tilespmem:$0x1918] =	vst v0  }
0x129: {  	[tilespmem:$0x1908] =	vst v0  }
0x12a: {  	[tilespmem:$0x18F8] =	vst v0  }
0x12b: {  	[tilespmem:$0x18E8] =	vst v0  }
0x12c: {  	[tilespmem:$0x18D8] =	vst v0  }
0x12d: {  	[tilespmem:$0x18C8] =	vst v0  }
0x12e: {  	[tilespmem:$0x18B8] =	vst v0  }
0x12f: {  	[tilespmem:$0x18A8] =	vst v0  }
0x130: {  	[tilespmem:$0x1898] =	vst v0  }
0x131: {  	[tilespmem:$0x1888] =	vst v0  }
0x132: {  	[tilespmem:$0x1878] =	vst v0  }
0x133: {  	[tilespmem:$0x1868] =	vst v0  }
0x134: {  	[tilespmem:$0x1858] =	vst v0  }
0x135: {  	[tilespmem:$0x1848] =	vst v0  }
0x136: {  	[tilespmem:$0x1838] =	vst v0  }
0x137: {  	[tilespmem:$0x1828] =	vst v0  }
0x138: {  	[tilespmem:$0x1818] =	vst v0  }
0x139: {  	[tilespmem:$0x1808] =	vst v0  }
0x13a: {  	[tilespmem:$0x17F8] =	vst v0  }
0x13b: {  	[tilespmem:$0x17E8] =	vst v0  }
0x13c: {  	[tilespmem:$0x17D8] =	vst v0  }
0x13d: {  	[tilespmem:$0x17C8] =	vst v0  }
0x13e: {  	[tilespmem:$0x17B8] =	vst v0  }
0x13f: {  	[tilespmem:$0x17A8] =	vst v0  }
0x140: {  	[tilespmem:$0x1798] =	vst v0  }
0x141: {  	[tilespmem:$0x1788] =	vst v0  }
0x142: {  	[tilespmem:$0x1778] =	vst v0  }
0x143: {  	[tilespmem:$0x1768] =	vst v0  }
0x144: {  	[tilespmem:$0x1758] =	vst v0  }
0x145: {  	[tilespmem:$0x1748] =	vst v0  }
0x146: {  	[tilespmem:$0x1738] =	vst v0  }
0x147: {  	[tilespmem:$0x1728] =	vst v0  }
0x148: {  	[tilespmem:$0x1718] =	vst v0  }
0x149: {  	[tilespmem:$0x1708] =	vst v0  }
0x14a: {  	[tilespmem:$0x16F8] =	vst v0  }
0x14b: {  	[tilespmem:$0x16E8] =	vst v0  }
0x14c: {  	[tilespmem:$0x16D8] =	vst v0  }
0x14d: {  	[tilespmem:$0x16C8] =	vst v0  }
0x14e: {  	[tilespmem:$0x16B8] =	vst v0  }
0x14f: {  	[tilespmem:$0x16A8] =	vst v0  }
0x150: {  	[tilespmem:$0x1698] =	vst v0  }
0x151: {  	[tilespmem:$0x1688] =	vst v0  }
0x152: {  	[tilespmem:$0x1678] =	vst v0  }
0x153: {  	[tilespmem:$0x1668] =	vst v0  }
0x154: {  	[tilespmem:$0x1658] =	vst v0  }
0x155: {  	[tilespmem:$0x1648] =	vst v0  }
0x156: {  	[tilespmem:$0x1638] =	vst v0  }
0x157: {  	[tilespmem:$0x1628] =	vst v0  }
0x158: {  	[tilespmem:$0x1618] =	vst v0  }
0x159: {  	[tilespmem:$0x1608] =	vst v0  }
0x15a: {  	[tilespmem:$0x15F8] =	vst v0  }
0x15b: {  	[tilespmem:$0x15E8] =	vst v0  }
0x15c: {  	[tilespmem:$0x15D8] =	vst v0  }
0x15d: {  	[tilespmem:$0x15C8] =	vst v0  }
0x15e: {  	[tilespmem:$0x15B8] =	vst v0  }
0x15f: {  	[tilespmem:$0x15A8] =	vst v0  }
0x160: {  	[tilespmem:$0x1598] =	vst v0  }
0x161: {  	[tilespmem:$0x1588] =	vst v0  }
0x162: {  	[tilespmem:$0x1578] =	vst v0  }
0x163: {  	[tilespmem:$0x1568] =	vst v0  }
0x164: {  	[tilespmem:$0x1558] =	vst v0  }
0x165: {  	[tilespmem:$0x1548] =	vst v0  }
0x166: {  	[tilespmem:$0x1538] =	vst v0  }
0x167: {  	[tilespmem:$0x1528] =	vst v0  }
0x168: {  	[tilespmem:$0x1518] =	vst v0  }
0x169: {  	[tilespmem:$0x1508] =	vst v0  }
0x16a: {  	[tilespmem:$0x14F8] =	vst v0  }
0x16b: {  	[tilespmem:$0x14E8] =	vst v0  }
0x16c: {  	[tilespmem:$0x14D8] =	vst v0  }
0x16d: {  	[tilespmem:$0x14C8] =	vst v0  }
0x16e: {  	[tilespmem:$0x14B8] =	vst v0  }
0x16f: {  	[tilespmem:$0x14A8] =	vst v0  }
0x170: {  	[tilespmem:$0x1498] =	vst v0  }
0x171: {  	[tilespmem:$0x1488] =	vst v0  }
0x172: {  	[tilespmem:$0x1478] =	vst v0  }
0x173: {  	[tilespmem:$0x1468] =	vst v0  }
0x174: {  	[tilespmem:$0x1458] =	vst v0  }
0x175: {  	[tilespmem:$0x1448] =	vst v0  }
0x176: {  	[tilespmem:$0x1438] =	vst v0  }
0x177: {  	[tilespmem:$0x1428] =	vst v0  }
0x178: {  	[tilespmem:$0x1418] =	vst v0  }
0x179: {  	[tilespmem:$0x1408] =	vst v0  }
0x17a: {  	[tilespmem:$0x13F8] =	vst v0  }
0x17b: {  	[tilespmem:$0x13E8] =	vst v0  }
0x17c: {  	[tilespmem:$0x13D8] =	vst v0  }
0x17d: {  	[tilespmem:$0x13C8] =	vst v0  }
0x17e: {  	[tilespmem:$0x13B8] =	vst v0  }
0x17f: {  	[tilespmem:$0x13A8] =	vst v0  }
0x180: {  	[tilespmem:$0x1398] =	vst v0  }
0x181: {  	[tilespmem:$0x1388] =	vst v0  }
0x182: {  	[tilespmem:$0x1378] =	vst v0  }
0x183: {  	[tilespmem:$0x1368] =	vst v0  }
0x184: {  	[tilespmem:$0x1358] =	vst v0  }
0x185: {  	[tilespmem:$0x1348] =	vst v0  }
0x186: {  	[tilespmem:$0x1338] =	vst v0  }
0x187: {  	[tilespmem:$0x1328] =	vst v0  }
0x188: {  	[tilespmem:$0x1318] =	vst v0  }
0x189: {  	[tilespmem:$0x1308] =	vst v0  }
0x18a: {  	[tilespmem:$0x12F8] =	vst v0  }
0x18b: {  	[tilespmem:$0x12E8] =	vst v0  }
0x18c: {  	[tilespmem:$0x12D8] =	vst v0  }
0x18d: {  	[tilespmem:$0x12C8] =	vst v0  }
0x18e: {  	[tilespmem:$0x12B8] =	vst v0  }
0x18f: {  	[tilespmem:$0x12A8] =	vst v0  }
0x190: {  	[tilespmem:$0x1298] =	vst v0  }
0x191: {  	[tilespmem:$0x1288] =	vst v0  }
0x192: {  	[tilespmem:$0x1278] =	vst v0  }
0x193: {  	[tilespmem:$0x1268] =	vst v0  }
0x194: {  	[tilespmem:$0x1258] =	vst v0  }
0x195: {  	[tilespmem:$0x1248] =	vst v0  }
0x196: {  	[tilespmem:$0x1238] =	vst v0  }
0x197: {  	[tilespmem:$0x1228] =	vst v0  }
0x198: {  	[tilespmem:$0x1218] =	vst v0  }
0x199: {  	[tilespmem:$0x1208] =	vst v0  }
0x19a: {  	[tilespmem:$0x11F8] =	vst v0  }
0x19b: {  	[tilespmem:$0x11E8] =	vst v0  }
0x19c: {  	[tilespmem:$0x11D8] =	vst v0  }
0x19d: {  	[tilespmem:$0x11C8] =	vst v0  }
0x19e: {  	[tilespmem:$0x11B8] =	vst v0  }
0x19f: {  	[tilespmem:$0x11A8] =	vst v0  }
0x1a0: {  	[tilespmem:$0x1198] =	vst v0  }
0x1a1: {  	[tilespmem:$0x1188] =	vst v0  }
0x1a2: {  	[tilespmem:$0x1178] =	vst v0  }
0x1a3: {  	[tilespmem:$0x1168] =	vst v0  }
0x1a4: {  	[tilespmem:$0x1158] =	vst v0  }
0x1a5: {  	[tilespmem:$0x1148] =	vst v0  }
0x1a6: {  	[tilespmem:$0x1138] =	vst v0  }
0x1a7: {  	s4 =	stileid.u32;
	[tilespmem:$0x1128] =	vst v0  }
0x1a8: {  	s0 =	smul.u32 $0x17, s4;
	[tilespmem:$0x1118] =	vst v0  }
0x1a9: {  	s2 =	smin.u32 s4, $0x3;
	[tilespmem:$0x1108] =	vst v0  }
0x1aa: {  	[tilespmem:$0x10F8] =	vst v0;
	s0 =	sadd.s32 s2, s0  }
0x1ab: {  	p0 =	slt.u32 s4, $0x3;
	[tilespmem:$0x10C8] =	vst v0;
	s2 =	simm.s32 $0x2880;
	s6 =	smul.u32 $0x1B0, s0  }
0x1ac: {  	s2 =	simm.s32 @!p0 $0x26D0;
	[tilespmem:$0x10D8] =	vst v0  }
0x1ad: {  	[tilespmem:$0x10B8] =	vst v0;
	s0 =	sadd.s32 s2, s6  }
0x1ae: {  	s5 =	simm.s32 $0x2;
	[tilespmem:$0x1038] =	vst v0;
	s7 =	smin.u32 s0, $0x27100  }
0x1af: {  	s8 =	simm.s32 $0x9;
	s10 =	simm.s32 $0xA;
	[tilespmem:$0x10A8] =	vst v0;
	s0 =	ssub.s32 s7, s6  }
0x1b0: {  	s30 =	simm.s32 $0xB;
	s16 =	simm.s32 $0x0;
	[tilespmem:$0x1098] =	vst v0;
	p0 =	sgt.s32 s0, $0x0  }
0x1b1: {  	p4 =	por $0x0, $0x0;
	s17 =	simm.s32 $0xC;
	[tilespmem:$0x1088] =	vst v0;
	s0 =	simm.s32 @!p0 $0x0  }
0x1b2: {  	s21 =	simm.s32 $0x0;
	s18 =	simm.s32 $0x0;
	[tilespmem:$0x1078] =	vst v0;
	s28 =	smulhi.u32 $0x4BDA12F7, s0  }
0x1b3: {  	s20 =	simm.s32 $0x0;
	s3 =	sand.u32 $0x1, s3;
	s31 =	sshll.u32 s4, $0x5;
	[tilespmem:$0x1048] =	vst v0  }
0x1b4: {  	s2 =	sshrl.u32 s28, $0x7;
	[tilespmem:$0x1018] =	vst v0;
	[dreg:$0x6] =	wrdreg s3;
	s3 =	smul.u32 $0x4E20, s3  }
0x1b5: {  	[tilespmem:$0x1008] =	vst v0;
	[sflag:s5] =	ssyncpa.u1 $0x0;
	v0 =	vimm.s32 $0xFFFFFFFF;
	[dreg:$0x5] =	wrdreg s31;
	s29 =	smul.u32 $0x1B0, s2  }
.Ltmp0:
0x1b6: {  	[tilespmem:$0x3648] =	vst v0;
	[sflag:s8] =	ssyncpa.u1 $0x0;
	s3 =	sadd.s32 s3, s11;
	(pc) =	sbr.rel .LBB2_1-.Ltmp0, $4  }
0x1b7: {  	[sflag:s10] =	ssyncpa.u1 $0x0;
	s11 =	sadd.s32 $0x292400, s11;
	p0 =	sne.s32 s0, s29  }
0x1b8: {  	[sflag:s30] =	ssyncpa.u1 $0x0;
	s14 =	sadd.s32 $0x287E00, s3;
	s12 =	simm.s32 @!p0 $0x0  }
0x1b9: {  	s15 =	sadd.s32 $0x27E000, s3;
	s19 =	smov.u32 s6;
	s12 =	sadd.s32 s12, s2  }
0x1ba: {  	v0 =	vlaneseq.u32;
	[dreg:$0x7] =	wrdreg s6;
	p0 =	por $0x1, $0x1;
	s4 =	sadd.s32 $0x1, s12  }
.LBB2_18:
0x1bb: {  	s0 =	simm.s32 $0x2  }
0x1bc: {  	_ =	swait.ge [sflag:s0], $0x0  }
0x1bd: {  	[sflag:s0] =	ssyncset.done $0x0;
	s0 =	simm.s32 $0x0  }
.LBB2_19:
0x1be: {  	_ =	swait.ge [sflag:s17], s0  }
0x1bf: {  	s31 =	ssub.s32 $0x0, s0;
	v1 =	vmov s23;
	vm0 =	veq.s32 v0, $0x0;
	[sflag:s17] =	ssyncset.done $0x0  }
0x1c0: {  	vm15 =	veq.s32 v0, $0x2;
	v1 =	vsel vm0, s28, v1;
	[sflag:s17] =	ssyncadd.s32 s31  }
0x1c1: {  	v1 =	vsel vm15, s21, v1;
	[sflag:s17] =	ssyncpa.u1 $0x1  }
0x1c2: {  	[tilespmem:$0x3648] =	vst v1  }
.LBB2_20:
0x1c3: {  	s0 =	sadd.s32 $0x1B0, s19  }
0x1c4: {  	s2 =	smov.u32 s6;
	p1 =	slt.s32 s0, s7  }
0x1c5: {  	s2 =	smov.u32 @p1 s0;
	p1 =	sne.s32 s20, s4  }
.Ltmp1:
0x1c6: {  	_ = 	snop;
	(pc) =	sbr.rel @!p1 .LBB2_21-.Ltmp1, $4  }
0x1c7: {  	_ = 	snop  }
0x1c8: {  	s21 =	smov.u32 s18  }
0x1c9: {  	s31 =	sadd.s32 $0x1, s20;
	s18 =	smov.u32 s19;
	p0 =	por !p0, !p0  }
0x1ca: {  	p4 =	por !p4, !p4;
	s20 =	smov.u32 s31;
	s19 =	smov.u32 s2  }
.LBB2_1:
0x1cb: {  	p2 =	sge.u32 s20, s12  }
0x1cc: {  	s0 =	smulhi.u32 @!p2 $0xAAAAAAAB, s20  }
0x1cd: {  	s2 =	smov.u32 s19;
	p3 =	sgt.s32 @!p2 s19, $0x26F50  }
0x1ce: {  	s3 =	sshra.s32 @!p2 s19, $0x1F;
	p3 =	por !p3, p2;
	s0 =	sshrl.u32 @!p2 s0, $0x1  }
0x1cf: {  	s3 =	sand.u32 @!p2 s3, s19;
	s2 =	simm.s32 @p3 $0x26F50;
	s0 =	smul.u32 @!p2 $0x3, s0  }
0x1d0: {  	s2 =	ssub.s32 @!p2 s2, s3  }
0x1d1: {  	s23 =	sadd.s32 $0xFFFFFFFF, s20;
	s2 =	sadd.s32 @!p2 $0xFFFD90B0, s2;
	s0 =	ssub.s32 @!p2 s20, s0  }
0x1d2: {  	s3 =	sshll.u32 @!p2 s2, $0x2;
	p3 =	sgt.s32 @!p2 s2, $0x1AF;
	s0 =	smul.u32 @!p2 $0x6C0, s0  }
0x1d3: {  	s5 =	sand.u32 @!p2 $0x7, s19;
	s2 =	ssub.s32 @!p2 $0x6C0, s3;
	p3 =	por !p3, p2  }
0x1d4: {  	s3 =	sshrl.u32 @!p2 s19, $0x3;
	s2 =	sshrl.u32 @!p2 s2, $0x2;
	s0 =	sshrl.u32 @!p2 s0, $0x2  }
0x1d5: {  	s3 =	sadd.s32 @!p2 s3, s14;
	s2 =	simm.s32 @!p3 $0x0;
	s0 =	sadd.s32 @!p2 $0x3888, s0  }
0x1d6: {  	[tilespmem:s0], [sflag:$0xA] =	stream.linear.gather @!p2 [hbm4b:s3+s5], s2, $0x38;
	[tilespmem:$0x1F0F8] =	vst v63  }
0x1d7: {  	p2 =	sge.u32 s23, s12  }
0x1d8: {  	p3 =	sgt.s32 @!p2 s18, $0x26F50  }
0x1d9: {  	s0 =	smov.u32 s18;
	s2 =	sshra.s32 @!p2 s18, $0x1F;
	p3 =	por !p3, p2  }
0x1da: {  	s2 =	sand.u32 @!p2 s2, s18;
	s0 =	simm.s32 @p3 $0x26F50  }
0x1db: {  	s0 =	ssub.s32 @!p2 s0, s2  }
0x1dc: {  	s0 =	sadd.s32 @!p2 $0xFFFD90B0, s0  }
0x1dd: {  	s2 =	sshll.u32 @!p2 s0, $0x2  }
0x1de: {  	p3 =	sgt.s32 @!p2 s0, $0x1AF;
	s0 =	ssub.s32 @!p2 $0x6C0, s2  }
0x1df: {  	s22 =	ssub.s32 @!p2 $0x27100, s18;
	p3 =	por !p3, p2;
	s0 =	sshrl.u32 @!p2 s0, $0x2  }
0x1e0: {  	s2 =	sand.u32 @!p2 $0x1, s23;
	s0 =	simm.s32 @!p3 $0x0;
	p3 =	slt.s32 @!p2 s22, $0x1  }
0x1e1: {  	s3 =	simm.s32 @!p2 $0xA;
	s2 =	smul.u32 @!p2 $0x6C0, s2;
	p3 =	por p2, p3  }
.Ltmp2:
0x1e2: {  	_ =	swait.ge @!p2 [sflag:s3], s0;
	(pc) =	sbr.rel @p3 .LBB2_7-.Ltmp2, $4  }
0x1e3: {  	s5 =	ssub.s32 @!p2 $0x0, s0;
	[sflag:s3] =	ssyncset.done @!p2 $0x0  }
0x1e4: {  	s2 =	sshrl.u32 @!p2 s2, $0x2;
	[sflag:s3] =	ssyncadd.s32 @!p2 s5;
	s3 =	sshrl.u32 @!p2 s18, $0x3  }
0x1e5: {  	s2 =	sadd.s32 @!p2 $0x3D98, s2;
	s5 =	sand.u32 @!p2 $0x7, s18;
	s3 =	sadd.s32 @!p2 s3, s15  }
0x1e6: {  	[tilespmem:s2], [sflag:$0xB] =	stream.linear.gather @!p2 [hbm4b:s3+s5], s0, $0x38;
	[tilespmem:$0x1F0F8] =	vst v63  }
0x1e7: {  	s0 =	smulhi.u32 $0xAAAAAAAB, s23;
	_ =	sdelay $0x1  }
0x1e8: {  	s0 =	sshrl.u32 s0, $0x1  }
0x1e9: {  	s0 =	smul.u32 $0x3, s0;
	_ =	sdelay $0x1  }
0x1ea: {  	s0 =	ssub.s32 s23, s0  }
0x1eb: {  	s2 =	simm.s32 $0x1;
	s0 =	smul.u32 $0x6C0, s0  }
.Ltmp3:
0x1ec: {  	s2 =	simm.s32 @!p0 $0x0;
	(pc) =	sbr.rel .LBB2_4-.Ltmp3, $4  }
0x1ed: {  	s2 =	smul.u32 $0x36000, s2  }
0x1ee: {  	p3 =	slt.s32 @!p2 s22, $0x1B0;
	s0 =	sshrl.u32 s0, $0x2  }
0x1ef: {  	p2 =	por !p3, p2;
	s2 =	sshrl.u32 s2, $0x2;
	s0 =	sadd.s32 $0x3888, s0  }
0x1f0: {  	s24 =	simm.s32 $0x0;
	s22 =	simm.s32 @p2 $0x1B0;
	s23 =	sadd.s32 $0x40F8, s2;
	v1 =	vmov s0  }
.LBB2_3:
0x1f1: {  	p2 =	sge.s32 s24, s22  }
.Ltmp4:
0x1f2: {  	_ = 	snop;
	(pc) =	sbr.rel @p2 .LBB2_7-.Ltmp4, $2  }
0x1f3: {  	_ =	sdelay $0x2  }
0x1f4: {  	s23 =	sadd.s32 $0x800, s23  }
.LBB2_4:
0x1f5: {  	p2 =	sle.s32 s22, s24  }
.Ltmp5:
0x1f6: {  	_ = 	snop;
	(pc) =	sbr.rel @p2 .LBB2_3-.Ltmp5, $2  }
0x1f7: {  	_ =	sdelay $0x2  }
0x1f8: {  	s0 =	smov.u32 s24;
	s24 =	sadd.s32 $0x10, s24  }
0x1f9: {  	s2 =	ssub.s32 s22, s0  }
0x1fa: {  	p2 =	slt.s32 s2, $0x10  }
0x1fb: {  	s2 =	simm.s32 @!p2 $0x10  }
0x1fc: {  	v2 =	vmov s2  }
0x1fd: {  	vm0 =	vgt.s32 v2, v0;
	_ =	sdelay $0x5  }
0x1fe: {  	v2 =	vld.idx.msk [tilespmem:v1+s0+$0x0 ss:$0x1], vm0;
	_ =	sdelay $0x2  }
0x1ff: {  	p2 =	slt.s32 s24, s22;
	s2 =	smov.u32 s22  }
0x200: {  	s3 =	smov.u32 s23;
	s25 =	simm.s32 $0x0;
	s2 =	smov.u32 @p2 s24  }
.LBB2_6:
0x201: {  	(v2sf) =	vpush v2, s25;
	_ =	sdelay $0xc  }
0x202: {  	s25 =	sadd.s32 $0x1, s25  }
0x203: {  	s31 =	sadd.s32 s25, s0  }
0x204: {  	p2 =	slt.s32 s31, s2;
	s5 =	spop (v2sf)  }
.Ltmp6:
0x205: {  	s5 =	sshll.u32 s5, $0x4;
	(pc) =	sbr.rel @p2 .LBB2_6-.Ltmp6, $4  }
0x206: {  	s5 =	sand.u32 $0x1FFFFFF0, s5  }
0x207: {  	s5 =	sadd.s32 s11, s5  }
0x208: {  	[tilespmem:s3], [sflag:$0x9] =	stream.linear.gather [hbm4b:s5+s16], $0x8, $0x38;
	[tilespmem:$0x1F0F8] =	vst v63  }
0x209: {  	s3 =	sadd.s32 $0x80, s3  }
.Ltmp7:
0x20a: {  	_ = 	snop;
	(pc) =	sbr.rel .LBB2_3-.Ltmp7, $1  }
0x20b: {  	_ =	sdelay $0x3  }
.LBB2_7:
0x20c: {  	p2 =	slt.u32 s20, $0x2  }
.Ltmp8:
0x20d: {  	_ = 	snop;
	(pc) =	sbr.rel @p2 .LBB2_20-.Ltmp8, $1  }
0x20e: {  	_ =	sdelay $0x3  }
0x20f: {  	p2 =	sgt.s32 s21, $0x26F50  }
0x210: {  	s0 =	smov.u32 s21;
	s2 =	sshra.s32 s21, $0x1F;
	s3 =	ssub.s32 $0x27100, s21  }
0x211: {  	s0 =	simm.s32 @!p2 $0x26F50;
	s2 =	sand.u32 s2, s21;
	p2 =	slt.s32 s3, $0x1B0  }
0x212: {  	s0 =	ssub.s32 s0, s2;
	s3 =	simm.s32 @!p2 $0x1B0  }
0x213: {  	s0 =	sadd.s32 $0xFFFD90B0, s0;
	s24 =	sshll.u32 s3, $0x3  }
0x214: {  	s28 =	simm.s32 $0x9;
	s25 =	sshll.u32 s0, $0x2;
	s2 =	sand.u32 $0x3FFFFFF8, s24  }
0x215: {  	p2 =	sgt.s32 s0, $0x1AF;
	s26 =	ssub.s32 $0x6C0, s25;
	_ =	swait.ge [sflag:s28], s2  }
0x216: {  	s2 =	ssub.s32 $0x0, s2;
	[sflag:s28] =	ssyncset.done $0x0;
	s0 =	sshrl.u32 s26, $0x2  }
0x217: {  	s30 =	simm.s32 $0xB;
	[sflag:s28] =	ssyncadd.s32 s2;
	s0 =	simm.s32 @p2 $0x0  }
0x218: {  	_ =	swait.ge [sflag:s30], s0  }
0x219: {  	s0 =	ssub.s32 $0x0, s0;
	[sflag:s30] =	ssyncset.done $0x0  }
0x21a: {  	[sflag:s30] =	ssyncadd.s32 s0  }
0x21b: {  	v1 =	vld [tilespmem:$0x3648];
	_ =	sdelay $0x4  }
0x21c: {  	(v2sf) =	vpush v1, $0x0  }
0x21d: {  	(v2sf) =	vpush v1, $0x1  }
0x21e: {  	(v2sf) =	vpush v1, $0x2;
	_ =	sdelay $0x3  }
0x21f: {  	s0 =	sadd.s32 $0x1B0, s21  }
0x220: {  	s2 =	ssub.s32 $0x4E200, s21;
	p2 =	slt.s32 s7, s0  }
0x221: {  	s0 =	smov.u32 @p2 s7;
	p2 =	sgt.s32 s2, $0x0  }
0x222: {  	s25 =	ssub.s32 s0, s21;
	s2 =	simm.s32 @!p2 $0x0  }
0x223: {  	p2 =	slt.s32 s2, s25  }
0x224: {  	s25 =	smov.u32 @p2 s2  }
0x225: {  	s24 =	simm.s32 $0x1;
	p2 =	slt.s32 s25, $0x1  }
.Ltmp9:
0x226: {  	s24 =	simm.s32 @!p4 $0x0;
	(pc) =	sbr.rel @p2 .LBB2_12-.Ltmp9, $4  }
0x227: {  	s31 =	smul.u32 $0x6C0, s24  }
0x228: {  	s26 =	spop (v2sf)  }
0x229: {  	s0 =	sshrl.u32 s31, $0x2;
	s29 =	spop (v2sf)  }
0x22a: {  	s22 =	sadd.s32 $0x3D98, s0;
	s21 =	spop (v2sf)  }
0x22b: {  	s0 =	smin.u32 s25, $0x10  }
0x22c: {  	v1 =	vmov s0  }
0x22d: {  	p3 =	sgt.s32 s25, $0x10;
	vm1 =	vgt.u32 v1, v0  }
.Ltmp10:
0x22e: {  	_ = 	snop;
	(pc) =	sbr.rel @!p3 .LBB2_11-.Ltmp10, $2  }
0x22f: {  	_ =	sdelay $0x2  }
0x230: {  	s23 =	simm.s32 $0x10;
	s28 =	sadd.s32 $0xFFFFFFF0, s25;
	s0 =	smov.u32 s22;
	vm0 =	vmmov vm1  }
.LBB2_10:
0x231: {  	s2 =	smin.u32 s28, $0x10;
	s23 =	sadd.s32 $0x10, s23;
	v1 =	vld.msk [tilespmem:s0+$0x0 ss:$0x1], vm1  }
0x232: {  	v2 =	vmov s2;
	p3 =	slt.s32 s23, s25  }
0x233: {  	vm1 =	vgt.u32 v2, v0  }
.Ltmp11:
0x234: {  	(pc) =	sbr.rel @p3 .LBB2_10-.Ltmp11, $3  }
0x235: {  	_ =	sdelay $0x1  }
0x236: {  	v1 =	vshll.u32 v1, $0x4  }
0x237: {  	s28 =	sadd.s32 $0xFFFFFFF0, s28;
	[tilespmem:s0+$0x0] =	vst.msk vm0, v1;
	s0 =	sadd.s32 $0x10, s0;
	vm0 =	vmmov vm1  }
.LBB2_11:
0x238: {  	_ =	sdelay $0x4  }
0x239: {  	v1 =	vld.msk [tilespmem:s0+$0x0 ss:$0x1], vm1;
	_ =	sdelay $0x4  }
0x23a: {  	v1 =	vshll.u32 v1, $0x4  }
0x23b: {  	[tilespmem:s0+$0x0] =	vst.msk vm0, v1  }
.LBB2_12:
0x23c: {  	s0 =	sand.u32 $0x1, s20  }
0x23d: {  	s0 =	smul.u32 $0x1B0, s0  }
0x23e: {  	p3 =	sne.s32 s29, $0xFFFFFFFF  }
0x23f: {  	v1 =	vld.msk @!p3 [tilespmem:s0+$0x3D98], $0x1;
	_ =	sdelay $0x4  }
0x240: {  	(v2sf) =	vpush @!p3 v1, $0x0;
	_ =	sdelay $0xc  }
.Ltmp12:
0x241: {  	_ = 	snop;
	(pc) =	sbr.rel @p2 .LBB2_18-.Ltmp12, $4  }
0x242: {  	_ = 	snop  }
0x243: {  	s28 =	spop @!p3 (v2sf)  }
0x244: {  	s21 =	simm.s32 @!p3 $0x0;
	s23 =	smov.u32 s28  }
0x245: {  	[sflag:s17] =	ssyncpa.u1 $0x0;
	s28 =	smov.u32 @p3 s26;
	s23 =	smov.u32 @p3 s29  }
0x246: {  	v1 =	vld.msk [tilespmem:s22+$0x0], $0x1;
	_ =	sdelay $0x4  }
0x247: {  	(v2sf) =	vpush v1, $0x0;
	_ =	sdelay $0xe  }
0x248: {  	s0 =	simm.s32 @!p4 $0x0;
	s26 =	smul.u32 $0x36000, s24;
	s31 =	spop (v2sf)  }
0x249: {  	s29 =	ssub.s32 $0x0, s25;
	s0 =	simm.s32 @p4 $0x1;
	p2 =	seq.s32 s28, s31  }
0x24a: {  	s2 =	smov.u32 s28;
	[smem:$0x7FD] =	sst s0;
	p3 =	sgt.s32 @!p2 s28, $0x0  }
0x24b: {  	s0 =	sshrl.u32 s26, $0x2;
	s26 =	sadd.s32 $0x1, s29;
	p3 =	por !p3, p2  }
0x24c: {  	s2 =	simm.s32 @p3 $0x0;
	p3 =	seq.s32 s26, $0x0  }
.Ltmp13:
0x24d: {  	_ = 	snop;
	(pc) =	sbr.rel @p3 .LBB2_15-.Ltmp13, $4  }
0x24e: {  	s6 =	smov.u32 s4;
	s25 =	simm.s32 $0x0  }
0x24f: {  	s24 =	sadd.s32 $0x40F8, s0;
	s0 =	simm.s32 @!p2 $0x1;
	s3 =	smin.u32 @!p2 s2, $0x270FFF  }
0x250: {  	s30 =	sadd.s32 $0x1, s22;
	s0 =	smov.u32 @p2 s25;
	s5 =	sand.u32 @!p2 $0x3FFFF8, s3  }
0x251: {  	s2 =	simm.s32 @!p2 $0x1B38;
	s3 =	sand.u32 @!p2 $0x7, s3;
	s5 =	sadd.s32 @!p2 s1, s5  }
.LBB2_14:
0x252: {  	s4 =	smov.u32 s0  }
0x253: {  	[tilespmem:s2], [sflag:$0x2] =	stream.linear.gather @!p2 [hbm4b:s5+s3], $0x8, $0x38;
	[tilespmem:$0x1F0F8] =	vst v63  }
0x254: {  	s26 =	sadd.s32 $0x1, s26;
	s3 =	smov.u32 s31;
	v1 =	vld.msk [tilespmem:s30+$0x0], $0x1  }
0x255: {  	p3 =	seq.s32 s26, $0x0;
	_ =	sdelay $0x3  }
0x256: {  	(v2sf) =	vpush v1, $0x0;
	_ =	sdelay $0xe  }
0x257: {  	s31 =	spop (v2sf)  }
0x258: {  	p2 =	seq.s32 s3, s31  }
0x259: {  	p4 =	sgt.s32 @!p2 s3, $0x0;
	s2 =	sshll.u32 @!p2 s0, $0x6;
	s0 =	sadd.s32 @!p2 $0x1, s0  }
.Ltmp14:
0x25a: {  	p4 =	por !p4, p2;
	s2 =	sshra.s32 @!p2 s2, $0x2;
	(pc) =	sbr.rel @!p3 .LBB2_14-.Ltmp14, $4  }
0x25b: {  	s0 =	smov.u32 @p2 s4;
	s3 =	simm.s32 @p4 $0x0;
	s2 =	sadd.s32 @!p2 $0x1B38, s2  }
0x25c: {  	s3 =	smin.u32 @!p2 s3, $0x270FFF  }
0x25d: {  	s4 =	sand.u32 @!p2 $0x3FFFF8, s3;
	s3 =	sand.u32 @!p2 $0x7, s3  }
0x25e: {  	s30 =	sadd.s32 $0x1, s30;
	s5 =	sadd.s32 @!p2 s1, s4  }
.LBB2_15:
0x25f: {  	[tilespmem:s2], [sflag:$0x2] =	stream.linear.gather @!p2 [hbm4b:s5+s3], $0x8, $0x38;
	[tilespmem:$0x1F0F8] =	vst v63  }
0x260: {  	s0 =	sshll.u32 s0, $0x3  }
0x261: {  	s31 =	simm.s32 $0x2;
	s0 =	sand.u32 $0x3FFFFFF8, s0  }
0x262: {  	_ =	swait.ge [sflag:s31], s0  }
0x263: {  	s0 =	ssub.s32 $0x0, s0;
	[sflag:s31] =	ssyncset.done $0x0  }
0x264: {  	[sflag:s31] =	ssyncadd.s32 s0  }
0x265: {  	v1 =	vld.msk [tilespmem:s22+$0x0], $0x1;
	_ =	sdelay $0x4  }
0x266: {  	(v2sf) =	vpush v1, $0x0;
	_ =	sdelay $0xe  }
0x267: {  	s26 =	spop (v2sf)  }
0x268: {  	p2 =	sne.s32 s28, s26  }
0x269: {  	p4 =	sne.s32 @p2 s28, s23  }
0x26a: {  	p3 =	por !p4, !p2  }
0x26b: {  	s0 =	simm.s32 @!p3 $0x0  }
0x26c: {  	v1 =	vld.msk @!p3 [tilespmem:s0+$0x1B38], $0xff  }
0x26d: {  	p5 =	sgt.u32 @!p3 s28, $0x270FFF  }
0x26e: {  	s2 =	sshll.u32 @!p3 s21, $0x6;
	p6 =	por @p2 p5, !p4  }
0x26f: {  	s2 =	sshra.s32 @!p3 s2, $0x2;
	p1 =	por p6, !p2;
	p6 =	por p4, !p2  }
0x270: {  	s3 =	sadd.s32 @!p3 $0x28, s2;
	s4 =	sand.u32 @!p1 $0x3FFFF8, s28;
	s5 =	sshll.u32 @!p6 s21, $0x6  }
0x271: {  	s28 =	sand.u32 @!p1 $0x7, s28;
	[tilespmem:s2+$0x28] =	vst.add.f32.msk @!p3 $0xff, v1;
	s2 =	sadd.s32 @!p1 s1, s4;
	s4 =	sshra.s32 @!p6 s5, $0x2  }
0x272: {  	[hbm4b:s2+s28] =	stream.linear.scatter @!p1 [tilespmem:s3], [sflag:$0xC], $0x8, $0x38;
	[tilespmem:$0x1F0F8] =	vst v63  }
0x273: {  	s0 =	rddreg [dreg:$0x5];
	s2 =	sadd.s32 @!p6 $0x28, s4;
	s3 =	simm.s32 @!p6 $0x1  }
0x274: {  	[spmem:s0] =	stream.linear.scatter @!p6 [tilespmem:s2], [sflag:$0x1], $0x8, $0x38;
	[tilespmem:$0x1F0F8] =	vst v63  }
0x275: {  	s0 =	sadd.s32 @p2 $0x1, s21;
	_ =	swait.ge @!p6 [sflag:s3], $0x8  }
0x276: {  	s2 =	sshrl.u32 @p2 s0, $0x4;
	[sflag:s3] =	ssyncset.done @!p6 $0x0  }
0x277: {  	s2 =	smulhi.u32 @p2 $0x97B425F, s2;
	[sflag:s3] =	ssyncadd.s32 @!p6 $0xFFFFFFF8  }
0x278: {  	s28 =	sadd.s32 $0x1, s29;
	v1 =	vld.msk @p2 [tilespmem:s24+$0x0], $0xff  }
0x279: {  	p1 =	por @p2 !p5, !p4;
	p4 =	seq.s32 s28, $0x0;
	s2 =	smul.u32 @p2 $0x1B0, s2  }
.Ltmp15:
0x27a: {  	p1 =	por !p1, !p2;
	s3 =	simm.s32 @!p3 $0x0;
	(pc) =	sbr.rel @p4 .LBB2_17-.Ltmp15, $4  }
0x27b: {  	s4 =	sshll.u32 @!p2 s21, $0x6;
	s3 =	simm.s32 @!p1 $0x20;
	s0 =	ssub.s32 @p2 s0, s2  }
0x27c: {  	s29 =	simm.s32 $0x0;
	s3 =	sadd.s32 @!p3 $0x0, s3;
	s5 =	sshll.u32 @p2 s0, $0x4  }
0x27d: {  	s30 =	sshra.s32 @!p2 s4, $0x2;
	s2 =	simm.s32 @p2 $0x1;
	s3 =	smov.u32 @p3 s25;
	[tilespmem:s5+$0x28] =	vst.msk @p2 $0xff, v1  }
0x27e: {  	s21 =	smov.u32 @p2 s0;
	s29 =	smov.u32 @p2 s3;
	s25 =	smov.u32 @p2 s2;
	v1 =	vld.msk @!p2 [tilespmem:s24+$0x0], $0xff  }
.LBB2_16:
0x27f: {  	_ =	sdelay $0x3  }
0x280: {  	s22 =	sadd.s32 $0x1, s22;
	[tilespmem:s30+$0x28] =	vst.add.f32.msk @!p2 $0xff, v1  }
0x281: {  	v1 =	vld.msk [tilespmem:s22+$0x0], $0x1;
	_ =	sdelay $0x4  }
0x282: {  	(v2sf) =	vpush v1, $0x0;
	_ =	sdelay $0xe  }
0x283: {  	s0 =	smov.u32 s26;
	s26 =	spop (v2sf)  }
0x284: {  	p2 =	sne.s32 s0, s26  }
0x285: {  	p5 =	sne.s32 @p2 s0, s23  }
0x286: {  	s4 =	sshll.u32 @!p2 s21, $0x6;
	p4 =	por !p5, !p2  }
0x287: {  	s30 =	sshra.s32 @!p2 s4, $0x2;
	s4 =	sshll.u32 @!p4 s25, $0x6  }
0x288: {  	s4 =	sshra.s32 @!p4 s4, $0x2  }
0x289: {  	p1 =	sgt.u32 @!p4 s0, $0x270FFF;
	v1 =	vld.msk @!p4 [tilespmem:s4+$0x1B38], $0xff  }
0x28a: {  	s31 =	sshll.u32 @!p4 s21, $0x6;
	p6 =	por @p2 p1, !p5;
	p1 =	por @p2 !p1, !p5  }
0x28b: {  	s8 =	simm.s32 @!p4 $0x0;
	s31 =	sshra.s32 @!p4 s31, $0x2;
	p1 =	por !p1, !p2  }
0x28c: {  	p5 =	por p5, !p2;
	s8 =	simm.s32 @!p1 $0x20;
	p1 =	por p6, !p2  }
0x28d: {  	s4 =	sadd.s32 @!p4 $0x28, s31;
	s13 =	sshll.u32 @!p5 s21, $0x6;
	s10 =	sand.u32 @!p1 $0x3FFFF8, s0  }
0x28e: {  	s13 =	sshra.s32 @!p5 s13, $0x2;
	s0 =	sand.u32 @!p1 $0x7, s0;
	s10 =	sadd.s32 @!p1 s1, s10;
	[tilespmem:s31+$0x28] =	vst.add.f32.msk @!p4 $0xff, v1  }
0x28f: {  	[hbm4b:s10+s0] =	stream.linear.scatter @!p1 [tilespmem:s4], [sflag:$0xC], $0x8, $0x38;
	[tilespmem:$0x1F0F8] =	vst v63  }
0x290: {  	s2 =	rddreg [dreg:$0x5];
	s0 =	sadd.s32 @!p5 $0x28, s13;
	s4 =	simm.s32 @!p5 $0x1  }
0x291: {  	[spmem:s2] =	stream.linear.scatter @!p5 [tilespmem:s0], [sflag:$0x1], $0x8, $0x38;
	[tilespmem:$0x1F0F8] =	vst v63  }
0x292: {  	s3 =	sadd.s32 @p2 $0x1, s21;
	_ =	swait.ge @!p5 [sflag:s4], $0x8  }
0x293: {  	s5 =	sshrl.u32 @p2 s3, $0x4;
	[sflag:s4] =	ssyncset.done @!p5 $0x0  }
0x294: {  	s24 =	sadd.s32 $0x80, s24;
	s5 =	smulhi.u32 @p2 $0x97B425F, s5;
	[sflag:s4] =	ssyncadd.s32 @!p5 $0xFFFFFFF8  }
0x295: {  	s28 =	sadd.s32 $0x1, s28;
	v1 =	vld.msk @p2 [tilespmem:s24+$0x0], $0xff  }
0x296: {  	p3 =	seq.s32 s28, $0x0;
	s5 =	smul.u32 @p2 $0x1B0, s5  }
.Ltmp16:
0x297: {  	_ = 	snop;
	(pc) =	sbr.rel @!p3 .LBB2_16-.Ltmp16, $4  }
0x298: {  	s3 =	ssub.s32 @p2 s3, s5  }
0x299: {  	s8 =	sadd.s32 @!p4 s8, s29;
	s5 =	sshll.u32 @p2 s3, $0x4  }
0x29a: {  	s9 =	sadd.s32 @p2 $0x1, s25;
	s8 =	smov.u32 @p4 s29;
	[tilespmem:s5+$0x28] =	vst.msk @p2 $0xff, v1  }
0x29b: {  	s25 =	smov.u32 @p2 s9;
	s21 =	smov.u32 @p2 s3;
	s29 =	smov.u32 @p2 s8;
	v1 =	vld.msk @!p2 [tilespmem:s24+$0x0], $0xff  }
.LBB2_17:
.Ltmp17:
0x29c: {  	_ = 	snop;
	(pc) =	sbr.rel .LBB2_19-.Ltmp17, $3  }
0x29d: {  	s2 =	sld [smem:$0x7FD];
	_ =	sdelay $0x1  }
0x29e: {  	s0 =	sshrl.u32 s29, $0x2;
	s28 =	smov.u32 s26  }
0x29f: {  	s4 =	smov.u32 s6;
	s6 =	rddreg [dreg:$0x7];
	p4 =	seq.s32 s2, $0x1;
	[tilespmem:s30+$0x28] =	vst.add.f32.msk @!p2 $0xff, v1  }
.LBB2_21:
0x2a0: {  	_ =	sfence.sel $0x180000  }
0x2a1: {  	s0 =	simm.s32 $0x9;
	[bflag:$0x0] =	sbarrier.arrive $0xFFFF  }
0x2a2: {  	s24 =	simm.s32 $0xA;
	[sflag:s0] =	ssyncpa.u1 $0x1  }
0x2a3: {  	s25 =	simm.s32 $0xB;
	[sflag:s24] =	ssyncpa.u1 $0x1  }
0x2a4: {  	s26 =	simm.s32 $0x2;
	[sflag:s25] =	ssyncpa.u1 $0x1  }
0x2a5: {  	[sflag:s26] =	ssyncpa.u1 $0x1  }
0x2a6: {  	v0 =	vld [tilespmem:$0x3648];
	_ =	sdelay $0x4  }
0x2a7: {  	(v2sf) =	vpush v0, $0x0  }
0x2a8: {  	(v2sf) =	vpush v0, $0x1;
	_ =	sdelay $0x1  }
0x2a9: {  	(v2sf) =	vpush v0, $0x2;
	_ =	sdelay $0xb  }
0x2aa: {  	s0 =	spop (v2sf)  }
0x2ab: {  	s2 =	spop (v2sf)  }
0x2ac: {  	s3 =	smov.u32 s0;
	p0 =	sne.s32 s0, s2  }
0x2ad: {  	s4 =	spop (v2sf);
	s3 =	simm.s32 @!p0 $0xFFFFFFFF  }
0x2ae: {  	v2 =	vimm.s32 $0x1;
	v3 =	vlaneseq.u32;
	p0 =	seq.s32 s4, $0xFFFFFFFF;
	v1 =	vmov s3  }
0x2af: {  	s16 =	stileid.u32;
	v0 =	vperm.xlane v0, v2;
	p1 =	sne.s32 @!p0 s0, s2;
	v1 =	vperm.xlane v1, v3  }
0x2b0: {  	vm0 =	vcmask $0x3F04;
	s6 =	simm.s32 $0x3648;
	s0 =	simm.s32 @!p0 $0x1;
	p1 =	por !p1, p0  }
0x2b1: {  	s3 =	sshll.u32 s16, $0x1;
	s2 =	sshll.u32 @!p0 s4, $0x6;
	s0 =	simm.s32 @p1 $0x0;
	v0 =	vsel vm0, v1, v0  }
0x2b2: {  	s5 =	sor.u32 $0x200, s3;
	s2 =	sshra.s32 @!p0 s2, $0x2;
	s0 =	sor.u32 @!p0 s0, s3;
	[tilespmem:$0x3648] =	vst v0  }
0x2b3: {  	[spmem:s5] =	stream.linear.scatter [tilespmem:s6], [sflag:$0x1], $0x2, $0x38;
	[tilespmem:$0x1F0F8] =	vst v63  }
0x2b4: {  	s2 =	sadd.s32 @!p0 $0x28, s2;
	s0 =	sshll.u32 @!p0 s0, $0x4  }
0x2b5: {  	[spmem:s0] =	stream.linear.scatter @!p0 [tilespmem:s2], [sflag:$0x1], $0x10, $0x38;
	[tilespmem:$0x1F0F8] =	vst v63  }
0x2b6: {  	s0 =	simm.s32 @!p0 $0x12  }
0x2b7: {  	s28 =	simm.s32 $0x1;
	s0 =	simm.s32 @p0 $0x2  }
0x2b8: {  	_ =	swait.ge [sflag:s28], s0  }
0x2b9: {  	s0 =	ssub.s32 $0x0, s0;
	[sflag:s28] =	ssyncset.done $0x0  }
0x2ba: {  	p0 =	sne.s32 s16, $0x0;
	[sflag:s28] =	ssyncadd.s32 s0  }
.Ltmp18:
0x2bb: {  	_ =	sfence.stream.spmem;
	(pc) =	sbr.rel @p0 .LBB2_38-.Ltmp18, $4  }
0x2bc: {  	s29 =	simm.s32 $0x3;
	[bflag:$0x0] =	sbarrier.arrive $0xFFFF  }
0x2bd: {  	s30 =	simm.s32 $0x4;
	[sflag:s29] =	ssyncpa.u1 $0x1  }
0x2be: {  	s31 =	simm.s32 $0x3C;
	[sflag:s30] =	ssyncpa.u1 $0x1  }
0x2bf: {  	s17 =	rddreg [dreg:$0x6];
	[sflag:s31] =	ssyncpa.u1 $0x1  }
0x2c0: {  	_ =	sfence.stream.spmem;
	s0 =	simm.s32 $0x5  }
0x2c1: {  	s2 =	simm.s32 $0x200;
	s3 =	simm.s32 $0x3658;
	[sflag:s0] =	ssyncpa.u1 $0x0  }
0x2c2: {  	[tilespmem:s3], [sflag:$0x5] =	stream.linear.gather [spmem:s2], $0x20, $0x38;
	[tilespmem:$0x1F0F8] =	vst v63  }
0x2c3: {  	s26 =	simm.s32 $0x0;
	s28 =	simm.s32 $0x3678  }
0x2c4: {  	[tilespmem:s28], [sflag:$0x5] =	stream.linear.gather [spmem:s26], $0x200, $0x38;
	[tilespmem:$0x1F0F8] =	vst v63  }
0x2c5: {  	_ =	swait.ge [sflag:s0], $0x220  }
0x2c6: {  	[sflag:s0] =	ssyncset.done $0x0  }
0x2c7: {  	s29 =	simm.s32 $0x0;
	[sflag:s0] =	ssyncadd.s32 $0xFFFFFDE0  }
0x2c8: {  	v0 =	vld.msk [tilespmem:s29+$0x3658], $0x1;
	_ =	sdelay $0x1  }
0x2c9: {  	s30 =	simm.s32 $0x1  }
0x2ca: {  	v1 =	vld.msk [tilespmem:s30+$0x3658], $0x1;
	_ =	sdelay $0x1  }
0x2cb: {  	(v2sf) =	vpush v0, $0x0;
	_ =	sdelay $0x2  }
0x2cc: {  	(v2sf) =	vpush v1, $0x0;
	_ =	sdelay $0x2  }
0x2cd: {  	s31 =	simm.s32 $0x2  }
0x2ce: {  	v0 =	vld.msk [tilespmem:s31+$0x3658], $0x1;
	_ =	sdelay $0x2  }
0x2cf: {  	s6 =	simm.s32 $0xFFFFFFFF;
	s2 =	simm.s32 $0xFFFFFFFF;
	s0 =	simm.s32 $0xC  }
.LBB2_23:
0x2d0: {  	s3 =	smov.u32 s6;
	s4 =	smov.u32 s2  }
0x2d1: {  	s2 =	sshra.s32 s0, $0x2;
	p1 =	sne.s32 s0, $0x7C;
	s0 =	sadd.s32 $0x4, s0;
	(v2sf) =	vpush v0, $0x0  }
0x2d2: {  	v0 =	vld.msk [tilespmem:s2+$0x3658], $0x1  }
.Ltmp19:
0x2d3: {  	(pc) =	sbr.rel @p1 .LBB2_23-.Ltmp19, $4  }
0x2d4: {  	s6 =	spop (v2sf)  }
0x2d5: {  	p2 =	sne.s32 s4, $0xFFFFFFFF;
	s2 =	smov.u32 s6  }
0x2d6: {  	p3 =	seq.s32 s6, $0xFFFFFFFF;
	s2 =	smov.u32 @p2 s4  }
0x2d7: {  	s6 =	smov.u32 @p3 s3;
	s2 =	smov.u32 @p3 s4  }
0x2d8: {  	(v2sf) =	vpush v0, $0x0;
	_ =	sdelay $0x8  }
0x2d9: {  	s0 =	spop (v2sf)  }
0x2da: {  	p1 =	sne.s32 s2, $0xFFFFFFFF;
	s3 =	smov.u32 s0  }
0x2db: {  	s9 =	simm.s32 $0x6;
	p2 =	seq.s32 s0, $0xFFFFFFFF;
	s3 =	smov.u32 @p1 s2  }
0x2dc: {  	s10 =	simm.s32 $0x3638;
	s3 =	smov.u32 @p2 s2;
	s2 =	spop (v2sf)  }
0x2dd: {  	s0 =	smov.u32 @p2 s6;
	p1 =	sne.s32 s3, $0xFFFFFFFF;
	s4 =	smov.u32 s2  }
.Ltmp20:
0x2de: {  	p2 =	seq.s32 s2, $0xFFFFFFFF;
	s4 =	smov.u32 @p1 s3;
	(pc) =	sbr.rel .LBB2_25-.Ltmp20, $4  }
0x2df: {  	s11 =	simm.s32 $0x0;
	s4 =	smov.u32 @p2 s3;
	s7 =	spop (v2sf)  }
0x2e0: {  	[sflag:s9] =	ssyncpa.u1 $0x0;
	p1 =	sne.s32 s4, $0xFFFFFFFF;
	s8 =	smov.u32 s7  }
0x2e1: {  	s2 =	smov.u32 @p2 s0;
	p2 =	seq.s32 s7, $0xFFFFFFFF;
	s8 =	smov.u32 @p1 s4  }
0x2e2: {  	s6 =	simm.s32 $0x0;
	s7 =	smov.u32 @p2 s2;
	s8 =	smov.u32 @p2 s4  }
.LBB2_30:
0x2e3: {  	p1 =	sgt.u32 s12, $0x270FFF  }
0x2e4: {  	p2 =	seq.s32 @!p1 s12, s8  }
0x2e5: {  	p1 =	por p1, p2  }
0x2e6: {  	p2 =	sne.s32 @!p1 s12, s7  }
0x2e7: {  	p1 =	por p1, !p2  }
0x2e8: {  	s0 =	sshll.u32 @p1 s11, $0x6  }
0x2e9: {  	s0 =	sand.u32 @!p1 $0x3FFFF8, s12  }
0x2ea: {  	s2 =	sand.u32 @!p1 $0x7, s12;
	s0 =	sadd.s32 @!p1 s1, s0  }
0x2eb: {  	[tilespmem:s10], [sflag:$0x6] =	stream.linear.gather @!p1 [hbm4b:s0+s2], $0x8, $0x38;
	[tilespmem:$0x1F0F8] =	vst v63  }
0x2ec: {  	_ =	swait.ge @!p1 [sflag:s9], $0x8  }
0x2ed: {  	[sflag:s9] =	ssyncset.done @!p1 $0x0  }
0x2ee: {  	[sflag:s9] =	ssyncadd.s32 @!p1 $0xFFFFFFF8  }
0x2ef: {  	v1 =	vld @!p1 [tilespmem:$0x3638];
	_ =	sdelay $0x2  }
0x2f0: {  	s0 =	sshll.u32 @!p1 s11, $0x6  }
0x2f1: {  	s2 =	sshrl.u32 @!p1 s0, $0x2  }
0x2f2: {  	[tilespmem:s2+$0x3678] =	vst.add.f32.msk @!p1 $0xffff, v1  }
0x2f3: {  	s0 =	sshrl.u32 s0, $0x2;
	[tilespmem:s6+$0x3658] =	vst.msk $0x1, v0  }
0x2f4: {  	v0 =	vld [tilespmem:s0+$0x3678];
	_ =	sdelay $0x2  }
0x2f5: {  	s31 =	sshll.u32 s6, $0x6  }
0x2f6: {  	s0 =	sshra.s32 s31, $0x2  }
0x2f7: {  	s6 =	sadd.s32 $0x1, s6;
	[tilespmem:s0+$0x3678] =	vst v0  }
.LBB2_32:
0x2f8: {  	s11 =	sadd.s32 $0x1, s11  }
0x2f9: {  	p1 =	sne.s32 s11, $0x20  }
.Ltmp21:
0x2fa: {  	_ = 	snop;
	(pc) =	sbr.rel @!p1 .LBB2_33-.Ltmp21, $1  }
0x2fb: {  	_ =	sdelay $0x3  }
.LBB2_25:
0x2fc: {  	v0 =	vld.msk [tilespmem:s11+$0x3658], $0x1;
	_ =	sdelay $0x4  }
0x2fd: {  	(v2sf) =	vpush v0, $0x0;
	_ =	sdelay $0xe  }
0x2fe: {  	s12 =	spop (v2sf)  }
0x2ff: {  	p1 =	seq.s32 s12, $0xFFFFFFFF  }
.Ltmp22:
0x300: {  	_ = 	snop;
	(pc) =	sbr.rel @p1 .LBB2_32-.Ltmp22, $1  }
0x301: {  	_ =	sdelay $0x3  }
0x302: {  	p1 =	slt.s32 s6, $0x1  }
.Ltmp23:
0x303: {  	_ = 	snop;
	(pc) =	sbr.rel @p1 .LBB2_30-.Ltmp23, $1  }
0x304: {  	_ =	sdelay $0x3  }
0x305: {  	s13 =	simm.s32 $0x3658;
	p1 =	por $0x0, $0x0  }
0x306: {  	v1 =	vld.msk @!p1 [tilespmem:s13+$0x0], $0x1;
	_ =	sdelay $0x4  }
0x307: {  	(v2sf) =	vpush @!p1 v1, $0x0;
	_ =	sdelay $0xd  }
0x308: {  	p3 =	sne.s32 s6, $0x1  }
.Ltmp24:
0x309: {  	s0 =	spop @!p1 (v2sf);
	(pc) =	sbr.rel @!p3 .LBB2_29-.Ltmp24, $4  }
0x30a: {  	p2 =	seq.s32 @!p1 s12, s0  }
0x30b: {  	s14 =	simm.s32 $0x0;
	p2 =	por !p2, p1  }
0x30c: {  	s0 =	simm.s32 $0xFFFFFFFF;
	s14 =	simm.s32 @p2 $0xFFFFFFFF  }
0x30d: {  	s15 =	simm.s32 $0x1;
	s14 =	smov.u32 @p1 s0  }
.LBB2_28:
0x30e: {  	s0 =	smov.u32 s14;
	p1 =	sne.s32 s14, $0xFFFFFFFF  }
0x30f: {  	s13 =	sadd.s32 $0x1, s13;
	s14 =	smov.u32 s15;
	s15 =	sadd.s32 $0x1, s15  }
0x310: {  	p2 =	sne.s32 s6, s15;
	v1 =	vld.msk @!p1 [tilespmem:s13+$0x0], $0x1;
	_ =	sdelay $0x4  }
0x311: {  	(v2sf) =	vpush @!p1 v1, $0x0;
	_ =	sdelay $0xe  }
.Ltmp25:
0x312: {  	s2 =	spop @!p1 (v2sf);
	(pc) =	sbr.rel @p2 .LBB2_28-.Ltmp25, $4  }
0x313: {  	p3 =	seq.s32 @!p1 s12, s2  }
0x314: {  	p3 =	por !p3, p1  }
0x315: {  	s14 =	simm.s32 @p3 $0xFFFFFFFF  }
0x316: {  	s14 =	smov.u32 @p1 s0  }
.LBB2_29:
0x317: {  	p1 =	sne.s32 s14, $0xFFFFFFFF  }
.Ltmp26:
0x318: {  	_ = 	snop;
	(pc) =	sbr.rel @!p1 .LBB2_30-.Ltmp26, $1  }
0x319: {  	_ =	sdelay $0x3  }
0x31a: {  	s0 =	sshll.u32 s11, $0x4  }
0x31b: {  	s0 =	sand.u32 $0x3FFFFFF0, s0  }
0x31c: {  	v0 =	vld [tilespmem:s0+$0x3678]  }
.Ltmp27:
0x31d: {  	_ = 	snop;
	(pc) =	sbr.rel .LBB2_32-.Ltmp27, $4  }
0x31e: {  	_ = 	snop  }
0x31f: {  	s31 =	sshll.u32 s14, $0x6  }
0x320: {  	s0 =	sshra.s32 s31, $0x2  }
0x321: {  	[tilespmem:s0+$0x3678] =	vst.add.f32.msk $0xffff, v0  }
.LBB2_33:
0x322: {  	s0 =	simm.s32 $0x6;
	p1 =	seq.s32 s6, $0x0  }
0x323: {  	[sflag:s0] =	ssyncpa.u1 $0x1;
	v0 =	vimm.s32 @p1 $0xFFFFFFFF  }
0x324: {  	s9 =	sadd.s32 $0xFFFFFFFF, s6;
	[tilespmem:$0x3878] =	vst @p1 v0  }
0x325: {  	v0 =	vld.msk @!p1 [tilespmem:s9+$0x3658], $0x1;
	_ =	sdelay $0x1  }
0x326: {  	v1 =	vld.msk @!p1 [tilespmem:$0x3658], $0x1;
	_ =	sdelay $0x2  }
0x327: {  	p2 =	seq.s32 @!p1 s9, $0x0;
	v0 =	vbroadcast @!p1 v0, $0x0  }
0x328: {  	vm0 =	vmmov @!p1 $0x1;
	p2 =	por !p2, p1  }
0x329: {  	v1 =	vnsel @!p1 vm0, $0xFFFFFFFF, v1;
	vm0 =	vcmask @!p1 $0x308;
	v0 =	vpsel !p2, $0xFFFFFFFF, v0  }
0x32a: {  	p2 =	sne.s32 @!p1 s8, s7;
	v0 =	vsel @!p1 vm0, v1, v0  }
0x32b: {  	s0 =	simm.s32 @!p1 $0x3678;
	s2 =	simm.s32 @!p1 $0x0;
	p3 =	por !p2, p1;
	[tilespmem:$0x3878] =	vst @!p1 v0  }
0x32c: {  	[spmem:s2] =	stream.linear.scatter @!p1 [tilespmem:s0], [sflag:$0x1], $0x10, $0x38;
	[tilespmem:$0x1F0F8] =	vst v63  }
0x32d: {  	s0 =	sshll.u32 @!p3 s9, $0x6  }
0x32e: {  	s0 =	sshra.s32 @!p3 s0, $0x2  }
0x32f: {  	s2 =	simm.s32 @!p3 $0x10;
	s0 =	sadd.s32 @!p3 $0x3678, s0  }
0x330: {  	[spmem:s2] =	stream.linear.scatter @!p3 [tilespmem:s0], [sflag:$0x1], $0x10, $0x38;
	[tilespmem:$0x1F0F8] =	vst v63  }
0x331: {  	s0 =	simm.s32 @!p3 $0x1  }
0x332: {  	_ =	swait.ge @!p3 [sflag:s0], $0x20  }
0x333: {  	p1 =	por p2, p1;
	[sflag:s0] =	ssyncset.done @!p3 $0x0  }
0x334: {  	[sflag:s0] =	ssyncadd.s32 @!p3 $0xFFFFFFE0;
	s0 =	simm.s32 @!p1 $0x1  }
0x335: {  	_ =	swait.ge @!p1 [sflag:s0], $0x10  }
0x336: {  	s29 =	simm.s32 $0x3878;
	[sflag:s0] =	ssyncset.done @!p1 $0x0  }
0x337: {  	s30 =	simm.s32 $0x200;
	s31 =	simm.s32 $0x1;
	[sflag:s0] =	ssyncadd.s32 @!p1 $0xFFFFFFF0  }
0x338: {  	[spmem:s30] =	stream.linear.scatter [tilespmem:s29], [sflag:$0x1], $0x10, $0x38;
	[tilespmem:$0x1F0F8] =	vst v63  }
0x339: {  	_ =	swait.ge [sflag:s31], $0x10  }
0x33a: {  	[sflag:s31] =	ssyncset.done $0x0  }
0x33b: {  	p1 =	seq.s32 s17, $0x0;
	s8 =	rddreg [dreg:$0x2];
	[sflag:s31] =	ssyncadd.s32 $0xFFFFFFF0  }
0x33c: {  	s2 =	sshll.u32 @p1 s8, $0xE;
	s7 =	rddreg [dreg:$0x3]  }
0x33d: {  	s0 =	sadd.s32 @p1 $0x15C3C, s2;
	s2 =	sshll.u32 @p1 s7, $0x11  }
0x33e: {  	_ =	sfence.stream.spmem;
	s0 =	sor.u32 @p1 s2, s0  }
0x33f: {  	[sflag:s0] =	ssyncadd.remote.s32 @p1 $0x1;
	s0 =	simm.s32 @p1 $0x4  }
0x340: {  	s3 =	simm.s32 @!p1 $0x3C;
	s2 =	sand.u32 $0xFFFFFFFE, s8;
	_ =	swait.ge @p1 [sflag:s0], $0x6  }
0x341: {  	s4 =	simm.s32 @!p1 $0x0;
	s2 =	sadd.s32 @!p1 $0x4, s2;
	[sflag:s0] =	ssyncset.done @p1 $0x0  }
0x342: {  	s5 =	simm.s32 @!p1 $0x20;
	[sflag:s0] =	ssyncadd.s32 @p1 $0xFFFFFFFA;
	s0 =	sshll.u32 @!p1 s2, $0x1A  }
0x343: {  	s2 =	sshll.u32 @!p1 s2, $0xD;
	s0 =	sor.u32 @!p1 s0, s7;
	_ =	swait.eq @!p1 [sflag:s3], $0x1  }
0x344: {  	s2 =	sor.u32 @!p1 $0x1C04, s2;
	s3 =	simm.s32 @!p1 $0x1C03;
	s0 =	sor.u32 @!p1 $0x80004000, s0  }
0x345: {  	[spmem:s5], [sflag:s2] =	dma.general @!p1 [spmem:s4], [sflag:s3], length:$0x4, [dreg:$0x0], stride_count:$0x0, ici_dest:s0, dma_misc:DstOpCode:WRITE  }
0x346: {  	p2 =	slt.s32 s9, $0x2;
	s4 =	simm.s32 @!p1 $0x40;
	s5 =	simm.s32 @!p1 $0x42  }
0x347: {  	[spmem:s5], [sflag:s2] =	dma.general @!p1 [spmem:s4], [sflag:s3], length:$0x2, [dreg:$0x0], stride_count:$0x0, ici_dest:s0, dma_misc:DstOpCode:WRITE  }
.Ltmp28:
0x348: {  	s0 =	simm.s32 @!p1 $0x3;
	(pc) =	sbr.rel @p2 .LBB2_37-.Ltmp28, $4  }
0x349: {  	s2 =	sshll.u32 @!p1 s8, $0xE;
	_ =	swait.ge @!p1 [sflag:s0], $0x6  }
0x34a: {  	s3 =	sshll.u32 @!p1 s7, $0x11;
	s2 =	sadd.s32 @!p1 $0x11C3C, s2;
	[sflag:s0] =	ssyncset.done @!p1 $0x0  }
0x34b: {  	[sflag:s0] =	ssyncadd.s32 @!p1 $0xFFFFFFFA;
	s0 =	sor.u32 @!p1 s3, s2  }
0x34c: {  	[sflag:s0] =	ssyncadd.remote.s32 @!p1 $0xFFFFFFFF;
	s0 =	simm.s32 $0x0  }
0x34d: {  	s0 =	simm.s32 $0x3659  }
0x34e: {  	v0 =	vld.msk [tilespmem:s0+$0x0], $0x1;
	_ =	sdelay $0x4  }
0x34f: {  	(v2sf) =	vpush v0, $0x0;
	_ =	sdelay $0xd  }
0x350: {  	s3 =	sadd.s32 $0xFFFFFFFE, s6  }
0x351: {  	s3 =	sadd.s32 $0xFFFFFFFF, s3;
	s0 =	spop (v2sf)  }
0x352: {  	p2 =	sne.s32 s3, $0x0;
	p1 =	sgt.u32 s0, $0x270FFF  }
.Ltmp29:
0x353: {  	s4 =	sand.u32 @!p1 $0x3FFFF8, s0;
	(pc) =	sbr.rel @!p2 .LBB2_36-.Ltmp29, $4  }
0x354: {  	s2 =	simm.s32 $0x3688;
	s0 =	sand.u32 @!p1 $0x7, s0;
	s4 =	sadd.s32 @!p1 s1, s4  }
0x355: {  	[hbm4b:s4+s0] =	stream.linear.scatter @!p1 [tilespmem:s2], [sflag:$0x5], $0x8, $0x38;
	[tilespmem:$0x1F0F8] =	vst v63  }
0x356: {  	s0 =	simm.s32 $0x0  }
0x357: {  	s6 =	simm.s32 $0x0;
	s7 =	simm.s32 $0x365A;
	s0 =	simm.s32 @!p1 $0x20  }
.LBB2_35:
0x358: {  	v0 =	vld.msk [tilespmem:s7+$0x0], $0x1;
	s3 =	sadd.s32 $0xFFFFFFFF, s3;
	s6 =	sadd.s32 s6, s0  }
0x359: {  	p1 =	sne.s32 s3, $0x0;
	_ =	sdelay $0x3  }
0x35a: {  	(v2sf) =	vpush v0, $0x0;
	_ =	sdelay $0xe  }
.Ltmp30:
0x35b: {  	s4 =	spop (v2sf);
	(pc) =	sbr.rel @p1 .LBB2_35-.Ltmp30, $4  }
0x35c: {  	s0 =	simm.s32 $0x0;
	p2 =	sgt.u32 s4, $0x270FFF  }
0x35d: {  	s2 =	sadd.s32 $0x10, s2;
	s0 =	simm.s32 @!p2 $0x20;
	s5 =	sand.u32 @!p2 $0x3FFFF8, s4  }
0x35e: {  	s7 =	sadd.s32 $0x1, s7;
	s4 =	sand.u32 @!p2 $0x7, s4;
	s5 =	sadd.s32 @!p2 s1, s5  }
0x35f: {  	[hbm4b:s5+s4] =	stream.linear.scatter @!p2 [tilespmem:s2], [sflag:$0x5], $0x8, $0x38;
	[tilespmem:$0x1F0F8] =	vst v63  }
.LBB2_36:
0x360: {  	s0 =	sadd.s32 s6, s0  }
0x361: {  	s0 =	sshrl.u32 s0, $0x2  }
.LBB2_37:
0x362: {  	s2 =	simm.s32 $0x5  }
0x363: {  	_ =	swait.ge [sflag:s2], s0  }
0x364: {  	s31 =	ssub.s32 $0x0, s0;
	[sflag:s2] =	ssyncset.done $0x0  }
0x365: {  	[sflag:s2] =	ssyncadd.s32 s31  }
0x366: {  	[sflag:s2] =	ssyncpa.u1 $0x1  }
.LBB2_38:
0x367: {  	s0 =	sor.u32 s17, s16  }
0x368: {  	p1 =	sne.s32 s0, $0x0  }
.Ltmp31:
0x369: {  	_ = 	snop;
	(pc) =	sbr.rel @p1 .LBB2_53-.Ltmp31, $3  }
0x36a: {  	_ =	sdelay $0x1  }
0x36b: {  	[bflag:$0x0] =	sbarrier.arrive $0xFFFF  }
0x36c: {  	_ =	sfence  }
0x36d: {  	s0 =	simm.s32 $0x7  }
0x36e: {  	s2 =	simm.s32 $0x200;
	s3 =	simm.s32 $0x3658;
	[sflag:s0] =	ssyncpa.u1 $0x0  }
0x36f: {  	[tilespmem:s3], [sflag:$0x7] =	stream.linear.gather [spmem:s2], $0x20, $0x38;
	[tilespmem:$0x1F0F8] =	vst v63  }
0x370: {  	s30 =	simm.s32 $0x3678;
	s2 =	simm.s32 $0x0  }
0x371: {  	[tilespmem:s30], [sflag:$0x7] =	stream.linear.gather [spmem:s2], $0x200, $0x38;
	[tilespmem:$0x1F0F8] =	vst v63  }
.Ltmp32:
0x372: {  	_ = 	snop;
	(pc) =	sbr.rel .LBB2_40-.Ltmp32, $4  }
0x373: {  	_ =	swait.ge [sflag:s0], $0x220  }
0x374: {  	[sflag:s0] =	ssyncset.done $0x0  }
0x375: {  	s31 =	simm.s32 $0x8;
	[sflag:s0] =	ssyncadd.s32 $0xFFFFFDE0  }
0x376: {  	s3 =	simm.s32 $0x0;
	[sflag:s31] =	ssyncpa.u1 $0x0  }
.LBB2_45:
0x377: {  	p1 =	slt.u32 s4, $0x271000  }
0x378: {  	s0 =	sand.u32 @p1 $0x3FFFF8, s4  }
0x379: {  	s4 =	sand.u32 @p1 $0x7, s4;
	s5 =	simm.s32 @p1 $0x3638;
	s0 =	sadd.s32 @p1 s1, s0  }
0x37a: {  	[tilespmem:s5], [sflag:$0x8] =	stream.linear.gather @p1 [hbm4b:s0+s4], $0x8, $0x38;
	[tilespmem:$0x1F0F8] =	vst v63  }
0x37b: {  	s0 =	simm.s32 @p1 $0x8  }
0x37c: {  	_ =	swait.ge @p1 [sflag:s0], $0x8  }
0x37d: {  	[sflag:s0] =	ssyncset.done @p1 $0x0  }
0x37e: {  	[sflag:s0] =	ssyncadd.s32 @p1 $0xFFFFFFF8  }
0x37f: {  	v1 =	vld @p1 [tilespmem:$0x3638];
	_ =	sdelay $0x2  }
0x380: {  	s0 =	sshll.u32 @p1 s3, $0x6  }
0x381: {  	s5 =	sshll.u32 @!p1 s3, $0x6;
	s4 =	sshrl.u32 @p1 s0, $0x2  }
0x382: {  	s5 =	smov.u32 @p1 s0;
	[tilespmem:s4+$0x3678] =	vst.add.f32.msk @p1 $0xffff, v1  }
0x383: {  	s0 =	sshrl.u32 s5, $0x2;
	[tilespmem:s2+$0x3658] =	vst.msk $0x1, v0  }
0x384: {  	v0 =	vld [tilespmem:s0+$0x3678];
	_ =	sdelay $0x2  }
0x385: {  	s31 =	sshll.u32 s2, $0x6  }
0x386: {  	s0 =	sshra.s32 s31, $0x2  }
0x387: {  	s2 =	sadd.s32 $0x1, s2;
	[tilespmem:s0+$0x3678] =	vst v0  }
.LBB2_47:
0x388: {  	s3 =	sadd.s32 $0x1, s3  }
0x389: {  	p1 =	sne.s32 s3, $0x20  }
.Ltmp33:
0x38a: {  	_ = 	snop;
	(pc) =	sbr.rel @!p1 .LBB2_48-.Ltmp33, $1  }
0x38b: {  	_ =	sdelay $0x3  }
.LBB2_40:
0x38c: {  	v0 =	vld.msk [tilespmem:s3+$0x3658], $0x1;
	_ =	sdelay $0x4  }
0x38d: {  	(v2sf) =	vpush v0, $0x0;
	_ =	sdelay $0xe  }
0x38e: {  	s4 =	spop (v2sf)  }
0x38f: {  	p1 =	seq.s32 s4, $0xFFFFFFFF  }
.Ltmp34:
0x390: {  	_ = 	snop;
	(pc) =	sbr.rel @p1 .LBB2_47-.Ltmp34, $1  }
0x391: {  	_ =	sdelay $0x3  }
0x392: {  	p1 =	slt.s32 s2, $0x1  }
.Ltmp35:
0x393: {  	_ = 	snop;
	(pc) =	sbr.rel @p1 .LBB2_45-.Ltmp35, $1  }
0x394: {  	_ =	sdelay $0x3  }
0x395: {  	s5 =	simm.s32 $0x3658;
	p1 =	por $0x0, $0x0  }
0x396: {  	v1 =	vld.msk @!p1 [tilespmem:s5+$0x0], $0x1;
	_ =	sdelay $0x4  }
0x397: {  	(v2sf) =	vpush @!p1 v1, $0x0;
	_ =	sdelay $0xd  }
0x398: {  	p3 =	sne.s32 s2, $0x1  }
.Ltmp36:
0x399: {  	s0 =	spop @!p1 (v2sf);
	(pc) =	sbr.rel @!p3 .LBB2_44-.Ltmp36, $4  }
0x39a: {  	p2 =	seq.s32 @!p1 s4, s0  }
0x39b: {  	s6 =	simm.s32 $0x0;
	p2 =	por !p2, p1  }
0x39c: {  	s0 =	simm.s32 $0xFFFFFFFF;
	s6 =	simm.s32 @p2 $0xFFFFFFFF  }
0x39d: {  	s7 =	simm.s32 $0x1;
	s6 =	smov.u32 @p1 s0  }
.LBB2_43:
0x39e: {  	s0 =	smov.u32 s6;
	p1 =	sne.s32 s6, $0xFFFFFFFF  }
0x39f: {  	s5 =	sadd.s32 $0x1, s5;
	s6 =	smov.u32 s7;
	s7 =	sadd.s32 $0x1, s7  }
0x3a0: {  	p2 =	sne.s32 s2, s7;
	v1 =	vld.msk @!p1 [tilespmem:s5+$0x0], $0x1;
	_ =	sdelay $0x4  }
0x3a1: {  	(v2sf) =	vpush @!p1 v1, $0x0;
	_ =	sdelay $0xe  }
.Ltmp37:
0x3a2: {  	s8 =	spop @!p1 (v2sf);
	(pc) =	sbr.rel @p2 .LBB2_43-.Ltmp37, $4  }
0x3a3: {  	p3 =	seq.s32 @!p1 s4, s8  }
0x3a4: {  	p3 =	por !p3, p1  }
0x3a5: {  	s6 =	simm.s32 @p3 $0xFFFFFFFF  }
0x3a6: {  	s6 =	smov.u32 @p1 s0  }
.LBB2_44:
0x3a7: {  	p1 =	sne.s32 s6, $0xFFFFFFFF  }
.Ltmp38:
0x3a8: {  	_ = 	snop;
	(pc) =	sbr.rel @!p1 .LBB2_45-.Ltmp38, $1  }
0x3a9: {  	_ =	sdelay $0x3  }
0x3aa: {  	s0 =	sshll.u32 s3, $0x4  }
0x3ab: {  	s0 =	sand.u32 $0x3FFFFFF0, s0  }
0x3ac: {  	v0 =	vld [tilespmem:s0+$0x3678]  }
.Ltmp39:
0x3ad: {  	_ = 	snop;
	(pc) =	sbr.rel .LBB2_47-.Ltmp39, $4  }
0x3ae: {  	_ = 	snop  }
0x3af: {  	s31 =	sshll.u32 s6, $0x6  }
0x3b0: {  	s0 =	sshra.s32 s31, $0x2  }
0x3b1: {  	[tilespmem:s0+$0x3678] =	vst.add.f32.msk $0xffff, v0  }
.LBB2_48:
0x3b2: {  	p1 =	slt.s32 s2, $0x1  }
.Ltmp40:
0x3b3: {  	_ = 	snop;
	(pc) =	sbr.rel @p1 .LBB2_52-.Ltmp40, $3  }
0x3b4: {  	_ =	sdelay $0x1  }
0x3b5: {  	s0 =	simm.s32 $0x8  }
0x3b6: {  	s3 =	simm.s32 $0x0;
	[sflag:s0] =	ssyncpa.u1 $0x1  }
0x3b7: {  	s0 =	simm.s32 $0x3658  }
0x3b8: {  	v0 =	vld.msk [tilespmem:s0+$0x0], $0x1;
	_ =	sdelay $0x4  }
0x3b9: {  	(v2sf) =	vpush v0, $0x0;
	_ =	sdelay $0xe  }
0x3ba: {  	s2 =	sadd.s32 $0xFFFFFFFF, s2;
	s0 =	spop (v2sf)  }
0x3bb: {  	p2 =	sne.s32 s2, $0x0;
	p1 =	sgt.u32 s0, $0x270FFF  }
.Ltmp41:
0x3bc: {  	s5 =	sand.u32 @!p1 $0x3FFFF8, s0;
	(pc) =	sbr.rel @!p2 .LBB2_51-.Ltmp41, $4  }
0x3bd: {  	s4 =	simm.s32 $0x3678;
	s0 =	sand.u32 @!p1 $0x7, s0;
	s5 =	sadd.s32 @!p1 s1, s5  }
0x3be: {  	[hbm4b:s5+s0] =	stream.linear.scatter @!p1 [tilespmem:s4], [sflag:$0x7], $0x8, $0x38;
	[tilespmem:$0x1F0F8] =	vst v63  }
0x3bf: {  	s0 =	simm.s32 $0x0  }
0x3c0: {  	s5 =	simm.s32 $0x3659;
	s0 =	simm.s32 @!p1 $0x20  }
.LBB2_50:
0x3c1: {  	v0 =	vld.msk [tilespmem:s5+$0x0], $0x1;
	s2 =	sadd.s32 $0xFFFFFFFF, s2;
	s3 =	sadd.s32 s3, s0  }
0x3c2: {  	p1 =	sne.s32 s2, $0x0;
	_ =	sdelay $0x3  }
0x3c3: {  	(v2sf) =	vpush v0, $0x0;
	_ =	sdelay $0xe  }
.Ltmp42:
0x3c4: {  	s6 =	spop (v2sf);
	(pc) =	sbr.rel @p1 .LBB2_50-.Ltmp42, $4  }
0x3c5: {  	s0 =	simm.s32 $0x0;
	p2 =	sgt.u32 s6, $0x270FFF  }
0x3c6: {  	s4 =	sadd.s32 $0x10, s4;
	s0 =	simm.s32 @!p2 $0x20;
	s7 =	sand.u32 @!p2 $0x3FFFF8, s6  }
0x3c7: {  	s5 =	sadd.s32 $0x1, s5;
	s6 =	sand.u32 @!p2 $0x7, s6;
	s7 =	sadd.s32 @!p2 s1, s7  }
0x3c8: {  	[hbm4b:s7+s6] =	stream.linear.scatter @!p2 [tilespmem:s4], [sflag:$0x7], $0x8, $0x38;
	[tilespmem:$0x1F0F8] =	vst v63  }
.LBB2_51:
0x3c9: {  	s0 =	sadd.s32 s3, s0  }
0x3ca: {  	s3 =	sshrl.u32 s0, $0x2  }
.LBB2_52:
0x3cb: {  	s0 =	simm.s32 $0x7  }
0x3cc: {  	_ =	swait.ge [sflag:s0], s3  }
0x3cd: {  	s1 =	ssub.s32 $0x0, s3;
	[sflag:s0] =	ssyncset.done $0x0  }
0x3ce: {  	[sflag:s0] =	ssyncadd.s32 s1  }
0x3cf: {  	[sflag:s0] =	ssyncpa.u1 $0x1  }
.LBB2_53:
0x3d0: {  	_ =	sfence;
	s0 =	simm.s32 $0x1  }
0x3d1: {  	[sflag:s0] =	ssyncpa.u1 $0x1  }
0x3d2: {  	_ =	strace $0x9000004D  }
0x3d3: {  	[bflag:$0x2] =	sbarrier.arrive $0xFFFF  }
0x3d4: {  	s0 =	rddreg [dreg:$0x4]  }
0x3d5: {  	s0 =	sadd.s32 @!p0 $0x100000, s0  }
0x3d6: {  	[sflag:s0] =	ssyncadd.tile.s32 @!p0 $0x1;
	_ =	shalt  }
.Lfunc_end2:
_tile_overlayer_lowered:
.L_overlay_start_2:
0x3d7: {  	(tag) =	ssettag $0x2  }
0x3d8: {  	s0 =	rddreg [dreg:$0x0];
	s2 =	stileid.u32  }
0x3d9: {  	s1 =	rddreg [dreg:$0x1];
	p0 =	sne.s32 s2, $0x0  }
0x3da: {  	s3 =	rddreg [dreg:$0x2];
	[bflag:$0x3] =	sbarrier.arrive $0xFFFF;
	s2 =	simm.s32 @!p0 $0x1C01  }
0x3db: {  	[timem:s3], [sflag:s2] =	dma.local @!p0 [hbm:s0], s1  }
0x3dc: {  	s0 =	simm.s32 @!p0 $0x1  }
0x3dd: {  	_ =	swait.ge @!p0 [sflag:s0], s1  }
0x3de: {  	s1 =	ssub.s32 @!p0 $0x0, s1;
	[sflag:s0] =	ssyncset.done @!p0 $0x0  }
0x3df: {  	[sflag:s0] =	ssyncadd.s32 @!p0 s1  }
0x3e0: {  	[bflag:$0x3] =	sbarrier.arrive $0xFFFF  }
0x3e1: {  	_ =	shalt  }

</sc_bundles>
